<compile_context>
chip_gen: v7x
topology: tpu7x:2x2x1
jax: 0.10.2.dev20260603
libtpu: 0.0.44.dev20260713+nightly
codegen_flags: <defaults>
</compile_context>

<pallas_src>
import jax
import jax.numpy as jnp
from jax import lax
from jax.experimental import pallas as pl
from jax.experimental.pallas import tpu as pltpu
from jax.experimental.pallas import tpu_sc as plsc

B = 8
N = 4096
L = 16
R_SC = 256
NCHUNK = 4
ROWS = R_SC // NCHUNK
IB = 8
NJ = N // L
TR = 256
NTC = N - R_SC


def _round_bf16(v):
    r = lax.bitcast_convert_type(v, jnp.uint32)
    r = r + jnp.uint32(0x7FFF) + (lax.shift_right_logical(r, jnp.uint32(16))
                                  & jnp.uint32(1))
    r = r & jnp.uint32(0xFFFF0000)
    return lax.bitcast_convert_type(r, jnp.float32)


def _vsqrt(d):
    d = jnp.maximum(d, jnp.float32(1e-30))
    i = lax.bitcast_convert_type(d, jnp.int32)
    i = jnp.int32(0x5F3759DF) - lax.shift_right_arithmetic(i, jnp.int32(1))
    y = lax.bitcast_convert_type(i, jnp.float32)
    for _ in range(3):
        y = y * (jnp.float32(1.5) - jnp.float32(0.5) * d * y * y)
    return d * y



def _sc_body(x1_hbm, x2_hbm, out1_hbm, out2_hbm,
             x1v, x2v, asqv, bsqv, d2v, d1v, cmb, s1v, shared):
    c = lax.axis_index("c")
    s = lax.axis_index("s")
    batch = c * NCHUNK + s // NCHUNK
    chunk = s % NCHUNK

    pltpu.sync_copy(x2_hbm.at[batch], x2v)
    pltpu.sync_copy(x1_hbm.at[batch], x1v)
    coff = chunk * ROWS

    inf16 = jnp.full((L,), jnp.inf, jnp.float32)

    def init_b(j, _):
        sl = pl.ds(j * L, L)
        bsqv[sl] = x2v[3, sl] + x2v[4, sl]
        d2v[sl] = inf16
        return 0
    lax.fori_loop(0, NJ, init_b, 0)

    def init_a(i, _):
        sl = pl.ds(coff + i * L, L)
        fx = x1v[3, sl]; fy = x1v[4, sl]; fz = x1v[5, sl]
        asqv[pl.ds(i * L, L)] = (fx * fx + fy * fy) + fz * fz
        return 0
    lax.fori_loop(0, ROWS // L, init_a, 0)

    lane = lax.broadcasted_iota(jnp.int32, (L,), 0)

    def outer(ib, _):
        base = ib * L
        cx = x1v[0, pl.ds(coff + base, L)]
        cy = x1v[1, pl.ds(coff + base, L)]
        cz = x1v[2, pl.ds(coff + base, L)]
        cq = asqv[pl.ds(base, L)]
        row_mins = []
        for k0 in (0, IB):
            sx = [cx[k0 + k] for k in range(IB)]
            sy = [cy[k0 + k] for k in range(IB)]
            sz = [cz[k0 + k] for k in range(IB)]
            sq_ = [cq[k0 + k] for k in range(IB)]

            def inner(j, mins):
                sl = pl.ds(j * L, L)
                bx = x2v[0, sl]
                by = x2v[1, sl]
                bz = x2v[2, sl]
                bq = bsqv[sl]
                ds_ = []
                new_mins = []
                for k in range(IB):
                    pr = sx[k] * bx + sy[k] * by + sz[k] * bz
                    dd = (sq_[k] + bq) + pr
                    ds_.append(dd)
                    new_mins.append(jnp.minimum(mins[k], dd))
                t = ds_
                while len(t) > 1:
                    t = [jnp.minimum(t[2 * a], t[2 * a + 1])
                         for a in range(len(t) // 2)]
                d2v[sl] = jnp.minimum(d2v[sl], t[0])
                return tuple(new_mins)

            mins = lax.fori_loop(0, NJ, inner, (inf16,) * IB)
            row_mins.extend(jnp.min(m) for m in mins)
        vec = jnp.zeros((L,), jnp.float32)
        for k in range(L):
            vec = jnp.where(lane == k, row_mins[k], vec)
        d1v[pl.ds(base, L)] = vec
        return 0

    lax.fori_loop(0, ROWS // L, outer, 0)

    def sum1(j, acc):
        return acc + _vsqrt(d1v[pl.ds(j * L, L)])
    s1v[...] = lax.fori_loop(0, ROWS // L, sum1, jnp.zeros((L,), jnp.float32))
    pltpu.sync_copy(s1v, out1_hbm.at[c * 16 + s])

    pltpu.sync_copy(d2v, shared.at[s])
    plsc.subcore_barrier()

    @pl.when(chunk == 0)
    def _leader():
        for k in range(NCHUNK):
            pltpu.sync_copy(shared.at[s + k], cmb.at[k])

        def comb(j, _):
            sl = pl.ds(j * L, L)
            d2v[sl] = jnp.minimum(jnp.minimum(cmb[0, sl], cmb[1, sl]),
                                  jnp.minimum(cmb[2, sl], cmb[3, sl]))
            return 0
        lax.fori_loop(0, NJ, comb, 0)
        pltpu.sync_copy(d2v, out2_hbm.at[batch])


def _chamfer_sc(x1all, x2all):
    mesh = plsc.VectorSubcoreMesh(core_axis_name="c", subcore_axis_name="s",
                                  num_cores=2, num_subcores=16)
    run = pl.kernel(
        _sc_body,
        mesh=mesh,
        compiler_params=pltpu.CompilerParams(needs_layout_passes=False),
        out_type=(
            jax.ShapeDtypeStruct((2 * 16, L), jnp.float32),
            jax.ShapeDtypeStruct((B, N), jnp.float32),
        ),
        scratch_types=[
            pltpu.VMEM((6, R_SC), jnp.float32),
            pltpu.VMEM((5, N), jnp.float32),
            pltpu.VMEM((ROWS,), jnp.float32),
            pltpu.VMEM((N,), jnp.float32),
            pltpu.VMEM((N,), jnp.float32),
            pltpu.VMEM((ROWS,), jnp.float32),
            pltpu.VMEM((NCHUNK, N), jnp.float32),
            pltpu.VMEM((L,), jnp.float32),
            pltpu.VMEM_SHARED((16, N), jnp.float32),
        ],
    )
    return run(x1all, x2all)


def _pack_sc(xyz, scale):
    full = jnp.transpose(xyz, (0, 2, 1))
    rnd = _round_bf16(full) * jnp.float32(scale)
    return jnp.concatenate([rnd, full], axis=1)



def _tc_body(a_ref, b_ref, out1_ref, out2_ref):
    d2 = jnp.full((N,), jnp.inf, jnp.float32)
    d1sums = jnp.zeros((128,), jnp.float32)
    for r in range(NTC // TR):
        a = a_ref[0, r * TR:(r + 1) * TR, :]
        sq = jax.lax.dot_general(
            a, b_ref[0], (((1,), (0,)), ((), ())),
            preferred_element_type=jnp.float32)
        d1 = jnp.sqrt(jnp.maximum(jnp.min(sq, axis=1), 0.0))
        d1sums = d1sums + jnp.sum(d1.reshape(TR // 128, 128), axis=0)
        d2 = jnp.minimum(d2, jnp.min(sq, axis=0))
    out1_ref[0, 0, :] = d1sums
    out2_ref[0, 0, :] = d2


def _chamfer_tc(a, b):
    return pl.pallas_call(
        _tc_body,
        grid=(B,),
        in_specs=[
            pl.BlockSpec((1, NTC, 8), lambda i: (i, 0, 0)),
            pl.BlockSpec((1, 8, N), lambda i: (i, 0, 0)),
        ],
        out_specs=[
            pl.BlockSpec((1, 1, 128), lambda i: (i, 0, 0)),
            pl.BlockSpec((1, 1, N), lambda i: (i, 0, 0)),
        ],
        out_shape=[
            jax.ShapeDtypeStruct((B, 1, 128), jnp.float32),
            jax.ShapeDtypeStruct((B, 1, N), jnp.float32),
        ],
    )(a, b)


def _merge_body(sc_ref, tc_ref, out_ref):
    w = jnp.minimum(sc_ref[...], tc_ref[...])
    d2 = jnp.sqrt(jnp.maximum(w, 0.0))
    out_ref[...] = jnp.sum(d2.reshape(B, N // 128, 128), axis=1)


def _merge_d2(d2_sc, d2_tc):
    return pl.pallas_call(
        _merge_body,
        out_shape=jax.ShapeDtypeStruct((B, 128), jnp.float32),
    )(d2_sc, d2_tc)


def _aug1(xyz):
    r = _round_bf16(xyz) * jnp.float32(-2.0)
    x, y, z = xyz[..., 0], xyz[..., 1], xyz[..., 2]
    asq = (x * x + y * y) + z * z
    hi = _round_bf16(asq)
    lo = _round_bf16(asq - hi)
    one = jnp.ones_like(asq)
    zero = jnp.zeros_like(asq)
    return jnp.concatenate(
        [r] + [v[..., None] for v in (hi, lo, one, one, zero)],
        axis=2).astype(jnp.bfloat16)


def _aug2(xyz):
    r = _round_bf16(xyz)
    x, y, z = xyz[..., 0], xyz[..., 1], xyz[..., 2]
    bsq = (x * x + y * y) + z * z
    hi = _round_bf16(bsq)
    lo = _round_bf16(bsq - hi)
    one = jnp.ones_like(bsq)
    zero = jnp.zeros_like(bsq)
    rx, ry, rz = r[..., 0], r[..., 1], r[..., 2]
    b_aug = jnp.stack([rx, ry, rz, one, one, hi, lo, zero],
                      axis=1).astype(jnp.bfloat16)
    b_sc = jnp.stack([rx, ry, rz, hi, lo], axis=1)
    return b_aug, b_sc


def kernel(xyz1, xyz2):
    inv = jnp.float32(1.0 / (B * N))
    b_aug, b_sc = _aug2(xyz2)
    if R_SC:
        s1, d2_sc = _chamfer_sc(_pack_sc(xyz1[:, :R_SC], -2.0), b_sc)
        t1, d2_tc = _chamfer_tc(_aug1(xyz1[:, R_SC:]), b_aug)
        m2 = _merge_d2(d2_sc, d2_tc.reshape(B, N))
        return (s1.sum() + t1.sum() + m2.sum()) * inv
    t1, d2_tc = _chamfer_tc(_aug1(xyz1), b_aug)
    m2 = _merge_d2(jnp.full((B, N), jnp.inf, jnp.float32),
                   d2_tc.reshape(B, N))
    return (t1.sum() + m2.sum()) * inv

# --- scband reference (transcript-rebuilt; emitter-appended) ---
"""Pipeline reference for scband-chamfer-distance-sqrt-39530878992590 (READ-ONLY COPY).

The authoritative reference and input builder live on the scoring server;
editing this copy changes nothing except your own understanding.
"""

import jax, jax.numpy as jnp
import numpy as np


def setup_inputs(seed: int = 0) -> dict:
    key = jax.random.key(seed)
    k1, k2 = jax.random.split(key)
    xyz1 = jax.random.uniform(k1, (8, 4096, 3), dtype=jnp.float32)
    xyz2 = jax.random.uniform(k2, (8, 4096, 3), dtype=jnp.float32)
    return {"xyz1": xyz1, "xyz2": xyz2}


def _pairwise_sqdist(x1, x2):
    # ||a-b||^2 = ||a||^2 + ||b||^2 - 2 a.b  (avoids materializing [B,N,M,3])
    x1sq = jnp.sum(x1 * x1, axis=-1)                      # [B, N]
    x2sq = jnp.sum(x2 * x2, axis=-1)                      # [B, M]
    inner = jnp.einsum('bnd,bmd->bnm', x1, x2)            # [B, N, M]
    sq = x1sq[:, :, None] + x2sq[:, None, :] - 2.0 * inner
    return jnp.maximum(sq, 0.0)


def reference(xyz1, xyz2):
    # ChamferFunction: squared nearest-neighbor distances in both directions
    sq = _pairwise_sqdist(xyz1, xyz2)                     # [B, N, M]
    dist1 = jnp.min(sq, axis=2)                           # [B, N] min over xyz2
    dist2 = jnp.min(sq, axis=1)                           # [B, M] min over xyz1
    # ChamferDistanceSqrt: sqrt then mean (return_raw=False path)
    d1 = jnp.sqrt(dist1)
    d2 = jnp.sqrt(dist2)
    return jnp.mean(d1) + jnp.mean(d2)

if __name__ == "__main__":
    import jax
    _d = setup_inputs()
    print(jax.jit(kernel)(*tuple(_d.values())))

</pallas_src>

<mosaic_0001>
#map = affine_map<(d0, d1) -> (0, 0, 0)>
#map1 = affine_map<(d0, d1) -> (0, 0)>
module attributes {stable_mosaic.version = 14 : i64} {
  func.func @_sc_body(%arg0: i32, %arg1: i32, %arg2: memref<8x6x256xf32, #tpu.memory_space<hbm>>, %arg3: memref<8x5x4096xf32, #tpu.memory_space<hbm>>, %arg4: memref<32x16xf32, #tpu.memory_space<hbm>>, %arg5: memref<8x4096xf32, #tpu.memory_space<hbm>>, %arg6: memref<6x256xf32, #tpu.memory_space<vmem>>, %arg7: memref<5x4096xf32, #tpu.memory_space<vmem>>, %arg8: memref<64xf32, #tpu.memory_space<vmem>>, %arg9: memref<4096xf32, #tpu.memory_space<vmem>>, %arg10: memref<4096xf32, #tpu.memory_space<vmem>>, %arg11: memref<64xf32, #tpu.memory_space<vmem>>, %arg12: memref<4x4096xf32, #tpu.memory_space<vmem>>, %arg13: memref<16xf32, #tpu.memory_space<vmem>>, %arg14: memref<16x4096xf32, #tpu.memory_space<vmem_shared>>) attributes {dimension_semantics = [#tpu.dimension_semantics<core_parallel>, #tpu.dimension_semantics<subcore_parallel>], iteration_bounds = array<i64: 2, 16>, scalar_prefetch = 0 : i64, scratch_operands = 9 : i64, tpu.core_type = #tpu.core_type<sc_vector_subcore>, window_params = [{transform_indices = #map}, {transform_indices = #map}, {transform_indices = #map1}, {transform_indices = #map1}]} {
    %mul3A = arith.constant 4 : i32
    %mul3A_0 = arith.muli %arg0, %mul3A : i32
    %jit3A = arith.constant 4 : i32
    %div3A = arith.divsi %arg1, %jit3A : i32
    %sign3A = arith.constant 0 : i32
    %sign3A_1 = arith.cmpi sgt, %arg1, %sign3A : i32
    %sign3A_2 = arith.extui %sign3A_1 : i1 to i32
    %sign3A_3 = arith.constant 0 : i32
    %sign3A_4 = arith.cmpi slt, %arg1, %sign3A_3 : i32
    %sign3A_5 = arith.extui %sign3A_4 : i1 to i32
    %sign3A_6 = arith.subi %sign3A_2, %sign3A_5 : i32
    %sign3A_7 = arith.constant 0 : i32
    %sign3A_8 = arith.cmpi sgt, %jit3A, %sign3A_7 : i32
    %sign3A_9 = arith.extui %sign3A_8 : i1 to i32
    %sign3A_10 = arith.constant 0 : i32
    %sign3A_11 = arith.cmpi slt, %jit3A, %sign3A_10 : i32
    %sign3A_12 = arith.extui %sign3A_11 : i1 to i32
    %sign3A_13 = arith.subi %sign3A_9, %sign3A_12 : i32
    %ne3A = arith.cmpi ne, %sign3A_6, %sign3A_13 : i32
    %rem3A = arith.remsi %arg1, %jit3A : i32
    %ne3A_14 = arith.constant 0 : i32
    %ne3A_15 = arith.cmpi ne, %rem3A, %ne3A_14 : i32
    %and3A = arith.andi %ne3A, %ne3A_15 : i1
    %sub3A = arith.constant 1 : i32
    %sub3A_16 = arith.subi %div3A, %sub3A : i32
    %select_n3A = arith.select %and3A, %sub3A_16, %div3A : i32
    %add3A = arith.addi %mul3A_0, %select_n3A : i32
    %jit3A_17 = arith.constant 4 : i32
    %eq3A = arith.constant 0 : i32
    %eq3A_18 = arith.cmpi eq, %jit3A_17, %eq3A : i32
    %jit3A_19 = arith.constant 1 : i32
    %select_n3A_20 = arith.select %eq3A_18, %jit3A_19, %jit3A_17 : i32
    %rem3A_21 = arith.remsi %arg1, %select_n3A_20 : i32
    %ne3A_22 = arith.constant 0 : i32
    %ne3A_23 = arith.cmpi ne, %rem3A_21, %ne3A_22 : i32
    %lt3A = arith.constant 0 : i32
    %lt3A_24 = arith.cmpi slt, %rem3A_21, %lt3A : i32
    %lt3A_25 = arith.constant 0 : i32
    %lt3A_26 = arith.cmpi slt, %select_n3A_20, %lt3A_25 : i32
    %ne3A_27 = arith.xori %lt3A_24, %lt3A_26 : i1
    %and3A_28 = arith.andi %ne3A_27, %ne3A_23 : i1
    %add3A_29 = arith.addi %rem3A_21, %select_n3A_20 : i32
    %select_n3A_30 = arith.select %and3A_28, %add3A_29, %rem3A_21 : i32
    "tpu.region"() ({
      %run_scoped3A = tpu.sem_alloc : memref<!tpu.dma_semaphore, #tpu.memory_space<semaphore_mem>>
      %dma_start3A = arith.constant 0 : i32
      %dma_start3A_69 = arith.constant 0 : i32
      %dma_start3A_70 = tpu.memref_slice %arg3[%add3A, %dma_start3A, %dma_start3A_69] : memref<8x5x4096xf32, #tpu.memory_space<hbm>> -> memref<1x5x4096xf32, #tpu.memory_space<hbm>>
      %dma_start3A_71 = tpu.memref_squeeze %dma_start3A_70 : memref<1x5x4096xf32, #tpu.memory_space<hbm>> -> memref<5x4096xf32, #tpu.memory_space<hbm>>
      %dma_start3A_72 = arith.constant 0 : i32
      %dma_start3A_73 = arith.constant 0 : i32
      %dma_start3A_74 = tpu.memref_slice %arg3[%add3A, %dma_start3A_72, %dma_start3A_73] : memref<8x5x4096xf32, #tpu.memory_space<hbm>> -> memref<1x5x4096xf32, #tpu.memory_space<hbm>>
      %dma_start3A_75 = tpu.memref_squeeze %dma_start3A_74 : memref<1x5x4096xf32, #tpu.memory_space<hbm>> -> memref<5x4096xf32, #tpu.memory_space<hbm>>
      tpu.enqueue_dma source(%dma_start3A_75 : memref<5x4096xf32, #tpu.memory_space<hbm>>) target(%arg7 : memref<5x4096xf32, #tpu.memory_space<vmem>>) target_semaphore(%run_scoped3A : memref<!tpu.dma_semaphore, #tpu.memory_space<semaphore_mem>>)
      %dma_wait3A = arith.constant 0 : i32
      %dma_wait3A_76 = arith.constant 0 : i32
      %dma_wait3A_77 = tpu.memref_slice %arg3[%add3A, %dma_wait3A, %dma_wait3A_76] : memref<8x5x4096xf32, #tpu.memory_space<hbm>> -> memref<1x5x4096xf32, #tpu.memory_space<hbm>>
      %dma_wait3A_78 = tpu.memref_squeeze %dma_wait3A_77 : memref<1x5x4096xf32, #tpu.memory_space<hbm>> -> memref<5x4096xf32, #tpu.memory_space<hbm>>
      %dma_wait3A_79 = arith.constant 0 : i32
      %dma_wait3A_80 = arith.constant 0 : i32
      %dma_wait3A_81 = tpu.memref_slice %arg3[%add3A, %dma_wait3A_79, %dma_wait3A_80] : memref<8x5x4096xf32, #tpu.memory_space<hbm>> -> memref<1x5x4096xf32, #tpu.memory_space<hbm>>
      %dma_wait3A_82 = tpu.memref_squeeze %dma_wait3A_81 : memref<1x5x4096xf32, #tpu.memory_space<hbm>> -> memref<5x4096xf32, #tpu.memory_space<hbm>>
      tpu.wait_dma2 semaphore(%run_scoped3A : memref<!tpu.dma_semaphore, #tpu.memory_space<semaphore_mem>>) src(%dma_wait3A_82 : memref<5x4096xf32, #tpu.memory_space<hbm>>) dst(%arg7 : memref<5x4096xf32, #tpu.memory_space<vmem>>)
      tpu.yield
    }) : () -> ()
    "tpu.region"() ({
      %run_scoped3A = tpu.sem_alloc : memref<!tpu.dma_semaphore, #tpu.memory_space<semaphore_mem>>
      %dma_start3A = arith.constant 0 : i32
      %dma_start3A_69 = arith.constant 0 : i32
      %dma_start3A_70 = tpu.memref_slice %arg2[%add3A, %dma_start3A, %dma_start3A_69] : memref<8x6x256xf32, #tpu.memory_space<hbm>> -> memref<1x6x256xf32, #tpu.memory_space<hbm>>
      %dma_start3A_71 = tpu.memref_squeeze %dma_start3A_70 : memref<1x6x256xf32, #tpu.memory_space<hbm>> -> memref<6x256xf32, #tpu.memory_space<hbm>>
      %dma_start3A_72 = arith.constant 0 : i32
      %dma_start3A_73 = arith.constant 0 : i32
      %dma_start3A_74 = tpu.memref_slice %arg2[%add3A, %dma_start3A_72, %dma_start3A_73] : memref<8x6x256xf32, #tpu.memory_space<hbm>> -> memref<1x6x256xf32, #tpu.memory_space<hbm>>
      %dma_start3A_75 = tpu.memref_squeeze %dma_start3A_74 : memref<1x6x256xf32, #tpu.memory_space<hbm>> -> memref<6x256xf32, #tpu.memory_space<hbm>>
      tpu.enqueue_dma source(%dma_start3A_75 : memref<6x256xf32, #tpu.memory_space<hbm>>) target(%arg6 : memref<6x256xf32, #tpu.memory_space<vmem>>) target_semaphore(%run_scoped3A : memref<!tpu.dma_semaphore, #tpu.memory_space<semaphore_mem>>)
      %dma_wait3A = arith.constant 0 : i32
      %dma_wait3A_76 = arith.constant 0 : i32
      %dma_wait3A_77 = tpu.memref_slice %arg2[%add3A, %dma_wait3A, %dma_wait3A_76] : memref<8x6x256xf32, #tpu.memory_space<hbm>> -> memref<1x6x256xf32, #tpu.memory_space<hbm>>
      %dma_wait3A_78 = tpu.memref_squeeze %dma_wait3A_77 : memref<1x6x256xf32, #tpu.memory_space<hbm>> -> memref<6x256xf32, #tpu.memory_space<hbm>>
      %dma_wait3A_79 = arith.constant 0 : i32
      %dma_wait3A_80 = arith.constant 0 : i32
      %dma_wait3A_81 = tpu.memref_slice %arg2[%add3A, %dma_wait3A_79, %dma_wait3A_80] : memref<8x6x256xf32, #tpu.memory_space<hbm>> -> memref<1x6x256xf32, #tpu.memory_space<hbm>>
      %dma_wait3A_82 = tpu.memref_squeeze %dma_wait3A_81 : memref<1x6x256xf32, #tpu.memory_space<hbm>> -> memref<6x256xf32, #tpu.memory_space<hbm>>
      tpu.wait_dma2 semaphore(%run_scoped3A : memref<!tpu.dma_semaphore, #tpu.memory_space<semaphore_mem>>) src(%dma_wait3A_82 : memref<6x256xf32, #tpu.memory_space<hbm>>) dst(%arg6 : memref<6x256xf32, #tpu.memory_space<vmem>>)
      tpu.yield
    }) : () -> ()
    %mul3A_31 = arith.constant 64 : i32
    %mul3A_32 = arith.muli %select_n3A_30, %mul3A_31 : i32
    %broadcast_in_dim3A = arith.constant 0x7F800000 : f32
    %broadcast_in_dim3A_33 = vector.broadcast %broadcast_in_dim3A : f32 to vector<16xf32>
    %scan3A = arith.constant 0 : i32
    %scan3A_34 = arith.constant 0 : i32
    %scan3A_35 = arith.constant 256 : i32
    %scan3A_36 = arith.addi %scan3A_34, %scan3A_35 : i32
    %scan3A_37 = arith.constant 1 : i32
    %scan3A_38 = scf.for %scan3A_69 = %scan3A_34 to %scan3A_36 step %scan3A_37 iter_args(%scan3A_70 = %scan3A) -> (i32)  : i32 {
      %mul3A_71 = arith.constant 16 : i32
      %mul3A_72 = arith.muli %scan3A_69, %mul3A_71 : i32
      %get3A = arith.constant 3 : i32
      %get3A_73 = arith.index_cast %get3A : i32 to index
      %get3A_74 = arith.index_cast %mul3A_72 : i32 to index
      %get3A_75 = tpu.vector_load %arg7[%get3A_73, %get3A_74] {strides = array<i32>} : memref<5x4096xf32, #tpu.memory_space<vmem>>, vector<16xf32>,
      %get3A_76 = arith.constant 4 : i32
      %get3A_77 = arith.index_cast %get3A_76 : i32 to index
      %get3A_78 = arith.index_cast %mul3A_72 : i32 to index
      %get3A_79 = tpu.vector_load %arg7[%get3A_77, %get3A_78] {strides = array<i32>} : memref<5x4096xf32, #tpu.memory_space<vmem>>, vector<16xf32>,
      %add3A_80 = arith.addf %get3A_75, %get3A_79 : vector<16xf32>
      %swap3A_81 = arith.index_cast %mul3A_72 : i32 to index
      %swap3A_82 = tpu.vector_load %arg9[%swap3A_81] {strides = array<i32>} : memref<4096xf32, #tpu.memory_space<vmem>>, vector<16xf32>,
      tpu.vector_store %arg9[%swap3A_81], %add3A_80 {strides = array<i32>} : memref<4096xf32, #tpu.memory_space<vmem>>, vector<16xf32>,
      %swap3A_83 = arith.index_cast %mul3A_72 : i32 to index
      %swap3A_84 = tpu.vector_load %arg10[%swap3A_83] {strides = array<i32>} : memref<4096xf32, #tpu.memory_space<vmem>>, vector<16xf32>,
      tpu.vector_store %arg10[%swap3A_83], %broadcast_in_dim3A_33 {strides = array<i32>} : memref<4096xf32, #tpu.memory_space<vmem>>, vector<16xf32>,
      %scan3A_85 = arith.constant 0 : i32
      scf.yield %scan3A_85 : i32
    }
    %scan3A_39 = arith.constant 256 : i32
    %scan3A_40 = arith.constant 0 : i32
    %scan3A_41 = arith.constant 0 : i32
    %scan3A_42 = arith.constant 4 : i32
    %scan3A_43 = arith.addi %scan3A_41, %scan3A_42 : i32
    %scan3A_44 = arith.constant 1 : i32
    %scan3A_45 = scf.for %scan3A_69 = %scan3A_41 to %scan3A_43 step %scan3A_44 iter_args(%scan3A_70 = %scan3A_40) -> (i32)  : i32 {
      %mul3A_71 = arith.constant 16 : i32
      %mul3A_72 = arith.muli %scan3A_69, %mul3A_71 : i32
      %add3A_73 = arith.addi %mul3A_32, %mul3A_72 : i32
      %get3A = arith.constant 3 : i32
      %get3A_74 = arith.index_cast %get3A : i32 to index
      %get3A_75 = arith.index_cast %add3A_73 : i32 to index
      %get3A_76 = tpu.vector_load %arg6[%get3A_74, %get3A_75] {strides = array<i32>} : memref<6x256xf32, #tpu.memory_space<vmem>>, vector<16xf32>,
      %get3A_77 = arith.constant 4 : i32
      %get3A_78 = arith.index_cast %get3A_77 : i32 to index
      %get3A_79 = arith.index_cast %add3A_73 : i32 to index
      %get3A_80 = tpu.vector_load %arg6[%get3A_78, %get3A_79] {strides = array<i32>} : memref<6x256xf32, #tpu.memory_space<vmem>>, vector<16xf32>,
      %get3A_81 = arith.constant 5 : i32
      %get3A_82 = arith.index_cast %get3A_81 : i32 to index
      %get3A_83 = arith.index_cast %add3A_73 : i32 to index
      %get3A_84 = tpu.vector_load %arg6[%get3A_82, %get3A_83] {strides = array<i32>} : memref<6x256xf32, #tpu.memory_space<vmem>>, vector<16xf32>,
      %mul3A_85 = arith.mulf %get3A_76, %get3A_76 : vector<16xf32>
      %mul3A_86 = arith.mulf %get3A_80, %get3A_80 : vector<16xf32>
      %add3A_87 = arith.addf %mul3A_85, %mul3A_86 : vector<16xf32>
      %mul3A_88 = arith.mulf %get3A_84, %get3A_84 : vector<16xf32>
      %add3A_89 = arith.addf %add3A_87, %mul3A_88 : vector<16xf32>
      %mul3A_90 = arith.constant 16 : i32
      %mul3A_91 = arith.muli %scan3A_69, %mul3A_90 : i32
      %swap3A_92 = arith.index_cast %mul3A_91 : i32 to index
      %swap3A_93 = tpu.vector_load %arg8[%swap3A_92] {strides = array<i32>} : memref<64xf32, #tpu.memory_space<vmem>>, vector<16xf32>,
      tpu.vector_store %arg8[%swap3A_92], %add3A_89 {strides = array<i32>} : memref<64xf32, #tpu.memory_space<vmem>>, vector<16xf32>,
      %scan3A_94 = arith.constant 0 : i32
      scf.yield %scan3A_94 : i32
    }
    %scan3A_46 = arith.constant 4 : i32
    %iota3A = tpu.iota {dimensions = array<i32: 0>} : vector<16xi32>
    %scan3A_47 = arith.constant 0 : i32
    %scan3A_48 = arith.constant 0 : i32
    %scan3A_49 = arith.constant 4 : i32
    %scan3A_50 = arith.addi %scan3A_48, %scan3A_49 : i32
    %scan3A_51 = arith.constant 1 : i32
    %scan3A_52 = scf.for %scan3A_69 = %scan3A_48 to %scan3A_50 step %scan3A_51 iter_args(%scan3A_70 = %scan3A_47) -> (i32)  : i32 {
      %mul3A_71 = arith.constant 16 : i32
      %mul3A_72 = arith.muli %scan3A_69, %mul3A_71 : i32
      %add3A_73 = arith.addi %mul3A_32, %mul3A_72 : i32
      %get3A = arith.constant 0 : i32
      %get3A_74 = arith.index_cast %get3A : i32 to index
      %get3A_75 = arith.index_cast %add3A_73 : i32 to index
      %get3A_76 = tpu.vector_load %arg6[%get3A_74, %get3A_75] {strides = array<i32>} : memref<6x256xf32, #tpu.memory_space<vmem>>, vector<16xf32>,
      %add3A_77 = arith.addi %mul3A_32, %mul3A_72 : i32
      %get3A_78 = arith.constant 1 : i32
      %get3A_79 = arith.index_cast %get3A_78 : i32 to index
      %get3A_80 = arith.index_cast %add3A_77 : i32 to index
      %get3A_81 = tpu.vector_load %arg6[%get3A_79, %get3A_80] {strides = array<i32>} : memref<6x256xf32, #tpu.memory_space<vmem>>, vector<16xf32>,
      %add3A_82 = arith.addi %mul3A_32, %mul3A_72 : i32
      %get3A_83 = arith.constant 2 : i32
      %get3A_84 = arith.index_cast %get3A_83 : i32 to index
      %get3A_85 = arith.index_cast %add3A_82 : i32 to index
      %get3A_86 = tpu.vector_load %arg6[%get3A_84, %get3A_85] {strides = array<i32>} : memref<6x256xf32, #tpu.memory_space<vmem>>, vector<16xf32>,
      %get3A_87 = arith.index_cast %mul3A_72 : i32 to index
      %get3A_88 = tpu.vector_load %arg8[%get3A_87] {strides = array<i32>} : memref<64xf32, #tpu.memory_space<vmem>>, vector<16xf32>,
      %slice3A = vector.extract_strided_slice %get3A_76 {offsets = [0], sizes = [1], strides = [1]} : vector<16xf32> to vector<1xf32>
      %squeeze3A = vector.extract %slice3A[0] : f32 from vector<1xf32>
      %slice3A_89 = vector.extract_strided_slice %get3A_76 {offsets = [1], sizes = [1], strides = [1]} : vector<16xf32> to vector<1xf32>
      %squeeze3A_90 = vector.extract %slice3A_89[0] : f32 from vector<1xf32>
      %slice3A_91 = vector.extract_strided_slice %get3A_76 {offsets = [2], sizes = [1], strides = [1]} : vector<16xf32> to vector<1xf32>
      %squeeze3A_92 = vector.extract %slice3A_91[0] : f32 from vector<1xf32>
      %slice3A_93 = vector.extract_strided_slice %get3A_76 {offsets = [3], sizes = [1], strides = [1]} : vector<16xf32> to vector<1xf32>
      %squeeze3A_94 = vector.extract %slice3A_93[0] : f32 from vector<1xf32>
      %slice3A_95 = vector.extract_strided_slice %get3A_76 {offsets = [4], sizes = [1], strides = [1]} : vector<16xf32> to vector<1xf32>
      %squeeze3A_96 = vector.extract %slice3A_95[0] : f32 from vector<1xf32>
      %slice3A_97 = vector.extract_strided_slice %get3A_76 {offsets = [5], sizes = [1], strides = [1]} : vector<16xf32> to vector<1xf32>
      %squeeze3A_98 = vector.extract %slice3A_97[0] : f32 from vector<1xf32>
      %slice3A_99 = vector.extract_strided_slice %get3A_76 {offsets = [6], sizes = [1], strides = [1]} : vector<16xf32> to vector<1xf32>
      %squeeze3A_100 = vector.extract %slice3A_99[0] : f32 from vector<1xf32>
      %slice3A_101 = vector.extract_strided_slice %get3A_76 {offsets = [7], sizes = [1], strides = [1]} : vector<16xf32> to vector<1xf32>
      %squeeze3A_102 = vector.extract %slice3A_101[0] : f32 from vector<1xf32>
      %slice3A_103 = vector.extract_strided_slice %get3A_81 {offsets = [0], sizes = [1], strides = [1]} : vector<16xf32> to vector<1xf32>
      %squeeze3A_104 = vector.extract %slice3A_103[0] : f32 from vector<1xf32>
      %slice3A_105 = vector.extract_strided_slice %get3A_81 {offsets = [1], sizes = [1], strides = [1]} : vector<16xf32> to vector<1xf32>
      %squeeze3A_106 = vector.extract %slice3A_105[0] : f32 from vector<1xf32>
      %slice3A_107 = vector.extract_strided_slice %get3A_81 {offsets = [2], sizes = [1], strides = [1]} : vector<16xf32> to vector<1xf32>
      %squeeze3A_108 = vector.extract %slice3A_107[0] : f32 from vector<1xf32>
      %slice3A_109 = vector.extract_strided_slice %get3A_81 {offsets = [3], sizes = [1], strides = [1]} : vector<16xf32> to vector<1xf32>
      %squeeze3A_110 = vector.extract %slice3A_109[0] : f32 from vector<1xf32>
      %slice3A_111 = vector.extract_strided_slice %get3A_81 {offsets = [4], sizes = [1], strides = [1]} : vector<16xf32> to vector<1xf32>
      %squeeze3A_112 = vector.extract %slice3A_111[0] : f32 from vector<1xf32>
      %slice3A_113 = vector.extract_strided_slice %get3A_81 {offsets = [5], sizes = [1], strides = [1]} : vector<16xf32> to vector<1xf32>
      %squeeze3A_114 = vector.extract %slice3A_113[0] : f32 from vector<1xf32>
      %slice3A_115 = vector.extract_strided_slice %get3A_81 {offsets = [6], sizes = [1], strides = [1]} : vector<16xf32> to vector<1xf32>
      %squeeze3A_116 = vector.extract %slice3A_115[0] : f32 from vector<1xf32>
      %slice3A_117 = vector.extract_strided_slice %get3A_81 {offsets = [7], sizes = [1], strides = [1]} : vector<16xf32> to vector<1xf32>
      %squeeze3A_118 = vector.extract %slice3A_117[0] : f32 from vector<1xf32>
      %slice3A_119 = vector.extract_strided_slice %get3A_86 {offsets = [0], sizes = [1], strides = [1]} : vector<16xf32> to vector<1xf32>
      %squeeze3A_120 = vector.extract %slice3A_119[0] : f32 from vector<1xf32>
      %slice3A_121 = vector.extract_strided_slice %get3A_86 {offsets = [1], sizes = [1], strides = [1]} : vector<16xf32> to vector<1xf32>
      %squeeze3A_122 = vector.extract %slice3A_121[0] : f32 from vector<1xf32>
      %slice3A_123 = vector.extract_strided_slice %get3A_86 {offsets = [2], sizes = [1], strides = [1]} : vector<16xf32> to vector<1xf32>
      %squeeze3A_124 = vector.extract %slice3A_123[0] : f32 from vector<1xf32>
      %slice3A_125 = vector.extract_strided_slice %get3A_86 {offsets = [3], sizes = [1], strides = [1]} : vector<16xf32> to vector<1xf32>
      %squeeze3A_126 = vector.extract %slice3A_125[0] : f32 from vector<1xf32>
      %slice3A_127 = vector.extract_strided_slice %get3A_86 {offsets = [4], sizes = [1], strides = [1]} : vector<16xf32> to vector<1xf32>
      %squeeze3A_128 = vector.extract %slice3A_127[0] : f32 from vector<1xf32>
      %slice3A_129 = vector.extract_strided_slice %get3A_86 {offsets = [5], sizes = [1], strides = [1]} : vector<16xf32> to vector<1xf32>
      %squeeze3A_130 = vector.extract %slice3A_129[0] : f32 from vector<1xf32>
      %slice3A_131 = vector.extract_strided_slice %get3A_86 {offsets = [6], sizes = [1], strides = [1]} : vector<16xf32> to vector<1xf32>
      %squeeze3A_132 = vector.extract %slice3A_131[0] : f32 from vector<1xf32>
      %slice3A_133 = vector.extract_strided_slice %get3A_86 {offsets = [7], sizes = [1], strides = [1]} : vector<16xf32> to vector<1xf32>
      %squeeze3A_134 = vector.extract %slice3A_133[0] : f32 from vector<1xf32>
      %slice3A_135 = vector.extract_strided_slice %get3A_88 {offsets = [0], sizes = [1], strides = [1]} : vector<16xf32> to vector<1xf32>
      %squeeze3A_136 = vector.extract %slice3A_135[0] : f32 from vector<1xf32>
      %slice3A_137 = vector.extract_strided_slice %get3A_88 {offsets = [1], sizes = [1], strides = [1]} : vector<16xf32> to vector<1xf32>
      %squeeze3A_138 = vector.extract %slice3A_137[0] : f32 from vector<1xf32>
      %slice3A_139 = vector.extract_strided_slice %get3A_88 {offsets = [2], sizes = [1], strides = [1]} : vector<16xf32> to vector<1xf32>
      %squeeze3A_140 = vector.extract %slice3A_139[0] : f32 from vector<1xf32>
      %slice3A_141 = vector.extract_strided_slice %get3A_88 {offsets = [3], sizes = [1], strides = [1]} : vector<16xf32> to vector<1xf32>
      %squeeze3A_142 = vector.extract %slice3A_141[0] : f32 from vector<1xf32>
      %slice3A_143 = vector.extract_strided_slice %get3A_88 {offsets = [4], sizes = [1], strides = [1]} : vector<16xf32> to vector<1xf32>
      %squeeze3A_144 = vector.extract %slice3A_143[0] : f32 from vector<1xf32>
      %slice3A_145 = vector.extract_strided_slice %get3A_88 {offsets = [5], sizes = [1], strides = [1]} : vector<16xf32> to vector<1xf32>
      %squeeze3A_146 = vector.extract %slice3A_145[0] : f32 from vector<1xf32>
      %slice3A_147 = vector.extract_strided_slice %get3A_88 {offsets = [6], sizes = [1], strides = [1]} : vector<16xf32> to vector<1xf32>
      %squeeze3A_148 = vector.extract %slice3A_147[0] : f32 from vector<1xf32>
      %slice3A_149 = vector.extract_strided_slice %get3A_88 {offsets = [7], sizes = [1], strides = [1]} : vector<16xf32> to vector<1xf32>
      %squeeze3A_150 = vector.extract %slice3A_149[0] : f32 from vector<1xf32>
      %scan3A_151 = arith.constant 0 : i32
      %scan3A_152 = arith.constant 256 : i32
      %scan3A_153 = arith.addi %scan3A_151, %scan3A_152 : i32
      %scan3A_154 = arith.constant 1 : i32
      %scan3A_155:8 = scf.for %scan3A_375 = %scan3A_151 to %scan3A_153 step %scan3A_154 iter_args(%scan3A_376 = %broadcast_in_dim3A_33, %scan3A_377 = %broadcast_in_dim3A_33, %scan3A_378 = %broadcast_in_dim3A_33, %scan3A_379 = %broadcast_in_dim3A_33, %scan3A_380 = %broadcast_in_dim3A_33, %scan3A_381 = %broadcast_in_dim3A_33, %scan3A_382 = %broadcast_in_dim3A_33, %scan3A_383 = %broadcast_in_dim3A_33) -> (vector<16xf32>, vector<16xf32>, vector<16xf32>, vector<16xf32>, vector<16xf32>, vector<16xf32>, vector<16xf32>, vector<16xf32>)  : i32 {
        %mul3A_384 = arith.constant 16 : i32
        %mul3A_385 = arith.muli %scan3A_375, %mul3A_384 : i32
        %get3A_386 = arith.constant 0 : i32
        %get3A_387 = arith.index_cast %get3A_386 : i32 to index
        %get3A_388 = arith.index_cast %mul3A_385 : i32 to index
        %get3A_389 = tpu.vector_load %arg7[%get3A_387, %get3A_388] {strides = array<i32>} : memref<5x4096xf32, #tpu.memory_space<vmem>>, vector<16xf32>,
        %get3A_390 = arith.constant 1 : i32
        %get3A_391 = arith.index_cast %get3A_390 : i32 to index
        %get3A_392 = arith.index_cast %mul3A_385 : i32 to index
        %get3A_393 = tpu.vector_load %arg7[%get3A_391, %get3A_392] {strides = array<i32>} : memref<5x4096xf32, #tpu.memory_space<vmem>>, vector<16xf32>,
        %get3A_394 = arith.constant 2 : i32
        %get3A_395 = arith.index_cast %get3A_394 : i32 to index
        %get3A_396 = arith.index_cast %mul3A_385 : i32 to index
        %get3A_397 = tpu.vector_load %arg7[%get3A_395, %get3A_396] {strides = array<i32>} : memref<5x4096xf32, #tpu.memory_space<vmem>>, vector<16xf32>,
        %get3A_398 = arith.index_cast %mul3A_385 : i32 to index
        %get3A_399 = tpu.vector_load %arg9[%get3A_398] {strides = array<i32>} : memref<4096xf32, #tpu.memory_space<vmem>>, vector<16xf32>,
        %mul3A_400 = vector.broadcast %squeeze3A : f32 to vector<16xf32>
        %mul3A_401 = arith.mulf %mul3A_400, %get3A_389 : vector<16xf32>
        %mul3A_402 = vector.broadcast %squeeze3A_104 : f32 to vector<16xf32>
        %mul3A_403 = arith.mulf %mul3A_402, %get3A_393 : vector<16xf32>
        %add3A_404 = arith.addf %mul3A_401, %mul3A_403 : vector<16xf32>
        %mul3A_405 = vector.broadcast %squeeze3A_120 : f32 to vector<16xf32>
        %mul3A_406 = arith.mulf %mul3A_405, %get3A_397 : vector<16xf32>
        %add3A_407 = arith.addf %add3A_404, %mul3A_406 : vector<16xf32>
        %add3A_408 = vector.broadcast %squeeze3A_136 : f32 to vector<16xf32>
        %add3A_409 = arith.addf %add3A_408, %get3A_399 : vector<16xf32>
        %add3A_410 = arith.addf %add3A_409, %add3A_407 : vector<16xf32>
        %min3A = arith.minimumf %scan3A_376, %add3A_410 : vector<16xf32>
        %mul3A_411 = vector.broadcast %squeeze3A_90 : f32 to vector<16xf32>
        %mul3A_412 = arith.mulf %mul3A_411, %get3A_389 : vector<16xf32>
        %mul3A_413 = vector.broadcast %squeeze3A_106 : f32 to vector<16xf32>
        %mul3A_414 = arith.mulf %mul3A_413, %get3A_393 : vector<16xf32>
        %add3A_415 = arith.addf %mul3A_412, %mul3A_414 : vector<16xf32>
        %mul3A_416 = vector.broadcast %squeeze3A_122 : f32 to vector<16xf32>
        %mul3A_417 = arith.mulf %mul3A_416, %get3A_397 : vector<16xf32>
        %add3A_418 = arith.addf %add3A_415, %mul3A_417 : vector<16xf32>
        %add3A_419 = vector.broadcast %squeeze3A_138 : f32 to vector<16xf32>
        %add3A_420 = arith.addf %add3A_419, %get3A_399 : vector<16xf32>
        %add3A_421 = arith.addf %add3A_420, %add3A_418 : vector<16xf32>
        %min3A_422 = arith.minimumf %scan3A_377, %add3A_421 : vector<16xf32>
        %mul3A_423 = vector.broadcast %squeeze3A_92 : f32 to vector<16xf32>
        %mul3A_424 = arith.mulf %mul3A_423, %get3A_389 : vector<16xf32>
        %mul3A_425 = vector.broadcast %squeeze3A_108 : f32 to vector<16xf32>
        %mul3A_426 = arith.mulf %mul3A_425, %get3A_393 : vector<16xf32>
        %add3A_427 = arith.addf %mul3A_424, %mul3A_426 : vector<16xf32>
        %mul3A_428 = vector.broadcast %squeeze3A_124 : f32 to vector<16xf32>
        %mul3A_429 = arith.mulf %mul3A_428, %get3A_397 : vector<16xf32>
        %add3A_430 = arith.addf %add3A_427, %mul3A_429 : vector<16xf32>
        %add3A_431 = vector.broadcast %squeeze3A_140 : f32 to vector<16xf32>
        %add3A_432 = arith.addf %add3A_431, %get3A_399 : vector<16xf32>
        %add3A_433 = arith.addf %add3A_432, %add3A_430 : vector<16xf32>
        %min3A_434 = arith.minimumf %scan3A_378, %add3A_433 : vector<16xf32>
        %mul3A_435 = vector.broadcast %squeeze3A_94 : f32 to vector<16xf32>
        %mul3A_436 = arith.mulf %mul3A_435, %get3A_389 : vector<16xf32>
        %mul3A_437 = vector.broadcast %squeeze3A_110 : f32 to vector<16xf32>
        %mul3A_438 = arith.mulf %mul3A_437, %get3A_393 : vector<16xf32>
        %add3A_439 = arith.addf %mul3A_436, %mul3A_438 : vector<16xf32>
        %mul3A_440 = vector.broadcast %squeeze3A_126 : f32 to vector<16xf32>
        %mul3A_441 = arith.mulf %mul3A_440, %get3A_397 : vector<16xf32>
        %add3A_442 = arith.addf %add3A_439, %mul3A_441 : vector<16xf32>
        %add3A_443 = vector.broadcast %squeeze3A_142 : f32 to vector<16xf32>
        %add3A_444 = arith.addf %add3A_443, %get3A_399 : vector<16xf32>
        %add3A_445 = arith.addf %add3A_444, %add3A_442 : vector<16xf32>
        %min3A_446 = arith.minimumf %scan3A_379, %add3A_445 : vector<16xf32>
        %mul3A_447 = vector.broadcast %squeeze3A_96 : f32 to vector<16xf32>
        %mul3A_448 = arith.mulf %mul3A_447, %get3A_389 : vector<16xf32>
        %mul3A_449 = vector.broadcast %squeeze3A_112 : f32 to vector<16xf32>
        %mul3A_450 = arith.mulf %mul3A_449, %get3A_393 : vector<16xf32>
        %add3A_451 = arith.addf %mul3A_448, %mul3A_450 : vector<16xf32>
        %mul3A_452 = vector.broadcast %squeeze3A_128 : f32 to vector<16xf32>
        %mul3A_453 = arith.mulf %mul3A_452, %get3A_397 : vector<16xf32>
        %add3A_454 = arith.addf %add3A_451, %mul3A_453 : vector<16xf32>
        %add3A_455 = vector.broadcast %squeeze3A_144 : f32 to vector<16xf32>
        %add3A_456 = arith.addf %add3A_455, %get3A_399 : vector<16xf32>
        %add3A_457 = arith.addf %add3A_456, %add3A_454 : vector<16xf32>
        %min3A_458 = arith.minimumf %scan3A_380, %add3A_457 : vector<16xf32>
        %mul3A_459 = vector.broadcast %squeeze3A_98 : f32 to vector<16xf32>
        %mul3A_460 = arith.mulf %mul3A_459, %get3A_389 : vector<16xf32>
        %mul3A_461 = vector.broadcast %squeeze3A_114 : f32 to vector<16xf32>
        %mul3A_462 = arith.mulf %mul3A_461, %get3A_393 : vector<16xf32>
        %add3A_463 = arith.addf %mul3A_460, %mul3A_462 : vector<16xf32>
        %mul3A_464 = vector.broadcast %squeeze3A_130 : f32 to vector<16xf32>
        %mul3A_465 = arith.mulf %mul3A_464, %get3A_397 : vector<16xf32>
        %add3A_466 = arith.addf %add3A_463, %mul3A_465 : vector<16xf32>
        %add3A_467 = vector.broadcast %squeeze3A_146 : f32 to vector<16xf32>
        %add3A_468 = arith.addf %add3A_467, %get3A_399 : vector<16xf32>
        %add3A_469 = arith.addf %add3A_468, %add3A_466 : vector<16xf32>
        %min3A_470 = arith.minimumf %scan3A_381, %add3A_469 : vector<16xf32>
        %mul3A_471 = vector.broadcast %squeeze3A_100 : f32 to vector<16xf32>
        %mul3A_472 = arith.mulf %mul3A_471, %get3A_389 : vector<16xf32>
        %mul3A_473 = vector.broadcast %squeeze3A_116 : f32 to vector<16xf32>
        %mul3A_474 = arith.mulf %mul3A_473, %get3A_393 : vector<16xf32>
        %add3A_475 = arith.addf %mul3A_472, %mul3A_474 : vector<16xf32>
        %mul3A_476 = vector.broadcast %squeeze3A_132 : f32 to vector<16xf32>
        %mul3A_477 = arith.mulf %mul3A_476, %get3A_397 : vector<16xf32>
        %add3A_478 = arith.addf %add3A_475, %mul3A_477 : vector<16xf32>
        %add3A_479 = vector.broadcast %squeeze3A_148 : f32 to vector<16xf32>
        %add3A_480 = arith.addf %add3A_479, %get3A_399 : vector<16xf32>
        %add3A_481 = arith.addf %add3A_480, %add3A_478 : vector<16xf32>
        %min3A_482 = arith.minimumf %scan3A_382, %add3A_481 : vector<16xf32>
        %mul3A_483 = vector.broadcast %squeeze3A_102 : f32 to vector<16xf32>
        %mul3A_484 = arith.mulf %mul3A_483, %get3A_389 : vector<16xf32>
        %mul3A_485 = vector.broadcast %squeeze3A_118 : f32 to vector<16xf32>
        %mul3A_486 = arith.mulf %mul3A_485, %get3A_393 : vector<16xf32>
        %add3A_487 = arith.addf %mul3A_484, %mul3A_486 : vector<16xf32>
        %mul3A_488 = vector.broadcast %squeeze3A_134 : f32 to vector<16xf32>
        %mul3A_489 = arith.mulf %mul3A_488, %get3A_397 : vector<16xf32>
        %add3A_490 = arith.addf %add3A_487, %mul3A_489 : vector<16xf32>
        %add3A_491 = vector.broadcast %squeeze3A_150 : f32 to vector<16xf32>
        %add3A_492 = arith.addf %add3A_491, %get3A_399 : vector<16xf32>
        %add3A_493 = arith.addf %add3A_492, %add3A_490 : vector<16xf32>
        %min3A_494 = arith.minimumf %scan3A_383, %add3A_493 : vector<16xf32>
        %min3A_495 = arith.minimumf %add3A_410, %add3A_421 : vector<16xf32>
        %min3A_496 = arith.minimumf %add3A_433, %add3A_445 : vector<16xf32>
        %min3A_497 = arith.minimumf %add3A_457, %add3A_469 : vector<16xf32>
        %min3A_498 = arith.minimumf %add3A_481, %add3A_493 : vector<16xf32>
        %min3A_499 = arith.minimumf %min3A_495, %min3A_496 : vector<16xf32>
        %min3A_500 = arith.minimumf %min3A_497, %min3A_498 : vector<16xf32>
        %min3A_501 = arith.minimumf %min3A_499, %min3A_500 : vector<16xf32>
        %get3A_502 = arith.index_cast %mul3A_385 : i32 to index
        %get3A_503 = tpu.vector_load %arg10[%get3A_502] {strides = array<i32>} : memref<4096xf32, #tpu.memory_space<vmem>>, vector<16xf32>,
        %min3A_504 = arith.minimumf %get3A_503, %min3A_501 : vector<16xf32>
        %swap3A_505 = arith.index_cast %mul3A_385 : i32 to index
        %swap3A_506 = tpu.vector_load %arg10[%swap3A_505] {strides = array<i32>} : memref<4096xf32, #tpu.memory_space<vmem>>, vector<16xf32>,
        tpu.vector_store %arg10[%swap3A_505], %min3A_504 {strides = array<i32>} : memref<4096xf32, #tpu.memory_space<vmem>>, vector<16xf32>,
        scf.yield %min3A, %min3A_422, %min3A_434, %min3A_446, %min3A_458, %min3A_470, %min3A_482, %min3A_494 : vector<16xf32>, vector<16xf32>, vector<16xf32>, vector<16xf32>, vector<16xf32>, vector<16xf32>, vector<16xf32>, vector<16xf32>
      }
      %scan3A_156 = arith.constant 256 : i32
      %reduce_min3A = arith.constant true
      %reduce_min3A_157 = vector.broadcast %reduce_min3A : i1 to vector<16xi1>
      %reduce_min3A_158 = tpu.scan <min>, %scan3A_155#0 masked %reduce_min3A_157 : vector<16xf32>, vector<16xi1> -> vector<16xf32>
      %reduce_min3A_159 = vector.extract %reduce_min3A_158[15] : f32 from vector<16xf32>
      %reduce_min3A_160 = arith.constant true
      %reduce_min3A_161 = vector.broadcast %reduce_min3A_160 : i1 to vector<16xi1>
      %reduce_min3A_162 = tpu.scan <min>, %scan3A_155#1 masked %reduce_min3A_161 : vector<16xf32>, vector<16xi1> -> vector<16xf32>
      %reduce_min3A_163 = vector.extract %reduce_min3A_162[15] : f32 from vector<16xf32>
      %reduce_min3A_164 = arith.constant true
      %reduce_min3A_165 = vector.broadcast %reduce_min3A_164 : i1 to vector<16xi1>
      %reduce_min3A_166 = tpu.scan <min>, %scan3A_155#2 masked %reduce_min3A_165 : vector<16xf32>, vector<16xi1> -> vector<16xf32>
      %reduce_min3A_167 = vector.extract %reduce_min3A_166[15] : f32 from vector<16xf32>
      %reduce_min3A_168 = arith.constant true
      %reduce_min3A_169 = vector.broadcast %reduce_min3A_168 : i1 to vector<16xi1>
      %reduce_min3A_170 = tpu.scan <min>, %scan3A_155#3 masked %reduce_min3A_169 : vector<16xf32>, vector<16xi1> -> vector<16xf32>
      %reduce_min3A_171 = vector.extract %reduce_min3A_170[15] : f32 from vector<16xf32>
      %reduce_min3A_172 = arith.constant true
      %reduce_min3A_173 = vector.broadcast %reduce_min3A_172 : i1 to vector<16xi1>
      %reduce_min3A_174 = tpu.scan <min>, %scan3A_155#4 masked %reduce_min3A_173 : vector<16xf32>, vector<16xi1> -> vector<16xf32>
      %reduce_min3A_175 = vector.extract %reduce_min3A_174[15] : f32 from vector<16xf32>
      %reduce_min3A_176 = arith.constant true
      %reduce_min3A_177 = vector.broadcast %reduce_min3A_176 : i1 to vector<16xi1>
      %reduce_min3A_178 = tpu.scan <min>, %scan3A_155#5 masked %reduce_min3A_177 : vector<16xf32>, vector<16xi1> -> vector<16xf32>
      %reduce_min3A_179 = vector.extract %reduce_min3A_178[15] : f32 from vector<16xf32>
      %reduce_min3A_180 = arith.constant true
      %reduce_min3A_181 = vector.broadcast %reduce_min3A_180 : i1 to vector<16xi1>
      %reduce_min3A_182 = tpu.scan <min>, %scan3A_155#6 masked %reduce_min3A_181 : vector<16xf32>, vector<16xi1> -> vector<16xf32>
      %reduce_min3A_183 = vector.extract %reduce_min3A_182[15] : f32 from vector<16xf32>
      %reduce_min3A_184 = arith.constant true
      %reduce_min3A_185 = vector.broadcast %reduce_min3A_184 : i1 to vector<16xi1>
      %reduce_min3A_186 = tpu.scan <min>, %scan3A_155#7 masked %reduce_min3A_185 : vector<16xf32>, vector<16xi1> -> vector<16xf32>
      %reduce_min3A_187 = vector.extract %reduce_min3A_186[15] : f32 from vector<16xf32>
      %slice3A_188 = vector.extract_strided_slice %get3A_76 {offsets = [8], sizes = [1], strides = [1]} : vector<16xf32> to vector<1xf32>
      %squeeze3A_189 = vector.extract %slice3A_188[0] : f32 from vector<1xf32>
      %slice3A_190 = vector.extract_strided_slice %get3A_76 {offsets = [9], sizes = [1], strides = [1]} : vector<16xf32> to vector<1xf32>
      %squeeze3A_191 = vector.extract %slice3A_190[0] : f32 from vector<1xf32>
      %slice3A_192 = vector.extract_strided_slice %get3A_76 {offsets = [10], sizes = [1], strides = [1]} : vector<16xf32> to vector<1xf32>
      %squeeze3A_193 = vector.extract %slice3A_192[0] : f32 from vector<1xf32>
      %slice3A_194 = vector.extract_strided_slice %get3A_76 {offsets = [11], sizes = [1], strides = [1]} : vector<16xf32> to vector<1xf32>
      %squeeze3A_195 = vector.extract %slice3A_194[0] : f32 from vector<1xf32>
      %slice3A_196 = vector.extract_strided_slice %get3A_76 {offsets = [12], sizes = [1], strides = [1]} : vector<16xf32> to vector<1xf32>
      %squeeze3A_197 = vector.extract %slice3A_196[0] : f32 from vector<1xf32>
      %slice3A_198 = vector.extract_strided_slice %get3A_76 {offsets = [13], sizes = [1], strides = [1]} : vector<16xf32> to vector<1xf32>
      %squeeze3A_199 = vector.extract %slice3A_198[0] : f32 from vector<1xf32>
      %slice3A_200 = vector.extract_strided_slice %get3A_76 {offsets = [14], sizes = [1], strides = [1]} : vector<16xf32> to vector<1xf32>
      %squeeze3A_201 = vector.extract %slice3A_200[0] : f32 from vector<1xf32>
      %slice3A_202 = vector.extract_strided_slice %get3A_76 {offsets = [15], sizes = [1], strides = [1]} : vector<16xf32> to vector<1xf32>
      %squeeze3A_203 = vector.extract %slice3A_202[0] : f32 from vector<1xf32>
      %slice3A_204 = vector.extract_strided_slice %get3A_81 {offsets = [8], sizes = [1], strides = [1]} : vector<16xf32> to vector<1xf32>
      %squeeze3A_205 = vector.extract %slice3A_204[0] : f32 from vector<1xf32>
      %slice3A_206 = vector.extract_strided_slice %get3A_81 {offsets = [9], sizes = [1], strides = [1]} : vector<16xf32> to vector<1xf32>
      %squeeze3A_207 = vector.extract %slice3A_206[0] : f32 from vector<1xf32>
      %slice3A_208 = vector.extract_strided_slice %get3A_81 {offsets = [10], sizes = [1], strides = [1]} : vector<16xf32> to vector<1xf32>
      %squeeze3A_209 = vector.extract %slice3A_208[0] : f32 from vector<1xf32>
      %slice3A_210 = vector.extract_strided_slice %get3A_81 {offsets = [11], sizes = [1], strides = [1]} : vector<16xf32> to vector<1xf32>
      %squeeze3A_211 = vector.extract %slice3A_210[0] : f32 from vector<1xf32>
      %slice3A_212 = vector.extract_strided_slice %get3A_81 {offsets = [12], sizes = [1], strides = [1]} : vector<16xf32> to vector<1xf32>
      %squeeze3A_213 = vector.extract %slice3A_212[0] : f32 from vector<1xf32>
      %slice3A_214 = vector.extract_strided_slice %get3A_81 {offsets = [13], sizes = [1], strides = [1]} : vector<16xf32> to vector<1xf32>
      %squeeze3A_215 = vector.extract %slice3A_214[0] : f32 from vector<1xf32>
      %slice3A_216 = vector.extract_strided_slice %get3A_81 {offsets = [14], sizes = [1], strides = [1]} : vector<16xf32> to vector<1xf32>
      %squeeze3A_217 = vector.extract %slice3A_216[0] : f32 from vector<1xf32>
      %slice3A_218 = vector.extract_strided_slice %get3A_81 {offsets = [15], sizes = [1], strides = [1]} : vector<16xf32> to vector<1xf32>
      %squeeze3A_219 = vector.extract %slice3A_218[0] : f32 from vector<1xf32>
      %slice3A_220 = vector.extract_strided_slice %get3A_86 {offsets = [8], sizes = [1], strides = [1]} : vector<16xf32> to vector<1xf32>
      %squeeze3A_221 = vector.extract %slice3A_220[0] : f32 from vector<1xf32>
      %slice3A_222 = vector.extract_strided_slice %get3A_86 {offsets = [9], sizes = [1], strides = [1]} : vector<16xf32> to vector<1xf32>
      %squeeze3A_223 = vector.extract %slice3A_222[0] : f32 from vector<1xf32>
      %slice3A_224 = vector.extract_strided_slice %get3A_86 {offsets = [10], sizes = [1], strides = [1]} : vector<16xf32> to vector<1xf32>
      %squeeze3A_225 = vector.extract %slice3A_224[0] : f32 from vector<1xf32>
      %slice3A_226 = vector.extract_strided_slice %get3A_86 {offsets = [11], sizes = [1], strides = [1]} : vector<16xf32> to vector<1xf32>
      %squeeze3A_227 = vector.extract %slice3A_226[0] : f32 from vector<1xf32>
      %slice3A_228 = vector.extract_strided_slice %get3A_86 {offsets = [12], sizes = [1], strides = [1]} : vector<16xf32> to vector<1xf32>
      %squeeze3A_229 = vector.extract %slice3A_228[0] : f32 from vector<1xf32>
      %slice3A_230 = vector.extract_strided_slice %get3A_86 {offsets = [13], sizes = [1], strides = [1]} : vector<16xf32> to vector<1xf32>
      %squeeze3A_231 = vector.extract %slice3A_230[0] : f32 from vector<1xf32>
      %slice3A_232 = vector.extract_strided_slice %get3A_86 {offsets = [14], sizes = [1], strides = [1]} : vector<16xf32> to vector<1xf32>
      %squeeze3A_233 = vector.extract %slice3A_232[0] : f32 from vector<1xf32>
      %slice3A_234 = vector.extract_strided_slice %get3A_86 {offsets = [15], sizes = [1], strides = [1]} : vector<16xf32> to vector<1xf32>
      %squeeze3A_235 = vector.extract %slice3A_234[0] : f32 from vector<1xf32>
      %slice3A_236 = vector.extract_strided_slice %get3A_88 {offsets = [8], sizes = [1], strides = [1]} : vector<16xf32> to vector<1xf32>
      %squeeze3A_237 = vector.extract %slice3A_236[0] : f32 from vector<1xf32>
      %slice3A_238 = vector.extract_strided_slice %get3A_88 {offsets = [9], sizes = [1], strides = [1]} : vector<16xf32> to vector<1xf32>
      %squeeze3A_239 = vector.extract %slice3A_238[0] : f32 from vector<1xf32>
      %slice3A_240 = vector.extract_strided_slice %get3A_88 {offsets = [10], sizes = [1], strides = [1]} : vector<16xf32> to vector<1xf32>
      %squeeze3A_241 = vector.extract %slice3A_240[0] : f32 from vector<1xf32>
      %slice3A_242 = vector.extract_strided_slice %get3A_88 {offsets = [11], sizes = [1], strides = [1]} : vector<16xf32> to vector<1xf32>
      %squeeze3A_243 = vector.extract %slice3A_242[0] : f32 from vector<1xf32>
      %slice3A_244 = vector.extract_strided_slice %get3A_88 {offsets = [12], sizes = [1], strides = [1]} : vector<16xf32> to vector<1xf32>
      %squeeze3A_245 = vector.extract %slice3A_244[0] : f32 from vector<1xf32>
      %slice3A_246 = vector.extract_strided_slice %get3A_88 {offsets = [13], sizes = [1], strides = [1]} : vector<16xf32> to vector<1xf32>
      %squeeze3A_247 = vector.extract %slice3A_246[0] : f32 from vector<1xf32>
      %slice3A_248 = vector.extract_strided_slice %get3A_88 {offsets = [14], sizes = [1], strides = [1]} : vector<16xf32> to vector<1xf32>
      %squeeze3A_249 = vector.extract %slice3A_248[0] : f32 from vector<1xf32>
      %slice3A_250 = vector.extract_strided_slice %get3A_88 {offsets = [15], sizes = [1], strides = [1]} : vector<16xf32> to vector<1xf32>
      %squeeze3A_251 = vector.extract %slice3A_250[0] : f32 from vector<1xf32>
      %scan3A_252 = arith.constant 0 : i32
      %scan3A_253 = arith.constant 256 : i32
      %scan3A_254 = arith.addi %scan3A_252, %scan3A_253 : i32
      %scan3A_255 = arith.constant 1 : i32
      %scan3A_256:8 = scf.for %scan3A_375 = %scan3A_252 to %scan3A_254 step %scan3A_255 iter_args(%scan3A_376 = %broadcast_in_dim3A_33, %scan3A_377 = %broadcast_in_dim3A_33, %scan3A_378 = %broadcast_in_dim3A_33, %scan3A_379 = %broadcast_in_dim3A_33, %scan3A_380 = %broadcast_in_dim3A_33, %scan3A_381 = %broadcast_in_dim3A_33, %scan3A_382 = %broadcast_in_dim3A_33, %scan3A_383 = %broadcast_in_dim3A_33) -> (vector<16xf32>, vector<16xf32>, vector<16xf32>, vector<16xf32>, vector<16xf32>, vector<16xf32>, vector<16xf32>, vector<16xf32>)  : i32 {
        %mul3A_384 = arith.constant 16 : i32
        %mul3A_385 = arith.muli %scan3A_375, %mul3A_384 : i32
        %get3A_386 = arith.constant 0 : i32
        %get3A_387 = arith.index_cast %get3A_386 : i32 to index
        %get3A_388 = arith.index_cast %mul3A_385 : i32 to index
        %get3A_389 = tpu.vector_load %arg7[%get3A_387, %get3A_388] {strides = array<i32>} : memref<5x4096xf32, #tpu.memory_space<vmem>>, vector<16xf32>,
        %get3A_390 = arith.constant 1 : i32
        %get3A_391 = arith.index_cast %get3A_390 : i32 to index
        %get3A_392 = arith.index_cast %mul3A_385 : i32 to index
        %get3A_393 = tpu.vector_load %arg7[%get3A_391, %get3A_392] {strides = array<i32>} : memref<5x4096xf32, #tpu.memory_space<vmem>>, vector<16xf32>,
        %get3A_394 = arith.constant 2 : i32
        %get3A_395 = arith.index_cast %get3A_394 : i32 to index
        %get3A_396 = arith.index_cast %mul3A_385 : i32 to index
        %get3A_397 = tpu.vector_load %arg7[%get3A_395, %get3A_396] {strides = array<i32>} : memref<5x4096xf32, #tpu.memory_space<vmem>>, vector<16xf32>,
        %get3A_398 = arith.index_cast %mul3A_385 : i32 to index
        %get3A_399 = tpu.vector_load %arg9[%get3A_398] {strides = array<i32>} : memref<4096xf32, #tpu.memory_space<vmem>>, vector<16xf32>,
        %mul3A_400 = vector.broadcast %squeeze3A_189 : f32 to vector<16xf32>
        %mul3A_401 = arith.mulf %mul3A_400, %get3A_389 : vector<16xf32>
        %mul3A_402 = vector.broadcast %squeeze3A_205 : f32 to vector<16xf32>
        %mul3A_403 = arith.mulf %mul3A_402, %get3A_393 : vector<16xf32>
        %add3A_404 = arith.addf %mul3A_401, %mul3A_403 : vector<16xf32>
        %mul3A_405 = vector.broadcast %squeeze3A_221 : f32 to vector<16xf32>
        %mul3A_406 = arith.mulf %mul3A_405, %get3A_397 : vector<16xf32>
        %add3A_407 = arith.addf %add3A_404, %mul3A_406 : vector<16xf32>
        %add3A_408 = vector.broadcast %squeeze3A_237 : f32 to vector<16xf32>
        %add3A_409 = arith.addf %add3A_408, %get3A_399 : vector<16xf32>
        %add3A_410 = arith.addf %add3A_409, %add3A_407 : vector<16xf32>
        %min3A = arith.minimumf %scan3A_376, %add3A_410 : vector<16xf32>
        %mul3A_411 = vector.broadcast %squeeze3A_191 : f32 to vector<16xf32>
        %mul3A_412 = arith.mulf %mul3A_411, %get3A_389 : vector<16xf32>
        %mul3A_413 = vector.broadcast %squeeze3A_207 : f32 to vector<16xf32>
        %mul3A_414 = arith.mulf %mul3A_413, %get3A_393 : vector<16xf32>
        %add3A_415 = arith.addf %mul3A_412, %mul3A_414 : vector<16xf32>
        %mul3A_416 = vector.broadcast %squeeze3A_223 : f32 to vector<16xf32>
        %mul3A_417 = arith.mulf %mul3A_416, %get3A_397 : vector<16xf32>
        %add3A_418 = arith.addf %add3A_415, %mul3A_417 : vector<16xf32>
        %add3A_419 = vector.broadcast %squeeze3A_239 : f32 to vector<16xf32>
        %add3A_420 = arith.addf %add3A_419, %get3A_399 : vector<16xf32>
        %add3A_421 = arith.addf %add3A_420, %add3A_418 : vector<16xf32>
        %min3A_422 = arith.minimumf %scan3A_377, %add3A_421 : vector<16xf32>
        %mul3A_423 = vector.broadcast %squeeze3A_193 : f32 to vector<16xf32>
        %mul3A_424 = arith.mulf %mul3A_423, %get3A_389 : vector<16xf32>
        %mul3A_425 = vector.broadcast %squeeze3A_209 : f32 to vector<16xf32>
        %mul3A_426 = arith.mulf %mul3A_425, %get3A_393 : vector<16xf32>
        %add3A_427 = arith.addf %mul3A_424, %mul3A_426 : vector<16xf32>
        %mul3A_428 = vector.broadcast %squeeze3A_225 : f32 to vector<16xf32>
        %mul3A_429 = arith.mulf %mul3A_428, %get3A_397 : vector<16xf32>
        %add3A_430 = arith.addf %add3A_427, %mul3A_429 : vector<16xf32>
        %add3A_431 = vector.broadcast %squeeze3A_241 : f32 to vector<16xf32>
        %add3A_432 = arith.addf %add3A_431, %get3A_399 : vector<16xf32>
        %add3A_433 = arith.addf %add3A_432, %add3A_430 : vector<16xf32>
        %min3A_434 = arith.minimumf %scan3A_378, %add3A_433 : vector<16xf32>
        %mul3A_435 = vector.broadcast %squeeze3A_195 : f32 to vector<16xf32>
        %mul3A_436 = arith.mulf %mul3A_435, %get3A_389 : vector<16xf32>
        %mul3A_437 = vector.broadcast %squeeze3A_211 : f32 to vector<16xf32>
        %mul3A_438 = arith.mulf %mul3A_437, %get3A_393 : vector<16xf32>
        %add3A_439 = arith.addf %mul3A_436, %mul3A_438 : vector<16xf32>
        %mul3A_440 = vector.broadcast %squeeze3A_227 : f32 to vector<16xf32>
        %mul3A_441 = arith.mulf %mul3A_440, %get3A_397 : vector<16xf32>
        %add3A_442 = arith.addf %add3A_439, %mul3A_441 : vector<16xf32>
        %add3A_443 = vector.broadcast %squeeze3A_243 : f32 to vector<16xf32>
        %add3A_444 = arith.addf %add3A_443, %get3A_399 : vector<16xf32>
        %add3A_445 = arith.addf %add3A_444, %add3A_442 : vector<16xf32>
        %min3A_446 = arith.minimumf %scan3A_379, %add3A_445 : vector<16xf32>
        %mul3A_447 = vector.broadcast %squeeze3A_197 : f32 to vector<16xf32>
        %mul3A_448 = arith.mulf %mul3A_447, %get3A_389 : vector<16xf32>
        %mul3A_449 = vector.broadcast %squeeze3A_213 : f32 to vector<16xf32>
        %mul3A_450 = arith.mulf %mul3A_449, %get3A_393 : vector<16xf32>
        %add3A_451 = arith.addf %mul3A_448, %mul3A_450 : vector<16xf32>
        %mul3A_452 = vector.broadcast %squeeze3A_229 : f32 to vector<16xf32>
        %mul3A_453 = arith.mulf %mul3A_452, %get3A_397 : vector<16xf32>
        %add3A_454 = arith.addf %add3A_451, %mul3A_453 : vector<16xf32>
        %add3A_455 = vector.broadcast %squeeze3A_245 : f32 to vector<16xf32>
        %add3A_456 = arith.addf %add3A_455, %get3A_399 : vector<16xf32>
        %add3A_457 = arith.addf %add3A_456, %add3A_454 : vector<16xf32>
        %min3A_458 = arith.minimumf %scan3A_380, %add3A_457 : vector<16xf32>
        %mul3A_459 = vector.broadcast %squeeze3A_199 : f32 to vector<16xf32>
        %mul3A_460 = arith.mulf %mul3A_459, %get3A_389 : vector<16xf32>
        %mul3A_461 = vector.broadcast %squeeze3A_215 : f32 to vector<16xf32>
        %mul3A_462 = arith.mulf %mul3A_461, %get3A_393 : vector<16xf32>
        %add3A_463 = arith.addf %mul3A_460, %mul3A_462 : vector<16xf32>
        %mul3A_464 = vector.broadcast %squeeze3A_231 : f32 to vector<16xf32>
        %mul3A_465 = arith.mulf %mul3A_464, %get3A_397 : vector<16xf32>
        %add3A_466 = arith.addf %add3A_463, %mul3A_465 : vector<16xf32>
        %add3A_467 = vector.broadcast %squeeze3A_247 : f32 to vector<16xf32>
        %add3A_468 = arith.addf %add3A_467, %get3A_399 : vector<16xf32>
        %add3A_469 = arith.addf %add3A_468, %add3A_466 : vector<16xf32>
        %min3A_470 = arith.minimumf %scan3A_381, %add3A_469 : vector<16xf32>
        %mul3A_471 = vector.broadcast %squeeze3A_201 : f32 to vector<16xf32>
        %mul3A_472 = arith.mulf %mul3A_471, %get3A_389 : vector<16xf32>
        %mul3A_473 = vector.broadcast %squeeze3A_217 : f32 to vector<16xf32>
        %mul3A_474 = arith.mulf %mul3A_473, %get3A_393 : vector<16xf32>
        %add3A_475 = arith.addf %mul3A_472, %mul3A_474 : vector<16xf32>
        %mul3A_476 = vector.broadcast %squeeze3A_233 : f32 to vector<16xf32>
        %mul3A_477 = arith.mulf %mul3A_476, %get3A_397 : vector<16xf32>
        %add3A_478 = arith.addf %add3A_475, %mul3A_477 : vector<16xf32>
        %add3A_479 = vector.broadcast %squeeze3A_249 : f32 to vector<16xf32>
        %add3A_480 = arith.addf %add3A_479, %get3A_399 : vector<16xf32>
        %add3A_481 = arith.addf %add3A_480, %add3A_478 : vector<16xf32>
        %min3A_482 = arith.minimumf %scan3A_382, %add3A_481 : vector<16xf32>
        %mul3A_483 = vector.broadcast %squeeze3A_203 : f32 to vector<16xf32>
        %mul3A_484 = arith.mulf %mul3A_483, %get3A_389 : vector<16xf32>
        %mul3A_485 = vector.broadcast %squeeze3A_219 : f32 to vector<16xf32>
        %mul3A_486 = arith.mulf %mul3A_485, %get3A_393 : vector<16xf32>
        %add3A_487 = arith.addf %mul3A_484, %mul3A_486 : vector<16xf32>
        %mul3A_488 = vector.broadcast %squeeze3A_235 : f32 to vector<16xf32>
        %mul3A_489 = arith.mulf %mul3A_488, %get3A_397 : vector<16xf32>
        %add3A_490 = arith.addf %add3A_487, %mul3A_489 : vector<16xf32>
        %add3A_491 = vector.broadcast %squeeze3A_251 : f32 to vector<16xf32>
        %add3A_492 = arith.addf %add3A_491, %get3A_399 : vector<16xf32>
        %add3A_493 = arith.addf %add3A_492, %add3A_490 : vector<16xf32>
        %min3A_494 = arith.minimumf %scan3A_383, %add3A_493 : vector<16xf32>
        %min3A_495 = arith.minimumf %add3A_410, %add3A_421 : vector<16xf32>
        %min3A_496 = arith.minimumf %add3A_433, %add3A_445 : vector<16xf32>
        %min3A_497 = arith.minimumf %add3A_457, %add3A_469 : vector<16xf32>
        %min3A_498 = arith.minimumf %add3A_481, %add3A_493 : vector<16xf32>
        %min3A_499 = arith.minimumf %min3A_495, %min3A_496 : vector<16xf32>
        %min3A_500 = arith.minimumf %min3A_497, %min3A_498 : vector<16xf32>
        %min3A_501 = arith.minimumf %min3A_499, %min3A_500 : vector<16xf32>
        %get3A_502 = arith.index_cast %mul3A_385 : i32 to index
        %get3A_503 = tpu.vector_load %arg10[%get3A_502] {strides = array<i32>} : memref<4096xf32, #tpu.memory_space<vmem>>, vector<16xf32>,
        %min3A_504 = arith.minimumf %get3A_503, %min3A_501 : vector<16xf32>
        %swap3A_505 = arith.index_cast %mul3A_385 : i32 to index
        %swap3A_506 = tpu.vector_load %arg10[%swap3A_505] {strides = array<i32>} : memref<4096xf32, #tpu.memory_space<vmem>>, vector<16xf32>,
        tpu.vector_store %arg10[%swap3A_505], %min3A_504 {strides = array<i32>} : memref<4096xf32, #tpu.memory_space<vmem>>, vector<16xf32>,
        scf.yield %min3A, %min3A_422, %min3A_434, %min3A_446, %min3A_458, %min3A_470, %min3A_482, %min3A_494 : vector<16xf32>, vector<16xf32>, vector<16xf32>, vector<16xf32>, vector<16xf32>, vector<16xf32>, vector<16xf32>, vector<16xf32>
      }
      %scan3A_257 = arith.constant 256 : i32
      %reduce_min3A_258 = arith.constant true
      %reduce_min3A_259 = vector.broadcast %reduce_min3A_258 : i1 to vector<16xi1>
      %reduce_min3A_260 = tpu.scan <min>, %scan3A_256#0 masked %reduce_min3A_259 : vector<16xf32>, vector<16xi1> -> vector<16xf32>
      %reduce_min3A_261 = vector.extract %reduce_min3A_260[15] : f32 from vector<16xf32>
      %reduce_min3A_262 = arith.constant true
      %reduce_min3A_263 = vector.broadcast %reduce_min3A_262 : i1 to vector<16xi1>
      %reduce_min3A_264 = tpu.scan <min>, %scan3A_256#1 masked %reduce_min3A_263 : vector<16xf32>, vector<16xi1> -> vector<16xf32>
      %reduce_min3A_265 = vector.extract %reduce_min3A_264[15] : f32 from vector<16xf32>
      %reduce_min3A_266 = arith.constant true
      %reduce_min3A_267 = vector.broadcast %reduce_min3A_266 : i1 to vector<16xi1>
      %reduce_min3A_268 = tpu.scan <min>, %scan3A_256#2 masked %reduce_min3A_267 : vector<16xf32>, vector<16xi1> -> vector<16xf32>
      %reduce_min3A_269 = vector.extract %reduce_min3A_268[15] : f32 from vector<16xf32>
      %reduce_min3A_270 = arith.constant true
      %reduce_min3A_271 = vector.broadcast %reduce_min3A_270 : i1 to vector<16xi1>
      %reduce_min3A_272 = tpu.scan <min>, %scan3A_256#3 masked %reduce_min3A_271 : vector<16xf32>, vector<16xi1> -> vector<16xf32>
      %reduce_min3A_273 = vector.extract %reduce_min3A_272[15] : f32 from vector<16xf32>
      %reduce_min3A_274 = arith.constant true
      %reduce_min3A_275 = vector.broadcast %reduce_min3A_274 : i1 to vector<16xi1>
      %reduce_min3A_276 = tpu.scan <min>, %scan3A_256#4 masked %reduce_min3A_275 : vector<16xf32>, vector<16xi1> -> vector<16xf32>
      %reduce_min3A_277 = vector.extract %reduce_min3A_276[15] : f32 from vector<16xf32>
      %reduce_min3A_278 = arith.constant true
      %reduce_min3A_279 = vector.broadcast %reduce_min3A_278 : i1 to vector<16xi1>
      %reduce_min3A_280 = tpu.scan <min>, %scan3A_256#5 masked %reduce_min3A_279 : vector<16xf32>, vector<16xi1> -> vector<16xf32>
      %reduce_min3A_281 = vector.extract %reduce_min3A_280[15] : f32 from vector<16xf32>
      %reduce_min3A_282 = arith.constant true
      %reduce_min3A_283 = vector.broadcast %reduce_min3A_282 : i1 to vector<16xi1>
      %reduce_min3A_284 = tpu.scan <min>, %scan3A_256#6 masked %reduce_min3A_283 : vector<16xf32>, vector<16xi1> -> vector<16xf32>
      %reduce_min3A_285 = vector.extract %reduce_min3A_284[15] : f32 from vector<16xf32>
      %reduce_min3A_286 = arith.constant true
      %reduce_min3A_287 = vector.broadcast %reduce_min3A_286 : i1 to vector<16xi1>
      %reduce_min3A_288 = tpu.scan <min>, %scan3A_256#7 masked %reduce_min3A_287 : vector<16xf32>, vector<16xi1> -> vector<16xf32>
      %reduce_min3A_289 = vector.extract %reduce_min3A_288[15] : f32 from vector<16xf32>
      %broadcast_in_dim3A_290 = arith.constant 0.000000e+00 : f32
      %broadcast_in_dim3A_291 = vector.broadcast %broadcast_in_dim3A_290 : f32 to vector<16xf32>
      %eq3A_292 = arith.constant 0 : i32
      %eq3A_293 = vector.broadcast %eq3A_292 : i32 to vector<16xi32>
      %eq3A_294 = arith.cmpi eq, %iota3A, %eq3A_293 : vector<16xi32>
      %broadcast_in_dim3A_295 = vector.broadcast %reduce_min3A_159 : f32 to vector<16xf32>
      %select_n3A_296 = arith.select %eq3A_294, %broadcast_in_dim3A_295, %broadcast_in_dim3A_291 : vector<16xi1>, vector<16xf32>
      %eq3A_297 = arith.constant 1 : i32
      %eq3A_298 = vector.broadcast %eq3A_297 : i32 to vector<16xi32>
      %eq3A_299 = arith.cmpi eq, %iota3A, %eq3A_298 : vector<16xi32>
      %broadcast_in_dim3A_300 = vector.broadcast %reduce_min3A_163 : f32 to vector<16xf32>
      %select_n3A_301 = arith.select %eq3A_299, %broadcast_in_dim3A_300, %select_n3A_296 : vector<16xi1>, vector<16xf32>
      %eq3A_302 = arith.constant 2 : i32
      %eq3A_303 = vector.broadcast %eq3A_302 : i32 to vector<16xi32>
      %eq3A_304 = arith.cmpi eq, %iota3A, %eq3A_303 : vector<16xi32>
      %broadcast_in_dim3A_305 = vector.broadcast %reduce_min3A_167 : f32 to vector<16xf32>
      %select_n3A_306 = arith.select %eq3A_304, %broadcast_in_dim3A_305, %select_n3A_301 : vector<16xi1>, vector<16xf32>
      %eq3A_307 = arith.constant 3 : i32
      %eq3A_308 = vector.broadcast %eq3A_307 : i32 to vector<16xi32>
      %eq3A_309 = arith.cmpi eq, %iota3A, %eq3A_308 : vector<16xi32>
      %broadcast_in_dim3A_310 = vector.broadcast %reduce_min3A_171 : f32 to vector<16xf32>
      %select_n3A_311 = arith.select %eq3A_309, %broadcast_in_dim3A_310, %select_n3A_306 : vector<16xi1>, vector<16xf32>
      %eq3A_312 = arith.constant 4 : i32
      %eq3A_313 = vector.broadcast %eq3A_312 : i32 to vector<16xi32>
      %eq3A_314 = arith.cmpi eq, %iota3A, %eq3A_313 : vector<16xi32>
      %broadcast_in_dim3A_315 = vector.broadcast %reduce_min3A_175 : f32 to vector<16xf32>
      %select_n3A_316 = arith.select %eq3A_314, %broadcast_in_dim3A_315, %select_n3A_311 : vector<16xi1>, vector<16xf32>
      %eq3A_317 = arith.constant 5 : i32
      %eq3A_318 = vector.broadcast %eq3A_317 : i32 to vector<16xi32>
      %eq3A_319 = arith.cmpi eq, %iota3A, %eq3A_318 : vector<16xi32>
      %broadcast_in_dim3A_320 = vector.broadcast %reduce_min3A_179 : f32 to vector<16xf32>
      %select_n3A_321 = arith.select %eq3A_319, %broadcast_in_dim3A_320, %select_n3A_316 : vector<16xi1>, vector<16xf32>
      %eq3A_322 = arith.constant 6 : i32
      %eq3A_323 = vector.broadcast %eq3A_322 : i32 to vector<16xi32>
      %eq3A_324 = arith.cmpi eq, %iota3A, %eq3A_323 : vector<16xi32>
      %broadcast_in_dim3A_325 = vector.broadcast %reduce_min3A_183 : f32 to vector<16xf32>
      %select_n3A_326 = arith.select %eq3A_324, %broadcast_in_dim3A_325, %select_n3A_321 : vector<16xi1>, vector<16xf32>
      %eq3A_327 = arith.constant 7 : i32
      %eq3A_328 = vector.broadcast %eq3A_327 : i32 to vector<16xi32>
      %eq3A_329 = arith.cmpi eq, %iota3A, %eq3A_328 : vector<16xi32>
      %broadcast_in_dim3A_330 = vector.broadcast %reduce_min3A_187 : f32 to vector<16xf32>
      %select_n3A_331 = arith.select %eq3A_329, %broadcast_in_dim3A_330, %select_n3A_326 : vector<16xi1>, vector<16xf32>
      %eq3A_332 = arith.constant 8 : i32
      %eq3A_333 = vector.broadcast %eq3A_332 : i32 to vector<16xi32>
      %eq3A_334 = arith.cmpi eq, %iota3A, %eq3A_333 : vector<16xi32>
      %broadcast_in_dim3A_335 = vector.broadcast %reduce_min3A_261 : f32 to vector<16xf32>
      %select_n3A_336 = arith.select %eq3A_334, %broadcast_in_dim3A_335, %select_n3A_331 : vector<16xi1>, vector<16xf32>
      %eq3A_337 = arith.constant 9 : i32
      %eq3A_338 = vector.broadcast %eq3A_337 : i32 to vector<16xi32>
      %eq3A_339 = arith.cmpi eq, %iota3A, %eq3A_338 : vector<16xi32>
      %broadcast_in_dim3A_340 = vector.broadcast %reduce_min3A_265 : f32 to vector<16xf32>
      %select_n3A_341 = arith.select %eq3A_339, %broadcast_in_dim3A_340, %select_n3A_336 : vector<16xi1>, vector<16xf32>
      %eq3A_342 = arith.constant 10 : i32
      %eq3A_343 = vector.broadcast %eq3A_342 : i32 to vector<16xi32>
      %eq3A_344 = arith.cmpi eq, %iota3A, %eq3A_343 : vector<16xi32>
      %broadcast_in_dim3A_345 = vector.broadcast %reduce_min3A_269 : f32 to vector<16xf32>
      %select_n3A_346 = arith.select %eq3A_344, %broadcast_in_dim3A_345, %select_n3A_341 : vector<16xi1>, vector<16xf32>
      %eq3A_347 = arith.constant 11 : i32
      %eq3A_348 = vector.broadcast %eq3A_347 : i32 to vector<16xi32>
      %eq3A_349 = arith.cmpi eq, %iota3A, %eq3A_348 : vector<16xi32>
      %broadcast_in_dim3A_350 = vector.broadcast %reduce_min3A_273 : f32 to vector<16xf32>
      %select_n3A_351 = arith.select %eq3A_349, %broadcast_in_dim3A_350, %select_n3A_346 : vector<16xi1>, vector<16xf32>
      %eq3A_352 = arith.constant 12 : i32
      %eq3A_353 = vector.broadcast %eq3A_352 : i32 to vector<16xi32>
      %eq3A_354 = arith.cmpi eq, %iota3A, %eq3A_353 : vector<16xi32>
      %broadcast_in_dim3A_355 = vector.broadcast %reduce_min3A_277 : f32 to vector<16xf32>
      %select_n3A_356 = arith.select %eq3A_354, %broadcast_in_dim3A_355, %select_n3A_351 : vector<16xi1>, vector<16xf32>
      %eq3A_357 = arith.constant 13 : i32
      %eq3A_358 = vector.broadcast %eq3A_357 : i32 to vector<16xi32>
      %eq3A_359 = arith.cmpi eq, %iota3A, %eq3A_358 : vector<16xi32>
      %broadcast_in_dim3A_360 = vector.broadcast %reduce_min3A_281 : f32 to vector<16xf32>
      %select_n3A_361 = arith.select %eq3A_359, %broadcast_in_dim3A_360, %select_n3A_356 : vector<16xi1>, vector<16xf32>
      %eq3A_362 = arith.constant 14 : i32
      %eq3A_363 = vector.broadcast %eq3A_362 : i32 to vector<16xi32>
      %eq3A_364 = arith.cmpi eq, %iota3A, %eq3A_363 : vector<16xi32>
      %broadcast_in_dim3A_365 = vector.broadcast %reduce_min3A_285 : f32 to vector<16xf32>
      %select_n3A_366 = arith.select %eq3A_364, %broadcast_in_dim3A_365, %select_n3A_361 : vector<16xi1>, vector<16xf32>
      %eq3A_367 = arith.constant 15 : i32
      %eq3A_368 = vector.broadcast %eq3A_367 : i32 to vector<16xi32>
      %eq3A_369 = arith.cmpi eq, %iota3A, %eq3A_368 : vector<16xi32>
      %broadcast_in_dim3A_370 = vector.broadcast %reduce_min3A_289 : f32 to vector<16xf32>
      %select_n3A_371 = arith.select %eq3A_369, %broadcast_in_dim3A_370, %select_n3A_366 : vector<16xi1>, vector<16xf32>
      %swap3A_372 = arith.index_cast %mul3A_72 : i32 to index
      %swap3A_373 = tpu.vector_load %arg11[%swap3A_372] {strides = array<i32>} : memref<64xf32, #tpu.memory_space<vmem>>, vector<16xf32>,
      tpu.vector_store %arg11[%swap3A_372], %select_n3A_371 {strides = array<i32>} : memref<64xf32, #tpu.memory_space<vmem>>, vector<16xf32>,
      %scan3A_374 = arith.constant 0 : i32
      scf.yield %scan3A_374 : i32
    }
    %scan3A_53 = arith.constant 4 : i32
    %broadcast_in_dim3A_54 = arith.constant 0.000000e+00 : f32
    %broadcast_in_dim3A_55 = vector.broadcast %broadcast_in_dim3A_54 : f32 to vector<16xf32>
    %scan3A_56 = arith.constant 0 : i32
    %scan3A_57 = arith.constant 4 : i32
    %scan3A_58 = arith.addi %scan3A_56, %scan3A_57 : i32
    %scan3A_59 = arith.constant 1 : i32
    %scan3A_60 = scf.for %scan3A_69 = %scan3A_56 to %scan3A_58 step %scan3A_59 iter_args(%scan3A_70 = %broadcast_in_dim3A_55) -> (vector<16xf32>)  : i32 {
      %mul3A_71 = arith.constant 16 : i32
      %mul3A_72 = arith.muli %scan3A_69, %mul3A_71 : i32
      %get3A = arith.index_cast %mul3A_72 : i32 to index
      %get3A_73 = tpu.vector_load %arg11[%get3A] {strides = array<i32>} : memref<64xf32, #tpu.memory_space<vmem>>, vector<16xf32>,
      %max3A = arith.constant 1.000000e-30 : f32
      %max3A_74 = vector.broadcast %max3A : f32 to vector<16xf32>
      %max3A_75 = arith.maximumf %get3A_73, %max3A_74 : vector<16xf32>
      %bitcast_convert_type3A = tpu.bitcast %max3A_75 : vector<16xf32> -> vector<16xi32>
      %shift_right_arithmetic3A = arith.constant 1 : i32
      %shift_right_arithmetic3A_76 = vector.broadcast %shift_right_arithmetic3A : i32 to vector<16xi32>
      %shift_right_arithmetic3A_77 = arith.shrsi %bitcast_convert_type3A, %shift_right_arithmetic3A_76 : vector<16xi32>
      %sub3A_78 = arith.constant 1597463007 : i32
      %sub3A_79 = vector.broadcast %sub3A_78 : i32 to vector<16xi32>
      %sub3A_80 = arith.subi %sub3A_79, %shift_right_arithmetic3A_77 : vector<16xi32>
      %bitcast_convert_type3A_81 = tpu.bitcast %sub3A_80 : vector<16xi32> -> vector<16xf32>
      %mul3A_82 = arith.constant 5.000000e-01 : f32
      %mul3A_83 = vector.broadcast %mul3A_82 : f32 to vector<16xf32>
      %mul3A_84 = arith.mulf %mul3A_83, %max3A_75 : vector<16xf32>
      %mul3A_85 = arith.mulf %mul3A_84, %bitcast_convert_type3A_81 : vector<16xf32>
      %mul3A_86 = arith.mulf %mul3A_85, %bitcast_convert_type3A_81 : vector<16xf32>
      %sub3A_87 = arith.constant 1.500000e+00 : f32
      %sub3A_88 = vector.broadcast %sub3A_87 : f32 to vector<16xf32>
      %sub3A_89 = arith.subf %sub3A_88, %mul3A_86 : vector<16xf32>
      %mul3A_90 = arith.mulf %bitcast_convert_type3A_81, %sub3A_89 : vector<16xf32>
      %mul3A_91 = arith.constant 5.000000e-01 : f32
      %mul3A_92 = vector.broadcast %mul3A_91 : f32 to vector<16xf32>
      %mul3A_93 = arith.mulf %mul3A_92, %max3A_75 : vector<16xf32>
      %mul3A_94 = arith.mulf %mul3A_93, %mul3A_90 : vector<16xf32>
      %mul3A_95 = arith.mulf %mul3A_94, %mul3A_90 : vector<16xf32>
      %sub3A_96 = arith.constant 1.500000e+00 : f32
      %sub3A_97 = vector.broadcast %sub3A_96 : f32 to vector<16xf32>
      %sub3A_98 = arith.subf %sub3A_97, %mul3A_95 : vector<16xf32>
      %mul3A_99 = arith.mulf %mul3A_90, %sub3A_98 : vector<16xf32>
      %mul3A_100 = arith.constant 5.000000e-01 : f32
      %mul3A_101 = vector.broadcast %mul3A_100 : f32 to vector<16xf32>
      %mul3A_102 = arith.mulf %mul3A_101, %max3A_75 : vector<16xf32>
      %mul3A_103 = arith.mulf %mul3A_102, %mul3A_99 : vector<16xf32>
      %mul3A_104 = arith.mulf %mul3A_103, %mul3A_99 : vector<16xf32>
      %sub3A_105 = arith.constant 1.500000e+00 : f32
      %sub3A_106 = vector.broadcast %sub3A_105 : f32 to vector<16xf32>
      %sub3A_107 = arith.subf %sub3A_106, %mul3A_104 : vector<16xf32>
      %mul3A_108 = arith.mulf %mul3A_99, %sub3A_107 : vector<16xf32>
      %mul3A_109 = arith.mulf %max3A_75, %mul3A_108 : vector<16xf32>
      %add3A_110 = arith.addf %scan3A_70, %mul3A_109 : vector<16xf32>
      scf.yield %add3A_110 : vector<16xf32>
    }
    %scan3A_61 = arith.constant 4 : i32
    %swap3A = arith.constant 0 : index
    %swap3A_62 = tpu.vector_load %arg13[%swap3A] {strides = array<i32>} : memref<16xf32, #tpu.memory_space<vmem>>, vector<16xf32>,
    tpu.vector_store %arg13[%swap3A], %scan3A_60 {strides = array<i32>} : memref<16xf32, #tpu.memory_space<vmem>>, vector<16xf32>,
    %mul3A_63 = arith.constant 16 : i32
    %mul3A_64 = arith.muli %arg0, %mul3A_63 : i32
    %add3A_65 = arith.addi %mul3A_64, %arg1 : i32
    "tpu.region"() ({
      %run_scoped3A = tpu.sem_alloc : memref<!tpu.dma_semaphore, #tpu.memory_space<semaphore_mem>>
      %dma_start3A = arith.constant 0 : i32
      %dma_start3A_69 = tpu.memref_slice %arg4[%add3A_65, %dma_start3A] : memref<32x16xf32, #tpu.memory_space<hbm>> -> memref<1x16xf32, #tpu.memory_space<hbm>>
      %dma_start3A_70 = tpu.memref_squeeze %dma_start3A_69 : memref<1x16xf32, #tpu.memory_space<hbm>> -> memref<16xf32, #tpu.memory_space<hbm>>
      %dma_start3A_71 = arith.constant 0 : i32
      %dma_start3A_72 = tpu.memref_slice %arg4[%add3A_65, %dma_start3A_71] : memref<32x16xf32, #tpu.memory_space<hbm>> -> memref<1x16xf32, #tpu.memory_space<hbm>>
      %dma_start3A_73 = tpu.memref_squeeze %dma_start3A_72 : memref<1x16xf32, #tpu.memory_space<hbm>> -> memref<16xf32, #tpu.memory_space<hbm>>
      tpu.enqueue_dma source(%arg13 : memref<16xf32, #tpu.memory_space<vmem>>) target(%dma_start3A_73 : memref<16xf32, #tpu.memory_space<hbm>>) target_semaphore(%run_scoped3A : memref<!tpu.dma_semaphore, #tpu.memory_space<semaphore_mem>>)
      %dma_wait3A = arith.constant 0 : i32
      %dma_wait3A_74 = tpu.memref_slice %arg4[%add3A_65, %dma_wait3A] : memref<32x16xf32, #tpu.memory_space<hbm>> -> memref<1x16xf32, #tpu.memory_space<hbm>>
      %dma_wait3A_75 = tpu.memref_squeeze %dma_wait3A_74 : memref<1x16xf32, #tpu.memory_space<hbm>> -> memref<16xf32, #tpu.memory_space<hbm>>
      %dma_wait3A_76 = arith.constant 0 : i32
      %dma_wait3A_77 = tpu.memref_slice %arg4[%add3A_65, %dma_wait3A_76] : memref<32x16xf32, #tpu.memory_space<hbm>> -> memref<1x16xf32, #tpu.memory_space<hbm>>
      %dma_wait3A_78 = tpu.memref_squeeze %dma_wait3A_77 : memref<1x16xf32, #tpu.memory_space<hbm>> -> memref<16xf32, #tpu.memory_space<hbm>>
      tpu.wait_dma2 semaphore(%run_scoped3A : memref<!tpu.dma_semaphore, #tpu.memory_space<semaphore_mem>>) src(%arg13 : memref<16xf32, #tpu.memory_space<vmem>>) dst(%dma_wait3A_78 : memref<16xf32, #tpu.memory_space<hbm>>)
      tpu.yield
    }) : () -> ()
    "tpu.region"() ({
      %run_scoped3A = tpu.sem_alloc : memref<!tpu.dma_semaphore, #tpu.memory_space<semaphore_mem>>
      %dma_start3A = arith.constant 0 : i32
      %dma_start3A_69 = tpu.memref_slice %arg14[%arg1, %dma_start3A] : memref<16x4096xf32, #tpu.memory_space<vmem_shared>> -> memref<1x4096xf32, #tpu.memory_space<vmem_shared>>
      %dma_start3A_70 = tpu.memref_squeeze %dma_start3A_69 : memref<1x4096xf32, #tpu.memory_space<vmem_shared>> -> memref<4096xf32, #tpu.memory_space<vmem_shared>>
      %dma_start3A_71 = arith.constant 0 : i32
      %dma_start3A_72 = tpu.memref_slice %arg14[%arg1, %dma_start3A_71] : memref<16x4096xf32, #tpu.memory_space<vmem_shared>> -> memref<1x4096xf32, #tpu.memory_space<vmem_shared>>
      %dma_start3A_73 = tpu.memref_squeeze %dma_start3A_72 : memref<1x4096xf32, #tpu.memory_space<vmem_shared>> -> memref<4096xf32, #tpu.memory_space<vmem_shared>>
      tpu.enqueue_dma source(%arg10 : memref<4096xf32, #tpu.memory_space<vmem>>) target(%dma_start3A_73 : memref<4096xf32, #tpu.memory_space<vmem_shared>>) target_semaphore(%run_scoped3A : memref<!tpu.dma_semaphore, #tpu.memory_space<semaphore_mem>>)
      %dma_wait3A = arith.constant 0 : i32
      %dma_wait3A_74 = tpu.memref_slice %arg14[%arg1, %dma_wait3A] : memref<16x4096xf32, #tpu.memory_space<vmem_shared>> -> memref<1x4096xf32, #tpu.memory_space<vmem_shared>>
      %dma_wait3A_75 = tpu.memref_squeeze %dma_wait3A_74 : memref<1x4096xf32, #tpu.memory_space<vmem_shared>> -> memref<4096xf32, #tpu.memory_space<vmem_shared>>
      %dma_wait3A_76 = arith.constant 0 : i32
      %dma_wait3A_77 = tpu.memref_slice %arg14[%arg1, %dma_wait3A_76] : memref<16x4096xf32, #tpu.memory_space<vmem_shared>> -> memref<1x4096xf32, #tpu.memory_space<vmem_shared>>
      %dma_wait3A_78 = tpu.memref_squeeze %dma_wait3A_77 : memref<1x4096xf32, #tpu.memory_space<vmem_shared>> -> memref<4096xf32, #tpu.memory_space<vmem_shared>>
      tpu.wait_dma2 semaphore(%run_scoped3A : memref<!tpu.dma_semaphore, #tpu.memory_space<semaphore_mem>>) src(%arg10 : memref<4096xf32, #tpu.memory_space<vmem>>) dst(%dma_wait3A_78 : memref<4096xf32, #tpu.memory_space<vmem_shared>>)
      tpu.yield
    }) : () -> ()
    %barrier3A = arith.constant 0 : index
    tpu.barrier barrier_id(%barrier3A)
    %eq3A_66 = arith.constant 0 : i32
    %eq3A_67 = arith.cmpi eq, %select_n3A_30, %eq3A_66 : i32
    %convert_element_type3A = arith.extui %eq3A_67 : i1 to i32
    %cond3A = arith.constant 0 : i32
    %cond3A_68 = arith.cmpi ne, %convert_element_type3A, %cond3A : i32
    scf.if %cond3A_68 {
      %add3A_69 = arith.constant 0 : i32
      %add3A_70 = arith.addi %arg1, %add3A_69 : i32
      %run_scoped3A = arith.constant 0 : i32
      "tpu.region"() ({
        %run_scoped3A_87 = tpu.sem_alloc : memref<!tpu.dma_semaphore, #tpu.memory_space<semaphore_mem>>
        %dma_start3A = arith.constant 0 : i32
        %dma_start3A_88 = tpu.memref_slice %arg12[%run_scoped3A, %dma_start3A] : memref<4x4096xf32, #tpu.memory_space<vmem>> -> memref<1x4096xf32, #tpu.memory_space<vmem>>
        %dma_start3A_89 = tpu.memref_squeeze %dma_start3A_88 : memref<1x4096xf32, #tpu.memory_space<vmem>> -> memref<4096xf32, #tpu.memory_space<vmem>>
        %dma_start3A_90 = arith.constant 0 : i32
        %dma_start3A_91 = tpu.memref_slice %arg14[%add3A_70, %dma_start3A_90] : memref<16x4096xf32, #tpu.memory_space<vmem_shared>> -> memref<1x4096xf32, #tpu.memory_space<vmem_shared>>
        %dma_start3A_92 = tpu.memref_squeeze %dma_start3A_91 : memref<1x4096xf32, #tpu.memory_space<vmem_shared>> -> memref<4096xf32, #tpu.memory_space<vmem_shared>>
        %dma_start3A_93 = arith.constant 0 : i32
        %dma_start3A_94 = tpu.memref_slice %arg12[%run_scoped3A, %dma_start3A_93] : memref<4x4096xf32, #tpu.memory_space<vmem>> -> memref<1x4096xf32, #tpu.memory_space<vmem>>
        %dma_start3A_95 = tpu.memref_squeeze %dma_start3A_94 : memref<1x4096xf32, #tpu.memory_space<vmem>> -> memref<4096xf32, #tpu.memory_space<vmem>>
        %dma_start3A_96 = arith.constant 0 : i32
        %dma_start3A_97 = tpu.memref_slice %arg14[%add3A_70, %dma_start3A_96] : memref<16x4096xf32, #tpu.memory_space<vmem_shared>> -> memref<1x4096xf32, #tpu.memory_space<vmem_shared>>
        %dma_start3A_98 = tpu.memref_squeeze %dma_start3A_97 : memref<1x4096xf32, #tpu.memory_space<vmem_shared>> -> memref<4096xf32, #tpu.memory_space<vmem_shared>>
        tpu.enqueue_dma source(%dma_start3A_98 : memref<4096xf32, #tpu.memory_space<vmem_shared>>) target(%dma_start3A_95 : memref<4096xf32, #tpu.memory_space<vmem>>) target_semaphore(%run_scoped3A_87 : memref<!tpu.dma_semaphore, #tpu.memory_space<semaphore_mem>>)
        %dma_wait3A = arith.constant 0 : i32
        %dma_wait3A_99 = tpu.memref_slice %arg12[%run_scoped3A, %dma_wait3A] : memref<4x4096xf32, #tpu.memory_space<vmem>> -> memref<1x4096xf32, #tpu.memory_space<vmem>>
        %dma_wait3A_100 = tpu.memref_squeeze %dma_wait3A_99 : memref<1x4096xf32, #tpu.memory_space<vmem>> -> memref<4096xf32, #tpu.memory_space<vmem>>
        %dma_wait3A_101 = arith.constant 0 : i32
        %dma_wait3A_102 = tpu.memref_slice %arg14[%add3A_70, %dma_wait3A_101] : memref<16x4096xf32, #tpu.memory_space<vmem_shared>> -> memref<1x4096xf32, #tpu.memory_space<vmem_shared>>
        %dma_wait3A_103 = tpu.memref_squeeze %dma_wait3A_102 : memref<1x4096xf32, #tpu.memory_space<vmem_shared>> -> memref<4096xf32, #tpu.memory_space<vmem_shared>>
        %dma_wait3A_104 = arith.constant 0 : i32
        %dma_wait3A_105 = tpu.memref_slice %arg12[%run_scoped3A, %dma_wait3A_104] : memref<4x4096xf32, #tpu.memory_space<vmem>> -> memref<1x4096xf32, #tpu.memory_space<vmem>>
        %dma_wait3A_106 = tpu.memref_squeeze %dma_wait3A_105 : memref<1x4096xf32, #tpu.memory_space<vmem>> -> memref<4096xf32, #tpu.memory_space<vmem>>
        %dma_wait3A_107 = arith.constant 0 : i32
        %dma_wait3A_108 = tpu.memref_slice %arg14[%add3A_70, %dma_wait3A_107] : memref<16x4096xf32, #tpu.memory_space<vmem_shared>> -> memref<1x4096xf32, #tpu.memory_space<vmem_shared>>
        %dma_wait3A_109 = tpu.memref_squeeze %dma_wait3A_108 : memref<1x4096xf32, #tpu.memory_space<vmem_shared>> -> memref<4096xf32, #tpu.memory_space<vmem_shared>>
        tpu.wait_dma2 semaphore(%run_scoped3A_87 : memref<!tpu.dma_semaphore, #tpu.memory_space<semaphore_mem>>) src(%dma_wait3A_109 : memref<4096xf32, #tpu.memory_space<vmem_shared>>) dst(%dma_wait3A_106 : memref<4096xf32, #tpu.memory_space<vmem>>)
        tpu.yield
      }) : () -> ()
      %add3A_71 = arith.constant 1 : i32
      %add3A_72 = arith.addi %arg1, %add3A_71 : i32
      %run_scoped3A_73 = arith.constant 1 : i32
      "tpu.region"() ({
        %run_scoped3A_87 = tpu.sem_alloc : memref<!tpu.dma_semaphore, #tpu.memory_space<semaphore_mem>>
        %dma_start3A = arith.constant 0 : i32
        %dma_start3A_88 = tpu.memref_slice %arg12[%run_scoped3A_73, %dma_start3A] : memref<4x4096xf32, #tpu.memory_space<vmem>> -> memref<1x4096xf32, #tpu.memory_space<vmem>>
        %dma_start3A_89 = tpu.memref_squeeze %dma_start3A_88 : memref<1x4096xf32, #tpu.memory_space<vmem>> -> memref<4096xf32, #tpu.memory_space<vmem>>
        %dma_start3A_90 = arith.constant 0 : i32
        %dma_start3A_91 = tpu.memref_slice %arg14[%add3A_72, %dma_start3A_90] : memref<16x4096xf32, #tpu.memory_space<vmem_shared>> -> memref<1x4096xf32, #tpu.memory_space<vmem_shared>>
        %dma_start3A_92 = tpu.memref_squeeze %dma_start3A_91 : memref<1x4096xf32, #tpu.memory_space<vmem_shared>> -> memref<4096xf32, #tpu.memory_space<vmem_shared>>
        %dma_start3A_93 = arith.constant 0 : i32
        %dma_start3A_94 = tpu.memref_slice %arg12[%run_scoped3A_73, %dma_start3A_93] : memref<4x4096xf32, #tpu.memory_space<vmem>> -> memref<1x4096xf32, #tpu.memory_space<vmem>>
        %dma_start3A_95 = tpu.memref_squeeze %dma_start3A_94 : memref<1x4096xf32, #tpu.memory_space<vmem>> -> memref<4096xf32, #tpu.memory_space<vmem>>
        %dma_start3A_96 = arith.constant 0 : i32
        %dma_start3A_97 = tpu.memref_slice %arg14[%add3A_72, %dma_start3A_96] : memref<16x4096xf32, #tpu.memory_space<vmem_shared>> -> memref<1x4096xf32, #tpu.memory_space<vmem_shared>>
        %dma_start3A_98 = tpu.memref_squeeze %dma_start3A_97 : memref<1x4096xf32, #tpu.memory_space<vmem_shared>> -> memref<4096xf32, #tpu.memory_space<vmem_shared>>
        tpu.enqueue_dma source(%dma_start3A_98 : memref<4096xf32, #tpu.memory_space<vmem_shared>>) target(%dma_start3A_95 : memref<4096xf32, #tpu.memory_space<vmem>>) target_semaphore(%run_scoped3A_87 : memref<!tpu.dma_semaphore, #tpu.memory_space<semaphore_mem>>)
        %dma_wait3A = arith.constant 0 : i32
        %dma_wait3A_99 = tpu.memref_slice %arg12[%run_scoped3A_73, %dma_wait3A] : memref<4x4096xf32, #tpu.memory_space<vmem>> -> memref<1x4096xf32, #tpu.memory_space<vmem>>
        %dma_wait3A_100 = tpu.memref_squeeze %dma_wait3A_99 : memref<1x4096xf32, #tpu.memory_space<vmem>> -> memref<4096xf32, #tpu.memory_space<vmem>>
        %dma_wait3A_101 = arith.constant 0 : i32
        %dma_wait3A_102 = tpu.memref_slice %arg14[%add3A_72, %dma_wait3A_101] : memref<16x4096xf32, #tpu.memory_space<vmem_shared>> -> memref<1x4096xf32, #tpu.memory_space<vmem_shared>>
        %dma_wait3A_103 = tpu.memref_squeeze %dma_wait3A_102 : memref<1x4096xf32, #tpu.memory_space<vmem_shared>> -> memref<4096xf32, #tpu.memory_space<vmem_shared>>
        %dma_wait3A_104 = arith.constant 0 : i32
        %dma_wait3A_105 = tpu.memref_slice %arg12[%run_scoped3A_73, %dma_wait3A_104] : memref<4x4096xf32, #tpu.memory_space<vmem>> -> memref<1x4096xf32, #tpu.memory_space<vmem>>
        %dma_wait3A_106 = tpu.memref_squeeze %dma_wait3A_105 : memref<1x4096xf32, #tpu.memory_space<vmem>> -> memref<4096xf32, #tpu.memory_space<vmem>>
        %dma_wait3A_107 = arith.constant 0 : i32
        %dma_wait3A_108 = tpu.memref_slice %arg14[%add3A_72, %dma_wait3A_107] : memref<16x4096xf32, #tpu.memory_space<vmem_shared>> -> memref<1x4096xf32, #tpu.memory_space<vmem_shared>>
        %dma_wait3A_109 = tpu.memref_squeeze %dma_wait3A_108 : memref<1x4096xf32, #tpu.memory_space<vmem_shared>> -> memref<4096xf32, #tpu.memory_space<vmem_shared>>
        tpu.wait_dma2 semaphore(%run_scoped3A_87 : memref<!tpu.dma_semaphore, #tpu.memory_space<semaphore_mem>>) src(%dma_wait3A_109 : memref<4096xf32, #tpu.memory_space<vmem_shared>>) dst(%dma_wait3A_106 : memref<4096xf32, #tpu.memory_space<vmem>>)
        tpu.yield
      }) : () -> ()
      %add3A_74 = arith.constant 2 : i32
      %add3A_75 = arith.addi %arg1, %add3A_74 : i32
      %run_scoped3A_76 = arith.constant 2 : i32
      "tpu.region"() ({
        %run_scoped3A_87 = tpu.sem_alloc : memref<!tpu.dma_semaphore, #tpu.memory_space<semaphore_mem>>
        %dma_start3A = arith.constant 0 : i32
        %dma_start3A_88 = tpu.memref_slice %arg12[%run_scoped3A_76, %dma_start3A] : memref<4x4096xf32, #tpu.memory_space<vmem>> -> memref<1x4096xf32, #tpu.memory_space<vmem>>
        %dma_start3A_89 = tpu.memref_squeeze %dma_start3A_88 : memref<1x4096xf32, #tpu.memory_space<vmem>> -> memref<4096xf32, #tpu.memory_space<vmem>>
        %dma_start3A_90 = arith.constant 0 : i32
        %dma_start3A_91 = tpu.memref_slice %arg14[%add3A_75, %dma_start3A_90] : memref<16x4096xf32, #tpu.memory_space<vmem_shared>> -> memref<1x4096xf32, #tpu.memory_space<vmem_shared>>
        %dma_start3A_92 = tpu.memref_squeeze %dma_start3A_91 : memref<1x4096xf32, #tpu.memory_space<vmem_shared>> -> memref<4096xf32, #tpu.memory_space<vmem_shared>>
        %dma_start3A_93 = arith.constant 0 : i32
        %dma_start3A_94 = tpu.memref_slice %arg12[%run_scoped3A_76, %dma_start3A_93] : memref<4x4096xf32, #tpu.memory_space<vmem>> -> memref<1x4096xf32, #tpu.memory_space<vmem>>
        %dma_start3A_95 = tpu.memref_squeeze %dma_start3A_94 : memref<1x4096xf32, #tpu.memory_space<vmem>> -> memref<4096xf32, #tpu.memory_space<vmem>>
        %dma_start3A_96 = arith.constant 0 : i32
        %dma_start3A_97 = tpu.memref_slice %arg14[%add3A_75, %dma_start3A_96] : memref<16x4096xf32, #tpu.memory_space<vmem_shared>> -> memref<1x4096xf32, #tpu.memory_space<vmem_shared>>
        %dma_start3A_98 = tpu.memref_squeeze %dma_start3A_97 : memref<1x4096xf32, #tpu.memory_space<vmem_shared>> -> memref<4096xf32, #tpu.memory_space<vmem_shared>>
        tpu.enqueue_dma source(%dma_start3A_98 : memref<4096xf32, #tpu.memory_space<vmem_shared>>) target(%dma_start3A_95 : memref<4096xf32, #tpu.memory_space<vmem>>) target_semaphore(%run_scoped3A_87 : memref<!tpu.dma_semaphore, #tpu.memory_space<semaphore_mem>>)
        %dma_wait3A = arith.constant 0 : i32
        %dma_wait3A_99 = tpu.memref_slice %arg12[%run_scoped3A_76, %dma_wait3A] : memref<4x4096xf32, #tpu.memory_space<vmem>> -> memref<1x4096xf32, #tpu.memory_space<vmem>>
        %dma_wait3A_100 = tpu.memref_squeeze %dma_wait3A_99 : memref<1x4096xf32, #tpu.memory_space<vmem>> -> memref<4096xf32, #tpu.memory_space<vmem>>
        %dma_wait3A_101 = arith.constant 0 : i32
        %dma_wait3A_102 = tpu.memref_slice %arg14[%add3A_75, %dma_wait3A_101] : memref<16x4096xf32, #tpu.memory_space<vmem_shared>> -> memref<1x4096xf32, #tpu.memory_space<vmem_shared>>
        %dma_wait3A_103 = tpu.memref_squeeze %dma_wait3A_102 : memref<1x4096xf32, #tpu.memory_space<vmem_shared>> -> memref<4096xf32, #tpu.memory_space<vmem_shared>>
        %dma_wait3A_104 = arith.constant 0 : i32
        %dma_wait3A_105 = tpu.memref_slice %arg12[%run_scoped3A_76, %dma_wait3A_104] : memref<4x4096xf32, #tpu.memory_space<vmem>> -> memref<1x4096xf32, #tpu.memory_space<vmem>>
        %dma_wait3A_106 = tpu.memref_squeeze %dma_wait3A_105 : memref<1x4096xf32, #tpu.memory_space<vmem>> -> memref<4096xf32, #tpu.memory_space<vmem>>
        %dma_wait3A_107 = arith.constant 0 : i32
        %dma_wait3A_108 = tpu.memref_slice %arg14[%add3A_75, %dma_wait3A_107] : memref<16x4096xf32, #tpu.memory_space<vmem_shared>> -> memref<1x4096xf32, #tpu.memory_space<vmem_shared>>
        %dma_wait3A_109 = tpu.memref_squeeze %dma_wait3A_108 : memref<1x4096xf32, #tpu.memory_space<vmem_shared>> -> memref<4096xf32, #tpu.memory_space<vmem_shared>>
        tpu.wait_dma2 semaphore(%run_scoped3A_87 : memref<!tpu.dma_semaphore, #tpu.memory_space<semaphore_mem>>) src(%dma_wait3A_109 : memref<4096xf32, #tpu.memory_space<vmem_shared>>) dst(%dma_wait3A_106 : memref<4096xf32, #tpu.memory_space<vmem>>)
        tpu.yield
      }) : () -> ()
      %add3A_77 = arith.constant 3 : i32
      %add3A_78 = arith.addi %arg1, %add3A_77 : i32
      %run_scoped3A_79 = arith.constant 3 : i32
      "tpu.region"() ({
        %run_scoped3A_87 = tpu.sem_alloc : memref<!tpu.dma_semaphore, #tpu.memory_space<semaphore_mem>>
        %dma_start3A = arith.constant 0 : i32
        %dma_start3A_88 = tpu.memref_slice %arg12[%run_scoped3A_79, %dma_start3A] : memref<4x4096xf32, #tpu.memory_space<vmem>> -> memref<1x4096xf32, #tpu.memory_space<vmem>>
        %dma_start3A_89 = tpu.memref_squeeze %dma_start3A_88 : memref<1x4096xf32, #tpu.memory_space<vmem>> -> memref<4096xf32, #tpu.memory_space<vmem>>
        %dma_start3A_90 = arith.constant 0 : i32
        %dma_start3A_91 = tpu.memref_slice %arg14[%add3A_78, %dma_start3A_90] : memref<16x4096xf32, #tpu.memory_space<vmem_shared>> -> memref<1x4096xf32, #tpu.memory_space<vmem_shared>>
        %dma_start3A_92 = tpu.memref_squeeze %dma_start3A_91 : memref<1x4096xf32, #tpu.memory_space<vmem_shared>> -> memref<4096xf32, #tpu.memory_space<vmem_shared>>
        %dma_start3A_93 = arith.constant 0 : i32
        %dma_start3A_94 = tpu.memref_slice %arg12[%run_scoped3A_79, %dma_start3A_93] : memref<4x4096xf32, #tpu.memory_space<vmem>> -> memref<1x4096xf32, #tpu.memory_space<vmem>>
        %dma_start3A_95 = tpu.memref_squeeze %dma_start3A_94 : memref<1x4096xf32, #tpu.memory_space<vmem>> -> memref<4096xf32, #tpu.memory_space<vmem>>
        %dma_start3A_96 = arith.constant 0 : i32
        %dma_start3A_97 = tpu.memref_slice %arg14[%add3A_78, %dma_start3A_96] : memref<16x4096xf32, #tpu.memory_space<vmem_shared>> -> memref<1x4096xf32, #tpu.memory_space<vmem_shared>>
        %dma_start3A_98 = tpu.memref_squeeze %dma_start3A_97 : memref<1x4096xf32, #tpu.memory_space<vmem_shared>> -> memref<4096xf32, #tpu.memory_space<vmem_shared>>
        tpu.enqueue_dma source(%dma_start3A_98 : memref<4096xf32, #tpu.memory_space<vmem_shared>>) target(%dma_start3A_95 : memref<4096xf32, #tpu.memory_space<vmem>>) target_semaphore(%run_scoped3A_87 : memref<!tpu.dma_semaphore, #tpu.memory_space<semaphore_mem>>)
        %dma_wait3A = arith.constant 0 : i32
        %dma_wait3A_99 = tpu.memref_slice %arg12[%run_scoped3A_79, %dma_wait3A] : memref<4x4096xf32, #tpu.memory_space<vmem>> -> memref<1x4096xf32, #tpu.memory_space<vmem>>
        %dma_wait3A_100 = tpu.memref_squeeze %dma_wait3A_99 : memref<1x4096xf32, #tpu.memory_space<vmem>> -> memref<4096xf32, #tpu.memory_space<vmem>>
        %dma_wait3A_101 = arith.constant 0 : i32
        %dma_wait3A_102 = tpu.memref_slice %arg14[%add3A_78, %dma_wait3A_101] : memref<16x4096xf32, #tpu.memory_space<vmem_shared>> -> memref<1x4096xf32, #tpu.memory_space<vmem_shared>>
        %dma_wait3A_103 = tpu.memref_squeeze %dma_wait3A_102 : memref<1x4096xf32, #tpu.memory_space<vmem_shared>> -> memref<4096xf32, #tpu.memory_space<vmem_shared>>
        %dma_wait3A_104 = arith.constant 0 : i32
        %dma_wait3A_105 = tpu.memref_slice %arg12[%run_scoped3A_79, %dma_wait3A_104] : memref<4x4096xf32, #tpu.memory_space<vmem>> -> memref<1x4096xf32, #tpu.memory_space<vmem>>
        %dma_wait3A_106 = tpu.memref_squeeze %dma_wait3A_105 : memref<1x4096xf32, #tpu.memory_space<vmem>> -> memref<4096xf32, #tpu.memory_space<vmem>>
        %dma_wait3A_107 = arith.constant 0 : i32
        %dma_wait3A_108 = tpu.memref_slice %arg14[%add3A_78, %dma_wait3A_107] : memref<16x4096xf32, #tpu.memory_space<vmem_shared>> -> memref<1x4096xf32, #tpu.memory_space<vmem_shared>>
        %dma_wait3A_109 = tpu.memref_squeeze %dma_wait3A_108 : memref<1x4096xf32, #tpu.memory_space<vmem_shared>> -> memref<4096xf32, #tpu.memory_space<vmem_shared>>
        tpu.wait_dma2 semaphore(%run_scoped3A_87 : memref<!tpu.dma_semaphore, #tpu.memory_space<semaphore_mem>>) src(%dma_wait3A_109 : memref<4096xf32, #tpu.memory_space<vmem_shared>>) dst(%dma_wait3A_106 : memref<4096xf32, #tpu.memory_space<vmem>>)
        tpu.yield
      }) : () -> ()
      %scan3A_80 = arith.constant 0 : i32
      %scan3A_81 = arith.constant 0 : i32
      %scan3A_82 = arith.constant 256 : i32
      %scan3A_83 = arith.addi %scan3A_81, %scan3A_82 : i32
      %scan3A_84 = arith.constant 1 : i32
      %scan3A_85 = scf.for %scan3A_87 = %scan3A_81 to %scan3A_83 step %scan3A_84 iter_args(%scan3A_88 = %scan3A_80) -> (i32)  : i32 {
        %mul3A_89 = arith.constant 16 : i32
        %mul3A_90 = arith.muli %scan3A_87, %mul3A_89 : i32
        %get3A = arith.constant 0 : i32
        %get3A_91 = arith.index_cast %get3A : i32 to index
        %get3A_92 = arith.index_cast %mul3A_90 : i32 to index
        %get3A_93 = tpu.vector_load %arg12[%get3A_91, %get3A_92] {strides = array<i32>} : memref<4x4096xf32, #tpu.memory_space<vmem>>, vector<16xf32>,
        %get3A_94 = arith.constant 1 : i32
        %get3A_95 = arith.index_cast %get3A_94 : i32 to index
        %get3A_96 = arith.index_cast %mul3A_90 : i32 to index
        %get3A_97 = tpu.vector_load %arg12[%get3A_95, %get3A_96] {strides = array<i32>} : memref<4x4096xf32, #tpu.memory_space<vmem>>, vector<16xf32>,
        %min3A = arith.minimumf %get3A_93, %get3A_97 : vector<16xf32>
        %get3A_98 = arith.constant 2 : i32
        %get3A_99 = arith.index_cast %get3A_98 : i32 to index
        %get3A_100 = arith.index_cast %mul3A_90 : i32 to index
        %get3A_101 = tpu.vector_load %arg12[%get3A_99, %get3A_100] {strides = array<i32>} : memref<4x4096xf32, #tpu.memory_space<vmem>>, vector<16xf32>,
        %get3A_102 = arith.constant 3 : i32
        %get3A_103 = arith.index_cast %get3A_102 : i32 to index
        %get3A_104 = arith.index_cast %mul3A_90 : i32 to index
        %get3A_105 = tpu.vector_load %arg12[%get3A_103, %get3A_104] {strides = array<i32>} : memref<4x4096xf32, #tpu.memory_space<vmem>>, vector<16xf32>,
        %min3A_106 = arith.minimumf %get3A_101, %get3A_105 : vector<16xf32>
        %min3A_107 = arith.minimumf %min3A, %min3A_106 : vector<16xf32>
        %swap3A_108 = arith.index_cast %mul3A_90 : i32 to index
        %swap3A_109 = tpu.vector_load %arg10[%swap3A_108] {strides = array<i32>} : memref<4096xf32, #tpu.memory_space<vmem>>, vector<16xf32>,
        tpu.vector_store %arg10[%swap3A_108], %min3A_107 {strides = array<i32>} : memref<4096xf32, #tpu.memory_space<vmem>>, vector<16xf32>,
        %scan3A_110 = arith.constant 0 : i32
        scf.yield %scan3A_110 : i32
      }
      %scan3A_86 = arith.constant 256 : i32
      "tpu.region"() ({
        %run_scoped3A_87 = tpu.sem_alloc : memref<!tpu.dma_semaphore, #tpu.memory_space<semaphore_mem>>
        %dma_start3A = arith.constant 0 : i32
        %dma_start3A_88 = tpu.memref_slice %arg5[%add3A, %dma_start3A] : memref<8x4096xf32, #tpu.memory_space<hbm>> -> memref<1x4096xf32, #tpu.memory_space<hbm>>
        %dma_start3A_89 = tpu.memref_squeeze %dma_start3A_88 : memref<1x4096xf32, #tpu.memory_space<hbm>> -> memref<4096xf32, #tpu.memory_space<hbm>>
        %dma_start3A_90 = arith.constant 0 : i32
        %dma_start3A_91 = tpu.memref_slice %arg5[%add3A, %dma_start3A_90] : memref<8x4096xf32, #tpu.memory_space<hbm>> -> memref<1x4096xf32, #tpu.memory_space<hbm>>
        %dma_start3A_92 = tpu.memref_squeeze %dma_start3A_91 : memref<1x4096xf32, #tpu.memory_space<hbm>> -> memref<4096xf32, #tpu.memory_space<hbm>>
        tpu.enqueue_dma source(%arg10 : memref<4096xf32, #tpu.memory_space<vmem>>) target(%dma_start3A_92 : memref<4096xf32, #tpu.memory_space<hbm>>) target_semaphore(%run_scoped3A_87 : memref<!tpu.dma_semaphore, #tpu.memory_space<semaphore_mem>>)
        %dma_wait3A = arith.constant 0 : i32
        %dma_wait3A_93 = tpu.memref_slice %arg5[%add3A, %dma_wait3A] : memref<8x4096xf32, #tpu.memory_space<hbm>> -> memref<1x4096xf32, #tpu.memory_space<hbm>>
        %dma_wait3A_94 = tpu.memref_squeeze %dma_wait3A_93 : memref<1x4096xf32, #tpu.memory_space<hbm>> -> memref<4096xf32, #tpu.memory_space<hbm>>
        %dma_wait3A_95 = arith.constant 0 : i32
        %dma_wait3A_96 = tpu.memref_slice %arg5[%add3A, %dma_wait3A_95] : memref<8x4096xf32, #tpu.memory_space<hbm>> -> memref<1x4096xf32, #tpu.memory_space<hbm>>
        %dma_wait3A_97 = tpu.memref_squeeze %dma_wait3A_96 : memref<1x4096xf32, #tpu.memory_space<hbm>> -> memref<4096xf32, #tpu.memory_space<hbm>>
        tpu.wait_dma2 semaphore(%run_scoped3A_87 : memref<!tpu.dma_semaphore, #tpu.memory_space<semaphore_mem>>) src(%arg10 : memref<4096xf32, #tpu.memory_space<vmem>>) dst(%dma_wait3A_97 : memref<4096xf32, #tpu.memory_space<hbm>>)
        tpu.yield
      }) : () -> ()
    } else {
    }
    return
  }
}

module attributes {stable_mosaic.version = 14 : i64} {
  func.func @_tc_body(%arg0: i32, %arg1: memref<1x3840x8xbf16, #tpu.memory_space<vmem>>, %arg2: memref<1x8x4096xbf16, #tpu.memory_space<vmem>>, %arg3: memref<1x1x128xf32, #tpu.memory_space<vmem>>, %arg4: memref<1x1x4096xf32, #tpu.memory_space<vmem>>) attributes {dimension_semantics = [#tpu.dimension_semantics<arbitrary>], iteration_bounds = array<i64: 8>, scalar_prefetch = 0 : i64, scratch_operands = 0 : i64, tpu.core_type = #tpu.core_type<tc>, window_params = [{transform_indices = @transform_0, window_bounds = array<i64: 1, 3840, 8>}, {transform_indices = @transform_1, window_bounds = array<i64: 1, 8, 4096>}, {transform_indices = @transform_2, window_bounds = array<i64: 1, 1, 128>}, {transform_indices = @transform_3, window_bounds = array<i64: 1, 1, 4096>}]} {
    %broadcast_in_dim3A = arith.constant 0x7F800000 : f32
    %broadcast_in_dim3A_0 = vector.broadcast %broadcast_in_dim3A : f32 to vector<4096xf32>
    %broadcast_in_dim3A_1 = arith.constant 0.000000e+00 : f32
    %broadcast_in_dim3A_2 = vector.broadcast %broadcast_in_dim3A_1 : f32 to vector<128xf32>
    %get3A = arith.constant 0 : index
    %get3A_3 = arith.constant 0 : index
    %get3A_4 = arith.constant 0 : index
    %get3A_5 = vector.load %arg1[%get3A, %get3A_3, %get3A_4] : memref<1x3840x8xbf16, #tpu.memory_space<vmem>>, vector<1x256x8xbf16>
    %get3A_6 = vector.shape_cast %get3A_5 : vector<1x256x8xbf16> to vector<256x8xbf16>
    %get3A_7 = arith.constant 0 : index
    %get3A_8 = arith.constant 0 : index
    %get3A_9 = arith.constant 0 : index
    %get3A_10 = vector.load %arg2[%get3A_7, %get3A_8, %get3A_9] : memref<1x8x4096xbf16, #tpu.memory_space<vmem>>, vector<1x8x4096xbf16>
    %get3A_11 = vector.shape_cast %get3A_10 : vector<1x8x4096xbf16> to vector<8x4096xbf16>
    %dot_general3A = arith.constant dense<0.000000e+00> : vector<256x4096xf32>
    %dot_general3A_12 = tpu.matmul %get3A_6, %get3A_11, %dot_general3A {dimension_numbers = #tpu.dot_dimension_numbers<[1], [0], [0], [1], [0, 0, 1, 1], [], []>, transpose_lhs_hint = false} : vector<256x8xbf16>, vector<8x4096xbf16>, vector<256x4096xf32> -> vector<256x4096xf32>
    %reduce_min3A = arith.constant dense<0x7F800000> : vector<256xf32>
    %reduce_min3A_13 = vector.multi_reduction <minimumf>, %dot_general3A_12, %reduce_min3A [1] : vector<256x4096xf32> to vector<256xf32>
    %max3A = arith.constant 0.000000e+00 : f32
    %max3A_14 = vector.broadcast %max3A : f32 to vector<256xf32>
    %max3A_15 = arith.maximumf %reduce_min3A_13, %max3A_14 : vector<256xf32>
    %sqrt3A = math.sqrt %max3A_15 : vector<256xf32>
    %reshape3A = vector.shape_cast %sqrt3A : vector<256xf32> to vector<2x128xf32>
    %reduce_sum3A = arith.constant dense<0.000000e+00> : vector<128xf32>
    %reduce_sum3A_16 = vector.multi_reduction <add>, %reshape3A, %reduce_sum3A [0] : vector<2x128xf32> to vector<128xf32>
    %add3A = arith.addf %broadcast_in_dim3A_2, %reduce_sum3A_16 : vector<128xf32>
    %reduce_min3A_17 = arith.constant dense<0x7F800000> : vector<4096xf32>
    %reduce_min3A_18 = vector.multi_reduction <minimumf>, %dot_general3A_12, %reduce_min3A_17 [0] : vector<256x4096xf32> to vector<4096xf32>
    %min3A = arith.minimumf %broadcast_in_dim3A_0, %reduce_min3A_18 : vector<4096xf32>
    %get3A_19 = arith.constant 0 : index
    %get3A_20 = arith.constant 256 : index
    %get3A_21 = arith.constant 0 : index
    %get3A_22 = vector.load %arg1[%get3A_19, %get3A_20, %get3A_21] : memref<1x3840x8xbf16, #tpu.memory_space<vmem>>, vector<1x256x8xbf16>
    %get3A_23 = vector.shape_cast %get3A_22 : vector<1x256x8xbf16> to vector<256x8xbf16>
    %get3A_24 = arith.constant 0 : index
    %get3A_25 = arith.constant 0 : index
    %get3A_26 = arith.constant 0 : index
    %get3A_27 = vector.load %arg2[%get3A_24, %get3A_25, %get3A_26] : memref<1x8x4096xbf16, #tpu.memory_space<vmem>>, vector<1x8x4096xbf16>
    %get3A_28 = vector.shape_cast %get3A_27 : vector<1x8x4096xbf16> to vector<8x4096xbf16>
    %dot_general3A_29 = arith.constant dense<0.000000e+00> : vector<256x4096xf32>
    %dot_general3A_30 = tpu.matmul %get3A_23, %get3A_28, %dot_general3A_29 {dimension_numbers = #tpu.dot_dimension_numbers<[1], [0], [0], [1], [0, 0, 1, 1], [], []>, transpose_lhs_hint = false} : vector<256x8xbf16>, vector<8x4096xbf16>, vector<256x4096xf32> -> vector<256x4096xf32>
    %reduce_min3A_31 = arith.constant dense<0x7F800000> : vector<256xf32>
    %reduce_min3A_32 = vector.multi_reduction <minimumf>, %dot_general3A_30, %reduce_min3A_31 [1] : vector<256x4096xf32> to vector<256xf32>
    %max3A_33 = arith.constant 0.000000e+00 : f32
    %max3A_34 = vector.broadcast %max3A_33 : f32 to vector<256xf32>
    %max3A_35 = arith.maximumf %reduce_min3A_32, %max3A_34 : vector<256xf32>
    %sqrt3A_36 = math.sqrt %max3A_35 : vector<256xf32>
    %reshape3A_37 = vector.shape_cast %sqrt3A_36 : vector<256xf32> to vector<2x128xf32>
    %reduce_sum3A_38 = arith.constant dense<0.000000e+00> : vector<128xf32>
    %reduce_sum3A_39 = vector.multi_reduction <add>, %reshape3A_37, %reduce_sum3A_38 [0] : vector<2x128xf32> to vector<128xf32>
    %add3A_40 = arith.addf %add3A, %reduce_sum3A_39 : vector<128xf32>
    %reduce_min3A_41 = arith.constant dense<0x7F800000> : vector<4096xf32>
    %reduce_min3A_42 = vector.multi_reduction <minimumf>, %dot_general3A_30, %reduce_min3A_41 [0] : vector<256x4096xf32> to vector<4096xf32>
    %min3A_43 = arith.minimumf %min3A, %reduce_min3A_42 : vector<4096xf32>
    %get3A_44 = arith.constant 0 : index
    %get3A_45 = arith.constant 512 : index
    %get3A_46 = arith.constant 0 : index
    %get3A_47 = vector.load %arg1[%get3A_44, %get3A_45, %get3A_46] : memref<1x3840x8xbf16, #tpu.memory_space<vmem>>, vector<1x256x8xbf16>
    %get3A_48 = vector.shape_cast %get3A_47 : vector<1x256x8xbf16> to vector<256x8xbf16>
    %get3A_49 = arith.constant 0 : index
    %get3A_50 = arith.constant 0 : index
    %get3A_51 = arith.constant 0 : index
    %get3A_52 = vector.load %arg2[%get3A_49, %get3A_50, %get3A_51] : memref<1x8x4096xbf16, #tpu.memory_space<vmem>>, vector<1x8x4096xbf16>
    %get3A_53 = vector.shape_cast %get3A_52 : vector<1x8x4096xbf16> to vector<8x4096xbf16>
    %dot_general3A_54 = arith.constant dense<0.000000e+00> : vector<256x4096xf32>
    %dot_general3A_55 = tpu.matmul %get3A_48, %get3A_53, %dot_general3A_54 {dimension_numbers = #tpu.dot_dimension_numbers<[1], [0], [0], [1], [0, 0, 1, 1], [], []>, transpose_lhs_hint = false} : vector<256x8xbf16>, vector<8x4096xbf16>, vector<256x4096xf32> -> vector<256x4096xf32>
    %reduce_min3A_56 = arith.constant dense<0x7F800000> : vector<256xf32>
    %reduce_min3A_57 = vector.multi_reduction <minimumf>, %dot_general3A_55, %reduce_min3A_56 [1] : vector<256x4096xf32> to vector<256xf32>
    %max3A_58 = arith.constant 0.000000e+00 : f32
    %max3A_59 = vector.broadcast %max3A_58 : f32 to vector<256xf32>
    %max3A_60 = arith.maximumf %reduce_min3A_57, %max3A_59 : vector<256xf32>
    %sqrt3A_61 = math.sqrt %max3A_60 : vector<256xf32>
    %reshape3A_62 = vector.shape_cast %sqrt3A_61 : vector<256xf32> to vector<2x128xf32>
    %reduce_sum3A_63 = arith.constant dense<0.000000e+00> : vector<128xf32>
    %reduce_sum3A_64 = vector.multi_reduction <add>, %reshape3A_62, %reduce_sum3A_63 [0] : vector<2x128xf32> to vector<128xf32>
    %add3A_65 = arith.addf %add3A_40, %reduce_sum3A_64 : vector<128xf32>
    %reduce_min3A_66 = arith.constant dense<0x7F800000> : vector<4096xf32>
    %reduce_min3A_67 = vector.multi_reduction <minimumf>, %dot_general3A_55, %reduce_min3A_66 [0] : vector<256x4096xf32> to vector<4096xf32>
    %min3A_68 = arith.minimumf %min3A_43, %reduce_min3A_67 : vector<4096xf32>
    %get3A_69 = arith.constant 0 : index
    %get3A_70 = arith.constant 768 : index
    %get3A_71 = arith.constant 0 : index
    %get3A_72 = vector.load %arg1[%get3A_69, %get3A_70, %get3A_71] : memref<1x3840x8xbf16, #tpu.memory_space<vmem>>, vector<1x256x8xbf16>
    %get3A_73 = vector.shape_cast %get3A_72 : vector<1x256x8xbf16> to vector<256x8xbf16>
    %get3A_74 = arith.constant 0 : index
    %get3A_75 = arith.constant 0 : index
    %get3A_76 = arith.constant 0 : index
    %get3A_77 = vector.load %arg2[%get3A_74, %get3A_75, %get3A_76] : memref<1x8x4096xbf16, #tpu.memory_space<vmem>>, vector<1x8x4096xbf16>
    %get3A_78 = vector.shape_cast %get3A_77 : vector<1x8x4096xbf16> to vector<8x4096xbf16>
    %dot_general3A_79 = arith.constant dense<0.000000e+00> : vector<256x4096xf32>
    %dot_general3A_80 = tpu.matmul %get3A_73, %get3A_78, %dot_general3A_79 {dimension_numbers = #tpu.dot_dimension_numbers<[1], [0], [0], [1], [0, 0, 1, 1], [], []>, transpose_lhs_hint = false} : vector<256x8xbf16>, vector<8x4096xbf16>, vector<256x4096xf32> -> vector<256x4096xf32>
    %reduce_min3A_81 = arith.constant dense<0x7F800000> : vector<256xf32>
    %reduce_min3A_82 = vector.multi_reduction <minimumf>, %dot_general3A_80, %reduce_min3A_81 [1] : vector<256x4096xf32> to vector<256xf32>
    %max3A_83 = arith.constant 0.000000e+00 : f32
    %max3A_84 = vector.broadcast %max3A_83 : f32 to vector<256xf32>
    %max3A_85 = arith.maximumf %reduce_min3A_82, %max3A_84 : vector<256xf32>
    %sqrt3A_86 = math.sqrt %max3A_85 : vector<256xf32>
    %reshape3A_87 = vector.shape_cast %sqrt3A_86 : vector<256xf32> to vector<2x128xf32>
    %reduce_sum3A_88 = arith.constant dense<0.000000e+00> : vector<128xf32>
    %reduce_sum3A_89 = vector.multi_reduction <add>, %reshape3A_87, %reduce_sum3A_88 [0] : vector<2x128xf32> to vector<128xf32>
    %add3A_90 = arith.addf %add3A_65, %reduce_sum3A_89 : vector<128xf32>
    %reduce_min3A_91 = arith.constant dense<0x7F800000> : vector<4096xf32>
    %reduce_min3A_92 = vector.multi_reduction <minimumf>, %dot_general3A_80, %reduce_min3A_91 [0] : vector<256x4096xf32> to vector<4096xf32>
    %min3A_93 = arith.minimumf %min3A_68, %reduce_min3A_92 : vector<4096xf32>
    %get3A_94 = arith.constant 0 : index
    %get3A_95 = arith.constant 1024 : index
    %get3A_96 = arith.constant 0 : index
    %get3A_97 = vector.load %arg1[%get3A_94, %get3A_95, %get3A_96] : memref<1x3840x8xbf16, #tpu.memory_space<vmem>>, vector<1x256x8xbf16>
    %get3A_98 = vector.shape_cast %get3A_97 : vector<1x256x8xbf16> to vector<256x8xbf16>
    %get3A_99 = arith.constant 0 : index
    %get3A_100 = arith.constant 0 : index
    %get3A_101 = arith.constant 0 : index
    %get3A_102 = vector.load %arg2[%get3A_99, %get3A_100, %get3A_101] : memref<1x8x4096xbf16, #tpu.memory_space<vmem>>, vector<1x8x4096xbf16>
    %get3A_103 = vector.shape_cast %get3A_102 : vector<1x8x4096xbf16> to vector<8x4096xbf16>
    %dot_general3A_104 = arith.constant dense<0.000000e+00> : vector<256x4096xf32>
    %dot_general3A_105 = tpu.matmul %get3A_98, %get3A_103, %dot_general3A_104 {dimension_numbers = #tpu.dot_dimension_numbers<[1], [0], [0], [1], [0, 0, 1, 1], [], []>, transpose_lhs_hint = false} : vector<256x8xbf16>, vector<8x4096xbf16>, vector<256x4096xf32> -> vector<256x4096xf32>
    %reduce_min3A_106 = arith.constant dense<0x7F800000> : vector<256xf32>
    %reduce_min3A_107 = vector.multi_reduction <minimumf>, %dot_general3A_105, %reduce_min3A_106 [1] : vector<256x4096xf32> to vector<256xf32>
    %max3A_108 = arith.constant 0.000000e+00 : f32
    %max3A_109 = vector.broadcast %max3A_108 : f32 to vector<256xf32>
    %max3A_110 = arith.maximumf %reduce_min3A_107, %max3A_109 : vector<256xf32>
    %sqrt3A_111 = math.sqrt %max3A_110 : vector<256xf32>
    %reshape3A_112 = vector.shape_cast %sqrt3A_111 : vector<256xf32> to vector<2x128xf32>
    %reduce_sum3A_113 = arith.constant dense<0.000000e+00> : vector<128xf32>
    %reduce_sum3A_114 = vector.multi_reduction <add>, %reshape3A_112, %reduce_sum3A_113 [0] : vector<2x128xf32> to vector<128xf32>
    %add3A_115 = arith.addf %add3A_90, %reduce_sum3A_114 : vector<128xf32>
    %reduce_min3A_116 = arith.constant dense<0x7F800000> : vector<4096xf32>
    %reduce_min3A_117 = vector.multi_reduction <minimumf>, %dot_general3A_105, %reduce_min3A_116 [0] : vector<256x4096xf32> to vector<4096xf32>
    %min3A_118 = arith.minimumf %min3A_93, %reduce_min3A_117 : vector<4096xf32>
    %get3A_119 = arith.constant 0 : index
    %get3A_120 = arith.constant 1280 : index
    %get3A_121 = arith.constant 0 : index
    %get3A_122 = vector.load %arg1[%get3A_119, %get3A_120, %get3A_121] : memref<1x3840x8xbf16, #tpu.memory_space<vmem>>, vector<1x256x8xbf16>
    %get3A_123 = vector.shape_cast %get3A_122 : vector<1x256x8xbf16> to vector<256x8xbf16>
    %get3A_124 = arith.constant 0 : index
    %get3A_125 = arith.constant 0 : index
    %get3A_126 = arith.constant 0 : index
    %get3A_127 = vector.load %arg2[%get3A_124, %get3A_125, %get3A_126] : memref<1x8x4096xbf16, #tpu.memory_space<vmem>>, vector<1x8x4096xbf16>
    %get3A_128 = vector.shape_cast %get3A_127 : vector<1x8x4096xbf16> to vector<8x4096xbf16>
    %dot_general3A_129 = arith.constant dense<0.000000e+00> : vector<256x4096xf32>
    %dot_general3A_130 = tpu.matmul %get3A_123, %get3A_128, %dot_general3A_129 {dimension_numbers = #tpu.dot_dimension_numbers<[1], [0], [0], [1], [0, 0, 1, 1], [], []>, transpose_lhs_hint = false} : vector<256x8xbf16>, vector<8x4096xbf16>, vector<256x4096xf32> -> vector<256x4096xf32>
    %reduce_min3A_131 = arith.constant dense<0x7F800000> : vector<256xf32>
    %reduce_min3A_132 = vector.multi_reduction <minimumf>, %dot_general3A_130, %reduce_min3A_131 [1] : vector<256x4096xf32> to vector<256xf32>
    %max3A_133 = arith.constant 0.000000e+00 : f32
    %max3A_134 = vector.broadcast %max3A_133 : f32 to vector<256xf32>
    %max3A_135 = arith.maximumf %reduce_min3A_132, %max3A_134 : vector<256xf32>
    %sqrt3A_136 = math.sqrt %max3A_135 : vector<256xf32>
    %reshape3A_137 = vector.shape_cast %sqrt3A_136 : vector<256xf32> to vector<2x128xf32>
    %reduce_sum3A_138 = arith.constant dense<0.000000e+00> : vector<128xf32>
    %reduce_sum3A_139 = vector.multi_reduction <add>, %reshape3A_137, %reduce_sum3A_138 [0] : vector<2x128xf32> to vector<128xf32>
    %add3A_140 = arith.addf %add3A_115, %reduce_sum3A_139 : vector<128xf32>
    %reduce_min3A_141 = arith.constant dense<0x7F800000> : vector<4096xf32>
    %reduce_min3A_142 = vector.multi_reduction <minimumf>, %dot_general3A_130, %reduce_min3A_141 [0] : vector<256x4096xf32> to vector<4096xf32>
    %min3A_143 = arith.minimumf %min3A_118, %reduce_min3A_142 : vector<4096xf32>
    %get3A_144 = arith.constant 0 : index
    %get3A_145 = arith.constant 1536 : index
    %get3A_146 = arith.constant 0 : index
    %get3A_147 = vector.load %arg1[%get3A_144, %get3A_145, %get3A_146] : memref<1x3840x8xbf16, #tpu.memory_space<vmem>>, vector<1x256x8xbf16>
    %get3A_148 = vector.shape_cast %get3A_147 : vector<1x256x8xbf16> to vector<256x8xbf16>
    %get3A_149 = arith.constant 0 : index
    %get3A_150 = arith.constant 0 : index
    %get3A_151 = arith.constant 0 : index
    %get3A_152 = vector.load %arg2[%get3A_149, %get3A_150, %get3A_151] : memref<1x8x4096xbf16, #tpu.memory_space<vmem>>, vector<1x8x4096xbf16>
    %get3A_153 = vector.shape_cast %get3A_152 : vector<1x8x4096xbf16> to vector<8x4096xbf16>
    %dot_general3A_154 = arith.constant dense<0.000000e+00> : vector<256x4096xf32>
    %dot_general3A_155 = tpu.matmul %get3A_148, %get3A_153, %dot_general3A_154 {dimension_numbers = #tpu.dot_dimension_numbers<[1], [0], [0], [1], [0, 0, 1, 1], [], []>, transpose_lhs_hint = false} : vector<256x8xbf16>, vector<8x4096xbf16>, vector<256x4096xf32> -> vector<256x4096xf32>
    %reduce_min3A_156 = arith.constant dense<0x7F800000> : vector<256xf32>
    %reduce_min3A_157 = vector.multi_reduction <minimumf>, %dot_general3A_155, %reduce_min3A_156 [1] : vector<256x4096xf32> to vector<256xf32>
    %max3A_158 = arith.constant 0.000000e+00 : f32
    %max3A_159 = vector.broadcast %max3A_158 : f32 to vector<256xf32>
    %max3A_160 = arith.maximumf %reduce_min3A_157, %max3A_159 : vector<256xf32>
    %sqrt3A_161 = math.sqrt %max3A_160 : vector<256xf32>
    %reshape3A_162 = vector.shape_cast %sqrt3A_161 : vector<256xf32> to vector<2x128xf32>
    %reduce_sum3A_163 = arith.constant dense<0.000000e+00> : vector<128xf32>
    %reduce_sum3A_164 = vector.multi_reduction <add>, %reshape3A_162, %reduce_sum3A_163 [0] : vector<2x128xf32> to vector<128xf32>
    %add3A_165 = arith.addf %add3A_140, %reduce_sum3A_164 : vector<128xf32>
    %reduce_min3A_166 = arith.constant dense<0x7F800000> : vector<4096xf32>
    %reduce_min3A_167 = vector.multi_reduction <minimumf>, %dot_general3A_155, %reduce_min3A_166 [0] : vector<256x4096xf32> to vector<4096xf32>
    %min3A_168 = arith.minimumf %min3A_143, %reduce_min3A_167 : vector<4096xf32>
    %get3A_169 = arith.constant 0 : index
    %get3A_170 = arith.constant 1792 : index
    %get3A_171 = arith.constant 0 : index
    %get3A_172 = vector.load %arg1[%get3A_169, %get3A_170, %get3A_171] : memref<1x3840x8xbf16, #tpu.memory_space<vmem>>, vector<1x256x8xbf16>
    %get3A_173 = vector.shape_cast %get3A_172 : vector<1x256x8xbf16> to vector<256x8xbf16>
    %get3A_174 = arith.constant 0 : index
    %get3A_175 = arith.constant 0 : index
    %get3A_176 = arith.constant 0 : index
    %get3A_177 = vector.load %arg2[%get3A_174, %get3A_175, %get3A_176] : memref<1x8x4096xbf16, #tpu.memory_space<vmem>>, vector<1x8x4096xbf16>
    %get3A_178 = vector.shape_cast %get3A_177 : vector<1x8x4096xbf16> to vector<8x4096xbf16>
    %dot_general3A_179 = arith.constant dense<0.000000e+00> : vector<256x4096xf32>
    %dot_general3A_180 = tpu.matmul %get3A_173, %get3A_178, %dot_general3A_179 {dimension_numbers = #tpu.dot_dimension_numbers<[1], [0], [0], [1], [0, 0, 1, 1], [], []>, transpose_lhs_hint = false} : vector<256x8xbf16>, vector<8x4096xbf16>, vector<256x4096xf32> -> vector<256x4096xf32>
    %reduce_min3A_181 = arith.constant dense<0x7F800000> : vector<256xf32>
    %reduce_min3A_182 = vector.multi_reduction <minimumf>, %dot_general3A_180, %reduce_min3A_181 [1] : vector<256x4096xf32> to vector<256xf32>
    %max3A_183 = arith.constant 0.000000e+00 : f32
    %max3A_184 = vector.broadcast %max3A_183 : f32 to vector<256xf32>
    %max3A_185 = arith.maximumf %reduce_min3A_182, %max3A_184 : vector<256xf32>
    %sqrt3A_186 = math.sqrt %max3A_185 : vector<256xf32>
    %reshape3A_187 = vector.shape_cast %sqrt3A_186 : vector<256xf32> to vector<2x128xf32>
    %reduce_sum3A_188 = arith.constant dense<0.000000e+00> : vector<128xf32>
    %reduce_sum3A_189 = vector.multi_reduction <add>, %reshape3A_187, %reduce_sum3A_188 [0] : vector<2x128xf32> to vector<128xf32>
    %add3A_190 = arith.addf %add3A_165, %reduce_sum3A_189 : vector<128xf32>
    %reduce_min3A_191 = arith.constant dense<0x7F800000> : vector<4096xf32>
    %reduce_min3A_192 = vector.multi_reduction <minimumf>, %dot_general3A_180, %reduce_min3A_191 [0] : vector<256x4096xf32> to vector<4096xf32>
    %min3A_193 = arith.minimumf %min3A_168, %reduce_min3A_192 : vector<4096xf32>
    %get3A_194 = arith.constant 0 : index
    %get3A_195 = arith.constant 2048 : index
    %get3A_196 = arith.constant 0 : index
    %get3A_197 = vector.load %arg1[%get3A_194, %get3A_195, %get3A_196] : memref<1x3840x8xbf16, #tpu.memory_space<vmem>>, vector<1x256x8xbf16>
    %get3A_198 = vector.shape_cast %get3A_197 : vector<1x256x8xbf16> to vector<256x8xbf16>
    %get3A_199 = arith.constant 0 : index
    %get3A_200 = arith.constant 0 : index
    %get3A_201 = arith.constant 0 : index
    %get3A_202 = vector.load %arg2[%get3A_199, %get3A_200, %get3A_201] : memref<1x8x4096xbf16, #tpu.memory_space<vmem>>, vector<1x8x4096xbf16>
    %get3A_203 = vector.shape_cast %get3A_202 : vector<1x8x4096xbf16> to vector<8x4096xbf16>
    %dot_general3A_204 = arith.constant dense<0.000000e+00> : vector<256x4096xf32>
    %dot_general3A_205 = tpu.matmul %get3A_198, %get3A_203, %dot_general3A_204 {dimension_numbers = #tpu.dot_dimension_numbers<[1], [0], [0], [1], [0, 0, 1, 1], [], []>, transpose_lhs_hint = false} : vector<256x8xbf16>, vector<8x4096xbf16>, vector<256x4096xf32> -> vector<256x4096xf32>
    %reduce_min3A_206 = arith.constant dense<0x7F800000> : vector<256xf32>
    %reduce_min3A_207 = vector.multi_reduction <minimumf>, %dot_general3A_205, %reduce_min3A_206 [1] : vector<256x4096xf32> to vector<256xf32>
    %max3A_208 = arith.constant 0.000000e+00 : f32
    %max3A_209 = vector.broadcast %max3A_208 : f32 to vector<256xf32>
    %max3A_210 = arith.maximumf %reduce_min3A_207, %max3A_209 : vector<256xf32>
    %sqrt3A_211 = math.sqrt %max3A_210 : vector<256xf32>
    %reshape3A_212 = vector.shape_cast %sqrt3A_211 : vector<256xf32> to vector<2x128xf32>
    %reduce_sum3A_213 = arith.constant dense<0.000000e+00> : vector<128xf32>
    %reduce_sum3A_214 = vector.multi_reduction <add>, %reshape3A_212, %reduce_sum3A_213 [0] : vector<2x128xf32> to vector<128xf32>
    %add3A_215 = arith.addf %add3A_190, %reduce_sum3A_214 : vector<128xf32>
    %reduce_min3A_216 = arith.constant dense<0x7F800000> : vector<4096xf32>
    %reduce_min3A_217 = vector.multi_reduction <minimumf>, %dot_general3A_205, %reduce_min3A_216 [0] : vector<256x4096xf32> to vector<4096xf32>
    %min3A_218 = arith.minimumf %min3A_193, %reduce_min3A_217 : vector<4096xf32>
    %get3A_219 = arith.constant 0 : index
    %get3A_220 = arith.constant 2304 : index
    %get3A_221 = arith.constant 0 : index
    %get3A_222 = vector.load %arg1[%get3A_219, %get3A_220, %get3A_221] : memref<1x3840x8xbf16, #tpu.memory_space<vmem>>, vector<1x256x8xbf16>
    %get3A_223 = vector.shape_cast %get3A_222 : vector<1x256x8xbf16> to vector<256x8xbf16>
    %get3A_224 = arith.constant 0 : index
    %get3A_225 = arith.constant 0 : index
    %get3A_226 = arith.constant 0 : index
    %get3A_227 = vector.load %arg2[%get3A_224, %get3A_225, %get3A_226] : memref<1x8x4096xbf16, #tpu.memory_space<vmem>>, vector<1x8x4096xbf16>
    %get3A_228 = vector.shape_cast %get3A_227 : vector<1x8x4096xbf16> to vector<8x4096xbf16>
    %dot_general3A_229 = arith.constant dense<0.000000e+00> : vector<256x4096xf32>
    %dot_general3A_230 = tpu.matmul %get3A_223, %get3A_228, %dot_general3A_229 {dimension_numbers = #tpu.dot_dimension_numbers<[1], [0], [0], [1], [0, 0, 1, 1], [], []>, transpose_lhs_hint = false} : vector<256x8xbf16>, vector<8x4096xbf16>, vector<256x4096xf32> -> vector<256x4096xf32>
    %reduce_min3A_231 = arith.constant dense<0x7F800000> : vector<256xf32>
    %reduce_min3A_232 = vector.multi_reduction <minimumf>, %dot_general3A_230, %reduce_min3A_231 [1] : vector<256x4096xf32> to vector<256xf32>
    %max3A_233 = arith.constant 0.000000e+00 : f32
    %max3A_234 = vector.broadcast %max3A_233 : f32 to vector<256xf32>
    %max3A_235 = arith.maximumf %reduce_min3A_232, %max3A_234 : vector<256xf32>
    %sqrt3A_236 = math.sqrt %max3A_235 : vector<256xf32>
    %reshape3A_237 = vector.shape_cast %sqrt3A_236 : vector<256xf32> to vector<2x128xf32>
    %reduce_sum3A_238 = arith.constant dense<0.000000e+00> : vector<128xf32>
    %reduce_sum3A_239 = vector.multi_reduction <add>, %reshape3A_237, %reduce_sum3A_238 [0] : vector<2x128xf32> to vector<128xf32>
    %add3A_240 = arith.addf %add3A_215, %reduce_sum3A_239 : vector<128xf32>
    %reduce_min3A_241 = arith.constant dense<0x7F800000> : vector<4096xf32>
    %reduce_min3A_242 = vector.multi_reduction <minimumf>, %dot_general3A_230, %reduce_min3A_241 [0] : vector<256x4096xf32> to vector<4096xf32>
    %min3A_243 = arith.minimumf %min3A_218, %reduce_min3A_242 : vector<4096xf32>
    %get3A_244 = arith.constant 0 : index
    %get3A_245 = arith.constant 2560 : index
    %get3A_246 = arith.constant 0 : index
    %get3A_247 = vector.load %arg1[%get3A_244, %get3A_245, %get3A_246] : memref<1x3840x8xbf16, #tpu.memory_space<vmem>>, vector<1x256x8xbf16>
    %get3A_248 = vector.shape_cast %get3A_247 : vector<1x256x8xbf16> to vector<256x8xbf16>
    %get3A_249 = arith.constant 0 : index
    %get3A_250 = arith.constant 0 : index
    %get3A_251 = arith.constant 0 : index
    %get3A_252 = vector.load %arg2[%get3A_249, %get3A_250, %get3A_251] : memref<1x8x4096xbf16, #tpu.memory_space<vmem>>, vector<1x8x4096xbf16>
    %get3A_253 = vector.shape_cast %get3A_252 : vector<1x8x4096xbf16> to vector<8x4096xbf16>
    %dot_general3A_254 = arith.constant dense<0.000000e+00> : vector<256x4096xf32>
    %dot_general3A_255 = tpu.matmul %get3A_248, %get3A_253, %dot_general3A_254 {dimension_numbers = #tpu.dot_dimension_numbers<[1], [0], [0], [1], [0, 0, 1, 1], [], []>, transpose_lhs_hint = false} : vector<256x8xbf16>, vector<8x4096xbf16>, vector<256x4096xf32> -> vector<256x4096xf32>
    %reduce_min3A_256 = arith.constant dense<0x7F800000> : vector<256xf32>
    %reduce_min3A_257 = vector.multi_reduction <minimumf>, %dot_general3A_255, %reduce_min3A_256 [1] : vector<256x4096xf32> to vector<256xf32>
    %max3A_258 = arith.constant 0.000000e+00 : f32
    %max3A_259 = vector.broadcast %max3A_258 : f32 to vector<256xf32>
    %max3A_260 = arith.maximumf %reduce_min3A_257, %max3A_259 : vector<256xf32>
    %sqrt3A_261 = math.sqrt %max3A_260 : vector<256xf32>
    %reshape3A_262 = vector.shape_cast %sqrt3A_261 : vector<256xf32> to vector<2x128xf32>
    %reduce_sum3A_263 = arith.constant dense<0.000000e+00> : vector<128xf32>
    %reduce_sum3A_264 = vector.multi_reduction <add>, %reshape3A_262, %reduce_sum3A_263 [0] : vector<2x128xf32> to vector<128xf32>
    %add3A_265 = arith.addf %add3A_240, %reduce_sum3A_264 : vector<128xf32>
    %reduce_min3A_266 = arith.constant dense<0x7F800000> : vector<4096xf32>
    %reduce_min3A_267 = vector.multi_reduction <minimumf>, %dot_general3A_255, %reduce_min3A_266 [0] : vector<256x4096xf32> to vector<4096xf32>
    %min3A_268 = arith.minimumf %min3A_243, %reduce_min3A_267 : vector<4096xf32>
    %get3A_269 = arith.constant 0 : index
    %get3A_270 = arith.constant 2816 : index
    %get3A_271 = arith.constant 0 : index
    %get3A_272 = vector.load %arg1[%get3A_269, %get3A_270, %get3A_271] : memref<1x3840x8xbf16, #tpu.memory_space<vmem>>, vector<1x256x8xbf16>
    %get3A_273 = vector.shape_cast %get3A_272 : vector<1x256x8xbf16> to vector<256x8xbf16>
    %get3A_274 = arith.constant 0 : index
    %get3A_275 = arith.constant 0 : index
    %get3A_276 = arith.constant 0 : index
    %get3A_277 = vector.load %arg2[%get3A_274, %get3A_275, %get3A_276] : memref<1x8x4096xbf16, #tpu.memory_space<vmem>>, vector<1x8x4096xbf16>
    %get3A_278 = vector.shape_cast %get3A_277 : vector<1x8x4096xbf16> to vector<8x4096xbf16>
    %dot_general3A_279 = arith.constant dense<0.000000e+00> : vector<256x4096xf32>
    %dot_general3A_280 = tpu.matmul %get3A_273, %get3A_278, %dot_general3A_279 {dimension_numbers = #tpu.dot_dimension_numbers<[1], [0], [0], [1], [0, 0, 1, 1], [], []>, transpose_lhs_hint = false} : vector<256x8xbf16>, vector<8x4096xbf16>, vector<256x4096xf32> -> vector<256x4096xf32>
    %reduce_min3A_281 = arith.constant dense<0x7F800000> : vector<256xf32>
    %reduce_min3A_282 = vector.multi_reduction <minimumf>, %dot_general3A_280, %reduce_min3A_281 [1] : vector<256x4096xf32> to vector<256xf32>
    %max3A_283 = arith.constant 0.000000e+00 : f32
    %max3A_284 = vector.broadcast %max3A_283 : f32 to vector<256xf32>
    %max3A_285 = arith.maximumf %reduce_min3A_282, %max3A_284 : vector<256xf32>
    %sqrt3A_286 = math.sqrt %max3A_285 : vector<256xf32>
    %reshape3A_287 = vector.shape_cast %sqrt3A_286 : vector<256xf32> to vector<2x128xf32>
    %reduce_sum3A_288 = arith.constant dense<0.000000e+00> : vector<128xf32>
    %reduce_sum3A_289 = vector.multi_reduction <add>, %reshape3A_287, %reduce_sum3A_288 [0] : vector<2x128xf32> to vector<128xf32>
    %add3A_290 = arith.addf %add3A_265, %reduce_sum3A_289 : vector<128xf32>
    %reduce_min3A_291 = arith.constant dense<0x7F800000> : vector<4096xf32>
    %reduce_min3A_292 = vector.multi_reduction <minimumf>, %dot_general3A_280, %reduce_min3A_291 [0] : vector<256x4096xf32> to vector<4096xf32>
    %min3A_293 = arith.minimumf %min3A_268, %reduce_min3A_292 : vector<4096xf32>
    %get3A_294 = arith.constant 0 : index
    %get3A_295 = arith.constant 3072 : index
    %get3A_296 = arith.constant 0 : index
    %get3A_297 = vector.load %arg1[%get3A_294, %get3A_295, %get3A_296] : memref<1x3840x8xbf16, #tpu.memory_space<vmem>>, vector<1x256x8xbf16>
    %get3A_298 = vector.shape_cast %get3A_297 : vector<1x256x8xbf16> to vector<256x8xbf16>
    %get3A_299 = arith.constant 0 : index
    %get3A_300 = arith.constant 0 : index
    %get3A_301 = arith.constant 0 : index
    %get3A_302 = vector.load %arg2[%get3A_299, %get3A_300, %get3A_301] : memref<1x8x4096xbf16, #tpu.memory_space<vmem>>, vector<1x8x4096xbf16>
    %get3A_303 = vector.shape_cast %get3A_302 : vector<1x8x4096xbf16> to vector<8x4096xbf16>
    %dot_general3A_304 = arith.constant dense<0.000000e+00> : vector<256x4096xf32>
    %dot_general3A_305 = tpu.matmul %get3A_298, %get3A_303, %dot_general3A_304 {dimension_numbers = #tpu.dot_dimension_numbers<[1], [0], [0], [1], [0, 0, 1, 1], [], []>, transpose_lhs_hint = false} : vector<256x8xbf16>, vector<8x4096xbf16>, vector<256x4096xf32> -> vector<256x4096xf32>
    %reduce_min3A_306 = arith.constant dense<0x7F800000> : vector<256xf32>
    %reduce_min3A_307 = vector.multi_reduction <minimumf>, %dot_general3A_305, %reduce_min3A_306 [1] : vector<256x4096xf32> to vector<256xf32>
    %max3A_308 = arith.constant 0.000000e+00 : f32
    %max3A_309 = vector.broadcast %max3A_308 : f32 to vector<256xf32>
    %max3A_310 = arith.maximumf %reduce_min3A_307, %max3A_309 : vector<256xf32>
    %sqrt3A_311 = math.sqrt %max3A_310 : vector<256xf32>
    %reshape3A_312 = vector.shape_cast %sqrt3A_311 : vector<256xf32> to vector<2x128xf32>
    %reduce_sum3A_313 = arith.constant dense<0.000000e+00> : vector<128xf32>
    %reduce_sum3A_314 = vector.multi_reduction <add>, %reshape3A_312, %reduce_sum3A_313 [0] : vector<2x128xf32> to vector<128xf32>
    %add3A_315 = arith.addf %add3A_290, %reduce_sum3A_314 : vector<128xf32>
    %reduce_min3A_316 = arith.constant dense<0x7F800000> : vector<4096xf32>
    %reduce_min3A_317 = vector.multi_reduction <minimumf>, %dot_general3A_305, %reduce_min3A_316 [0] : vector<256x4096xf32> to vector<4096xf32>
    %min3A_318 = arith.minimumf %min3A_293, %reduce_min3A_317 : vector<4096xf32>
    %get3A_319 = arith.constant 0 : index
    %get3A_320 = arith.constant 3328 : index
    %get3A_321 = arith.constant 0 : index
    %get3A_322 = vector.load %arg1[%get3A_319, %get3A_320, %get3A_321] : memref<1x3840x8xbf16, #tpu.memory_space<vmem>>, vector<1x256x8xbf16>
    %get3A_323 = vector.shape_cast %get3A_322 : vector<1x256x8xbf16> to vector<256x8xbf16>
    %get3A_324 = arith.constant 0 : index
    %get3A_325 = arith.constant 0 : index
    %get3A_326 = arith.constant 0 : index
    %get3A_327 = vector.load %arg2[%get3A_324, %get3A_325, %get3A_326] : memref<1x8x4096xbf16, #tpu.memory_space<vmem>>, vector<1x8x4096xbf16>
    %get3A_328 = vector.shape_cast %get3A_327 : vector<1x8x4096xbf16> to vector<8x4096xbf16>
    %dot_general3A_329 = arith.constant dense<0.000000e+00> : vector<256x4096xf32>
    %dot_general3A_330 = tpu.matmul %get3A_323, %get3A_328, %dot_general3A_329 {dimension_numbers = #tpu.dot_dimension_numbers<[1], [0], [0], [1], [0, 0, 1, 1], [], []>, transpose_lhs_hint = false} : vector<256x8xbf16>, vector<8x4096xbf16>, vector<256x4096xf32> -> vector<256x4096xf32>
    %reduce_min3A_331 = arith.constant dense<0x7F800000> : vector<256xf32>
    %reduce_min3A_332 = vector.multi_reduction <minimumf>, %dot_general3A_330, %reduce_min3A_331 [1] : vector<256x4096xf32> to vector<256xf32>
    %max3A_333 = arith.constant 0.000000e+00 : f32
    %max3A_334 = vector.broadcast %max3A_333 : f32 to vector<256xf32>
    %max3A_335 = arith.maximumf %reduce_min3A_332, %max3A_334 : vector<256xf32>
    %sqrt3A_336 = math.sqrt %max3A_335 : vector<256xf32>
    %reshape3A_337 = vector.shape_cast %sqrt3A_336 : vector<256xf32> to vector<2x128xf32>
    %reduce_sum3A_338 = arith.constant dense<0.000000e+00> : vector<128xf32>
    %reduce_sum3A_339 = vector.multi_reduction <add>, %reshape3A_337, %reduce_sum3A_338 [0] : vector<2x128xf32> to vector<128xf32>
    %add3A_340 = arith.addf %add3A_315, %reduce_sum3A_339 : vector<128xf32>
    %reduce_min3A_341 = arith.constant dense<0x7F800000> : vector<4096xf32>
    %reduce_min3A_342 = vector.multi_reduction <minimumf>, %dot_general3A_330, %reduce_min3A_341 [0] : vector<256x4096xf32> to vector<4096xf32>
    %min3A_343 = arith.minimumf %min3A_318, %reduce_min3A_342 : vector<4096xf32>
    %get3A_344 = arith.constant 0 : index
    %get3A_345 = arith.constant 3584 : index
    %get3A_346 = arith.constant 0 : index
    %get3A_347 = vector.load %arg1[%get3A_344, %get3A_345, %get3A_346] : memref<1x3840x8xbf16, #tpu.memory_space<vmem>>, vector<1x256x8xbf16>
    %get3A_348 = vector.shape_cast %get3A_347 : vector<1x256x8xbf16> to vector<256x8xbf16>
    %get3A_349 = arith.constant 0 : index
    %get3A_350 = arith.constant 0 : index
    %get3A_351 = arith.constant 0 : index
    %get3A_352 = vector.load %arg2[%get3A_349, %get3A_350, %get3A_351] : memref<1x8x4096xbf16, #tpu.memory_space<vmem>>, vector<1x8x4096xbf16>
    %get3A_353 = vector.shape_cast %get3A_352 : vector<1x8x4096xbf16> to vector<8x4096xbf16>
    %dot_general3A_354 = arith.constant dense<0.000000e+00> : vector<256x4096xf32>
    %dot_general3A_355 = tpu.matmul %get3A_348, %get3A_353, %dot_general3A_354 {dimension_numbers = #tpu.dot_dimension_numbers<[1], [0], [0], [1], [0, 0, 1, 1], [], []>, transpose_lhs_hint = false} : vector<256x8xbf16>, vector<8x4096xbf16>, vector<256x4096xf32> -> vector<256x4096xf32>
    %reduce_min3A_356 = arith.constant dense<0x7F800000> : vector<256xf32>
    %reduce_min3A_357 = vector.multi_reduction <minimumf>, %dot_general3A_355, %reduce_min3A_356 [1] : vector<256x4096xf32> to vector<256xf32>
    %max3A_358 = arith.constant 0.000000e+00 : f32
    %max3A_359 = vector.broadcast %max3A_358 : f32 to vector<256xf32>
    %max3A_360 = arith.maximumf %reduce_min3A_357, %max3A_359 : vector<256xf32>
    %sqrt3A_361 = math.sqrt %max3A_360 : vector<256xf32>
    %reshape3A_362 = vector.shape_cast %sqrt3A_361 : vector<256xf32> to vector<2x128xf32>
    %reduce_sum3A_363 = arith.constant dense<0.000000e+00> : vector<128xf32>
    %reduce_sum3A_364 = vector.multi_reduction <add>, %reshape3A_362, %reduce_sum3A_363 [0] : vector<2x128xf32> to vector<128xf32>
    %add3A_365 = arith.addf %add3A_340, %reduce_sum3A_364 : vector<128xf32>
    %reduce_min3A_366 = arith.constant dense<0x7F800000> : vector<4096xf32>
    %reduce_min3A_367 = vector.multi_reduction <minimumf>, %dot_general3A_355, %reduce_min3A_366 [0] : vector<256x4096xf32> to vector<4096xf32>
    %min3A_368 = arith.minimumf %min3A_343, %reduce_min3A_367 : vector<4096xf32>
    %swap3A = arith.constant 0 : index
    %swap3A_369 = arith.constant 0 : index
    %swap3A_370 = arith.constant 0 : index
    %swap3A_371 = vector.load %arg3[%swap3A, %swap3A_369, %swap3A_370] : memref<1x1x128xf32, #tpu.memory_space<vmem>>, vector<1x1x128xf32>
    %swap3A_372 = vector.shape_cast %swap3A_371 : vector<1x1x128xf32> to vector<128xf32>
    %swap3A_373 = vector.shape_cast %add3A_365 : vector<128xf32> to vector<1x1x128xf32>
    tpu.vector_store %arg3[%swap3A, %swap3A_369, %swap3A_370], %swap3A_373 {strides = array<i32>} : memref<1x1x128xf32, #tpu.memory_space<vmem>>, vector<1x1x128xf32>,
    %swap3A_374 = arith.constant 0 : index
    %swap3A_375 = arith.constant 0 : index
    %swap3A_376 = arith.constant 0 : index
    %swap3A_377 = vector.load %arg4[%swap3A_374, %swap3A_375, %swap3A_376] : memref<1x1x4096xf32, #tpu.memory_space<vmem>>, vector<1x1x4096xf32>
    %swap3A_378 = vector.shape_cast %swap3A_377 : vector<1x1x4096xf32> to vector<4096xf32>
    %swap3A_379 = vector.shape_cast %min3A_368 : vector<4096xf32> to vector<1x1x4096xf32>
    tpu.vector_store %arg4[%swap3A_374, %swap3A_375, %swap3A_376], %swap3A_379 {strides = array<i32>} : memref<1x1x4096xf32, #tpu.memory_space<vmem>>, vector<1x1x4096xf32>,
    return
  }
  func.func @transform_0(%arg0: i32) -> (i32, i32, i32) {
    %c0_i32 = arith.constant 0 : i32
    %c0_i32_0 = arith.constant 0 : i32
    %c0_i32_1 = arith.constant 0 : i32
    return %arg0, %c0_i32, %c0_i32_0 : i32, i32, i32
  }
  func.func @transform_1(%arg0: i32) -> (i32, i32, i32) {
    %c0_i32 = arith.constant 0 : i32
    %c0_i32_0 = arith.constant 0 : i32
    %c0_i32_1 = arith.constant 0 : i32
    return %arg0, %c0_i32, %c0_i32_0 : i32, i32, i32
  }
  func.func @transform_2(%arg0: i32) -> (i32, i32, i32) {
    %c0_i32 = arith.constant 0 : i32
    %c0_i32_0 = arith.constant 0 : i32
    %c0_i32_1 = arith.constant 0 : i32
    return %arg0, %c0_i32, %c0_i32_0 : i32, i32, i32
  }
  func.func @transform_3(%arg0: i32) -> (i32, i32, i32) {
    %c0_i32 = arith.constant 0 : i32
    %c0_i32_0 = arith.constant 0 : i32
    %c0_i32_1 = arith.constant 0 : i32
    return %arg0, %c0_i32, %c0_i32_0 : i32, i32, i32
  }
}

module attributes {stable_mosaic.version = 14 : i64} {
  func.func @_merge_body(%arg0: memref<8x4096xf32, #tpu.memory_space<vmem>>, %arg1: memref<8x4096xf32, #tpu.memory_space<vmem>>, %arg2: memref<8x128xf32, #tpu.memory_space<vmem>>) attributes {dimension_semantics = [], scalar_prefetch = 0 : i64, scratch_operands = 0 : i64, tpu.core_type = #tpu.core_type<tc>} {
    %get3A = arith.constant 0 : index
    %get3A_0 = arith.constant 0 : index
    %get3A_1 = vector.load %arg0[%get3A, %get3A_0] : memref<8x4096xf32, #tpu.memory_space<vmem>>, vector<8x4096xf32>
    %get3A_2 = arith.constant 0 : index
    %get3A_3 = arith.constant 0 : index
    %get3A_4 = vector.load %arg1[%get3A_2, %get3A_3] : memref<8x4096xf32, #tpu.memory_space<vmem>>, vector<8x4096xf32>
    %min3A = arith.minimumf %get3A_1, %get3A_4 : vector<8x4096xf32>
    %max3A = arith.constant 0.000000e+00 : f32
    %max3A_5 = vector.broadcast %max3A : f32 to vector<8x4096xf32>
    %max3A_6 = arith.maximumf %min3A, %max3A_5 : vector<8x4096xf32>
    %sqrt3A = math.sqrt %max3A_6 : vector<8x4096xf32>
    %reshape3A = vector.shape_cast %sqrt3A : vector<8x4096xf32> to vector<8x32x128xf32>
    %reduce_sum3A = arith.constant dense<0.000000e+00> : vector<8x128xf32>
    %reduce_sum3A_7 = vector.multi_reduction <add>, %reshape3A, %reduce_sum3A [1] : vector<8x32x128xf32> to vector<8x128xf32>
    %swap3A = arith.constant 0 : index
    %swap3A_8 = arith.constant 0 : index
    %swap3A_9 = vector.load %arg2[%swap3A, %swap3A_8] : memref<8x128xf32, #tpu.memory_space<vmem>>, vector<8x128xf32>
    tpu.vector_store %arg2[%swap3A, %swap3A_8], %reduce_sum3A_7 {strides = array<i32>} : memref<8x128xf32, #tpu.memory_space<vmem>>, vector<8x128xf32>,
    return
  }
}

</mosaic_0001>

<sc_bundles>
// kernel: kernel.5.cloned.1.call-start
scs
__scs_entry_jumppad:
0x0: {  	(pc) =	sbr.rel $0x88, $3  }
0x1: {  	(tag) =	ssettag $0x0;
	lr =	simm.s32 $0x1  }
0x2: {  	[smem:$0x3F9F] =	sst lr;
	_ =	strace $0xD0000000  }
0x3: {  	_ = 	snop  }
0x4: {  	_ = 	snop  }
0x5: {  	_ = 	snop  }
0x6: {  	_ = 	snop  }
0x7: {  	_ = 	snop  }
__scs_overlays_trampoline_lowered:
0x8: {  	[smem:$0x3FAE] =	sst s0  }
0x9: {  	[smem:$0x3FAF] =	sst s1  }
0xa: {  	[smem:$0x3FB0] =	sst s2  }
0xb: {  	[smem:$0x3FB1] =	sst s3  }
0xc: {  	[smem:$0x3FB2] =	sst s4  }
0xd: {  	[smem:$0x3FB3] =	sst s5  }
0xe: {  	[smem:$0x3FB4] =	sst s6  }
0xf: {  	[smem:$0x3FB5] =	sst s7  }
0x10: {  	[smem:$0x3FB6] =	sst s8  }
0x11: {  	[smem:$0x3FB7] =	sst s9;
	s0 =	simm.s32 @!p0 $0x0  }
0x12: {  	s1 =	sld [smem:$0x3F9D];
	s0 =	simm.s32 @p0 $0x1  }
0x13: {  	[smem:$0x3FB8] =	sst s0;
	s0 =	simm.s32 @!p1 $0x0  }
0x14: {  	s2 =	sld [smem:$0x3F9C];
	s0 =	simm.s32 @p1 $0x1  }
0x15: {  	[smem:$0x3FB9] =	sst s0;
	s0 =	simm.s32 @!p2 $0x0  }
0x16: {  	s3 =	sld [smem:$0x3FDB];
	s0 =	simm.s32 @p2 $0x1  }
0x17: {  	s4 =	simm.s32 $0x1BF5;
	[smem:$0x3FBB] =	sst s0  }
0x18: {  	s0 =	sld [smem:$0x3F9E];
	_ =	swait.ge [sflag:s4], $0x0  }
0x19: {  	s7 =	sld [smem:$0x3F9F]  }
0x1a: {  	s8 =	sadd.s32 $0xFFFFE003, lr  }
0x1b: {  	s9 =	sadd.s32 $0xFFFFFEF7, lr;
	s5 =	simm.s32 $0xFFFFFFFF;
	p2 =	slt.u32 s8, $0xFFFFF086  }
0x1c: {  	p1 =	slt.u32 s9, $0xF7A;
	s5 =	simm.s32 @!p2 $0x0  }
0x1d: {  	s5 =	simm.s32 @p1 $0x1;
	p0 =	seq.s32 s7, s2  }
0x1e: {  	s7 =	smul.u32 @!p0 $0xF7A, s2;
	p2 =	seq.s32 @!p0 s5, $0x0  }
0x1f: {  	s9 =	smul.u32 $0xF7A, s1;
	s8 =	simm.s32 @!p0 $0x1BF5;
	p2 =	por !p2, p0  }
0x20: {  	[sflag:s8] =	ssyncset.s32 @!p0 $0xFFFFF086;
	s6 =	sadd.s32 @!p0 s3, s7;
	s7 =	simm.s32 @!p0 $0x108  }
0x21: {  	s3 =	sadd.s32 s3, s9;
	s6 =	sadd.s32 @!p0 $0x88, s6;
	s7 =	simm.s32 @p2 $0x1082  }
0x22: {  	[simem:s7], [sflag:s8] =	dma.local @!p0 [hbm:s6], $0xF7A  }
0x23: {  	s9 =	sor.u32 $0xD0000000, s2;
	s6 =	simm.s32 $0x108;
	_ =	swait.ge @!p0 [sflag:s8], $0x0  }
0x24: {  	s3 =	sadd.s32 $0x88, s3;
	s6 =	simm.s32 @!p1 $0x1082;
	[sflag:s4] =	ssyncset.s32 $0xFFFFF086  }
0x25: {  	[simem:s6], [sflag:s4] =	dma.local [hbm:s3], $0xF7A  }
0x26: {  	[smem:$0x3F9F] =	sst s1;
	(tag) =	ssettag s2;
	_ =	strace s9  }
0x27: {  	s1 =	sld [smem:$0x3FAF]  }
0x28: {  	s2 =	sld [smem:$0x3FB0]  }
0x29: {  	s4 =	sld [smem:$0x3FB2]  }
0x2a: {  	p0 =	seq.s32 s5, $0x0;
	s5 =	sld [smem:$0x3FB3]  }
0x2b: {  	s6 =	sld [smem:$0x3FB4]  }
0x2c: {  	s7 =	sld [smem:$0x3FB5]  }
0x2d: {  	s3 =	simm.s32 $0x108;
	s8 =	sld [smem:$0x3FB6]  }
0x2e: {  	s3 =	simm.s32 @!p0 $0x1082;
	s9 =	sld [smem:$0x3FB7]  }
0x2f: {  	lr =	sadd.s32 s0, s3;
	s0 =	sld [smem:$0x3FAE]  }
0x30: {  	s3 =	sld [smem:$0x3FB1]  }
0x31: {  	[smem:$0x3FBA] =	sst s10  }
0x32: {  	s10 =	sld [smem:$0x3FB8];
	_ =	sdelay $0x3  }
0x33: {  	p0 =	seq.s32 s10, $0x1;
	s10 =	sld [smem:$0x3FBA];
	_ =	sdelay $0x3  }
0x34: {  	[smem:$0x3FBA] =	sst s10  }
0x35: {  	s10 =	sld [smem:$0x3FB9];
	_ =	sdelay $0x3  }
0x36: {  	p1 =	seq.s32 s10, $0x1;
	s10 =	sld [smem:$0x3FBA];
	_ =	sdelay $0x3  }
0x37: {  	[smem:$0x3FBA] =	sst s10  }
0x38: {  	s10 =	sld [smem:$0x3FBB]  }
0x39: {  	_ = 	snop;
	(pc) =	sbr.ind lr, $3  }
0x3a: {  	_ = 	snop  }
0x3b: {  	_ = 	snop  }
0x3c: {  	p2 =	seq.s32 s10, $0x1;
	s10 =	sld [smem:$0x3FBA]  }
0x3d: {  	_ =	shalt  }
0x3e: {  	_ =	shalt  }
0x3f: {  	_ =	shalt  }
0x40: {  	_ =	shalt  }
0x41: {  	_ =	shalt  }
0x42: {  	_ =	shalt  }
0x43: {  	_ =	shalt  }
0x44: {  	_ =	shalt  }
0x45: {  	_ =	shalt  }
0x46: {  	_ =	shalt  }
0x47: {  	_ =	shalt  }
0x48: {  	_ =	shalt  }
0x49: {  	_ =	shalt  }
0x4a: {  	_ =	shalt  }
0x4b: {  	_ =	shalt  }
0x4c: {  	_ =	shalt  }
0x4d: {  	_ =	shalt  }
0x4e: {  	_ =	shalt  }
0x4f: {  	_ =	shalt  }
0x50: {  	_ =	shalt  }
0x51: {  	_ =	shalt  }
0x52: {  	_ =	shalt  }
0x53: {  	_ =	shalt  }
0x54: {  	_ =	shalt  }
0x55: {  	_ =	shalt  }
0x56: {  	_ =	shalt  }
0x57: {  	_ =	shalt  }
0x58: {  	_ =	shalt  }
0x59: {  	_ =	shalt  }
0x5a: {  	_ =	shalt  }
0x5b: {  	_ =	shalt  }
0x5c: {  	_ =	shalt  }
0x5d: {  	_ =	shalt  }
0x5e: {  	_ =	shalt  }
0x5f: {  	_ =	shalt  }
0x60: {  	_ =	shalt  }
0x61: {  	_ =	shalt  }
0x62: {  	_ =	shalt  }
0x63: {  	_ =	shalt  }
0x64: {  	_ =	shalt  }
0x65: {  	_ =	shalt  }
0x66: {  	_ =	shalt  }
0x67: {  	_ =	shalt  }
0x68: {  	_ =	shalt  }
0x69: {  	_ =	shalt  }
0x6a: {  	_ =	shalt  }
0x6b: {  	_ =	shalt  }
0x6c: {  	_ =	shalt  }
0x6d: {  	_ =	shalt  }
0x6e: {  	_ =	shalt  }
0x6f: {  	_ =	shalt  }
0x70: {  	_ =	shalt  }
0x71: {  	_ =	shalt  }
0x72: {  	_ =	shalt  }
0x73: {  	_ =	shalt  }
0x74: {  	_ =	shalt  }
0x75: {  	_ =	shalt  }
0x76: {  	_ =	shalt  }
0x77: {  	_ =	shalt  }
0x78: {  	_ =	shalt  }
0x79: {  	_ =	shalt  }
0x7a: {  	_ =	shalt  }
0x7b: {  	_ =	shalt  }
0x7c: {  	_ =	shalt  }
0x7d: {  	_ =	shalt  }
0x7e: {  	_ =	shalt  }
0x7f: {  	_ =	shalt  }
0x80: {  	_ =	shalt  }
0x81: {  	_ =	shalt  }
0x82: {  	_ =	shalt  }
0x83: {  	_ =	shalt  }
0x84: {  	_ =	shalt  }
0x85: {  	_ =	shalt  }
0x86: {  	_ =	shalt  }
0x87: {  	_ =	shalt  }
.Lfunc_end0:
.L_simem_size_0:
called_computation_lowered:
.L_overlay_start_0:
0x88: {  	s2 =	sld [smem:$0x3FD9]  }
0x89: {  	s3 =	sld [smem:$0x3FFE];
	_ =	sdelay $0x1  }
0x8a: {  	s1 =	srdreg.scid  }
0x8b: {  	s0 =	sand.u32 $0x1, s1  }
0x8c: {  	s16 =	sshll.u32 s0, $0xA;
	s2 =	sadd.s32 s3, s2  }
0x8d: {  	s2 =	sadd.s32 s2, s16  }
0x8e: {  	[smem:$0x3FC6] =	sst s2  }
0x8f: {  	_ = 	snop  }
0x90: {  	(tm) =	ssettm $0x1  }
0x91: {  	s17 =	sld [smem:$0x3FFB];
	_ =	sdelay $0x3  }
0x92: {  	_ =	strace s17  }
0x93: {  	s2 =	sld [smem:$0x3FFC];
	_ =	sdelay $0x3  }
0x94: {  	_ =	strace s2  }
0x95: {  	s2 =	sld [smem:$0x3FFD];
	_ =	sdelay $0x3  }
0x96: {  	_ =	strace s2  }
0x97: {  	_ =	strace $0x8FFFFFFF  }
0x98: {  	s18 =	sld [smem:$0x3FDB];
	_ =	sdelay $0x1  }
0x99: {  	s19 =	simm.s32 $_scs_section_size  }
0x9a: {  	s4 =	simm.s32 $_size__tile_overlayer_lowered;
	s5 =	simm.s32 $_tile_overlayer_lowered  }
0x9b: {  	s22 =	simm.s32 $0x1BFF;
	s21 =	sshll.u32 s5, $0x1;
	s2 =	sadd.s32 s19, s18  }
0x9c: {  	s6 =	simm.s32 $0x0;
	s20 =	sshll.u32 s4, $0x1;
	s4 =	sadd.s32 s21, s2  }
0x9d: {  	[timem:s6], [sflag:s22] =	dma.local [hbm:s4], s20  }
0x9e: {  	_ =	swait.ge [sflag:s22], s20  }
0x9f: {  	s3 =	ssub.s32 $0x0, s20;
	[sflag:s22] =	ssyncset.done $0x0  }
0xa0: {  	[sflag:s22] =	ssyncadd.s32 s3;
	_ =	sdelay $0x1  }
0xa1: {  	s23 =	simm.s32 $0x1B8B  }
0xa2: {  	_ =	swait.ge [sflag:s23], $0x1  }
0xa3: {  	[sflag:s23] =	ssyncset.done $0x0  }
0xa4: {  	s25 =	simm.s32 $0x1B8E;
	s24 =	sld [smem:$0x3FFE];
	[sflag:s23] =	ssyncadd.s32 $0xFFFFFFFF  }
0xa5: {  	s26 =	simm.s32 $execute0_lowered;
	[smem:$0x3FD2] =	sst s25  }
0xa6: {  	s4 =	sshll.u32 s26, $0x1;
	_ =	strace $0x80000046;
	[dreg:$0x1] =	wrdreg $0xFFFFFFFF  }
0xa7: {  	s28 =	simm.s32 $_size_execute0_lowered;
	s2 =	sadd.s32 s2, s4;
	[dreg:$0x0] =	wrdreg $0x0  }
0xa8: {  	s4 =	sshll.u32 s28, $0x1;
	[dreg:$0x2] =	wrdreg s2  }
0xa9: {  	[dreg:$0x3] =	wrdreg s4  }
0xaa: {  	[dreg:$0x4] =	wrdreg $0xC0  }
0xab: {  	_ =	task [dreg:s6], $0x5FFFF  }
0xac: {  	[dreg:$0x1] =	wrdreg $0xFFFFFFFF  }
0xad: {  	[dreg:$0x0] =	wrdreg $0x60  }
0xae: {  	[dreg:$0x2] =	wrdreg s24  }
0xaf: {  	[dreg:$0x3] =	wrdreg $0xE9800  }
0xb0: {  	[dreg:$0x4] =	wrdreg $0x9  }
0xb1: {  	_ =	task.clear_ibuf [dreg:s6], $0x5FFFF;
	_ =	strace $0x90000046  }
0xb2: {  	s29 =	simm.s32 $0x9;
	_ =	strace $0x80000048  }
0xb3: {  	_ =	swait.ge [sflag:s29], $0x1  }
0xb4: {  	[sflag:s29] =	ssyncadd.s32 $0xFFFFFFFF  }
0xb5: {  	_ =	strace $0x90000048  }
0xb6: {  	_ =	sfence  }
0xb7: {  	s30 =	sld [smem:$0x0];
	_ =	sdelay $0x2  }
0xb8: {  	s31 =	sshll.u32 s1, $0xD;
	s1 =	sshrl.u32 s1, $0x2  }
0xb9: {  	s3 =	sand.u32 $0x4000, s31;
	s1 =	sadd.s32 s1, s30  }
0xba: {  	s0 =	sor.u32 s3, s0;
	s1 =	sshll.u32 s1, $0x11  }
0xbb: {  	s0 =	sor.u32 s1, s0  }
0xbc: {  	s0 =	sadd.s32 $0x8F2B, s0  }
0xbd: {  	[sflag:s0] =	ssyncadd.remote.s32 $0x1  }
0xbe: {  	_ =	sfence.sel $0xFFFF  }
0xbf: {  	[dreg:$0x0] =	wrdreg $0xFFFFFFFF;
	(pc) =	sbr.abs _section_cstart, $3  }
0xc0: {  	[dreg:$0x1] =	wrdreg $0xFFFFFFFF  }
0xc1: {  	_ =	task.clear_ibuf [dreg:s6], $0x2FFFF;
	_ =	strace $0x9FFFFFFF  }
0xc2: {  	(tm) =	ssettm $0x7FFFFFFF  }
0xc3: {  	_ =	shalt  }
tec
execute0_lowered:
.L_overlay_start_1:
0x0: {  	(tag) =	ssettag $0x1  }
0x1: {  	s0 =	rddreg [dreg:$0x0]  }
0x2: {  	s1 =	rddreg [dreg:$0x1]  }
0x3: {  	s2 =	srdreg.scid;
	s12 =	stileid.u32  }
0x4: {  	s3 =	sand.u32 $0x1, s2;
	s2 =	simm.s32 $0x0;
	s5 =	sshrl.u32 s12, $0x2  }
0x5: {  	s6 =	sshll.u32 s12, $0x7;
	s18 =	sshll.u32 s12, $0xC;
	s4 =	sshll.u32 s3, $0x2  }
0x6: {  	s7 =	sshll.u32 s3, $0xB;
	s8 =	sand.u32 $0x400, s6;
	s4 =	sor.u32 s5, s4  }
0x7: {  	s17 =	sand.u32 $0x380, s6;
	s7 =	sor.u32 s7, s8;
	s5 =	sshll.u32 s4, $0x8  }
0x8: {  	s9 =	sshll.u32 s4, $0xC;
	s7 =	sor.u32 s17, s7;
	s4 =	sshll.u32 s4, $0x4  }
0x9: {  	s5 =	sadd.s32 s5, s0;
	s9 =	sadd.s32 s9, s0;
	s7 =	sshrl.u32 s7, $0x3  }
0xa: {  	s11 =	sadd.s32 s4, s0;
	s7 =	sadd.s32 s7, s0;
	s0 =	sand.u32 $0x8000, s18  }
0xb: {  	s13 =	sand.u32 $0x3, s12;
	s21 =	sand.u32 $0x200, s6;
	s1 =	sadd.s32 s0, s1  }
0xc: {  	[smem:$0x7FF] =	sst s2;
	s25 =	sadd.s32 $0x9C00, s11;
	s0 =	sadd.s32 s21, s1  }
0xd: {  	_ =	strace $0x80000047;
	[dreg:$0x6] =	wrdreg s25;
	s22 =	sadd.s32 $0x80, s0  }
0xe: {  	s19 =	sshll.u32 s12, $0x6;
	s23 =	sadd.s32 $0x100, s0;
	[dreg:$0x3] =	wrdreg s22  }
0xf: {  	s20 =	sshll.u32 s12, $0x9;
	s24 =	sadd.s32 $0x180, s0;
	[dreg:$0x4] =	wrdreg s23  }
0x10: {  	s3 =	ssub.s32 $0x2, s3;
	s26 =	sadd.s32 $0x480, s0;
	[dreg:$0x5] =	wrdreg s24  }
0x11: {  	s10 =	sshrl.u32 s3, $0x1;
	s28 =	sadd.s32 $0x880, s0;
	[dreg:$0x7] =	wrdreg s26  }
0x12: {  	s10 =	ssub.s32 s3, s10;
	s29 =	sadd.s32 $0xC80, s0;
	[dreg:$0x8] =	wrdreg s28  }
0x13: {  	s3 =	sadd.s32 $0x1C00, s9;
	s30 =	sadd.s32 $0x1080, s0;
	[dreg:$0x9] =	wrdreg s29  }
0x14: {  	s9 =	sor.u32 s19, s20;
	s31 =	sadd.s32 $0x1480, s0;
	[dreg:$0xa] =	wrdreg s30  }
0x15: {  	s4 =	sadd.s32 $0x1400, s5;
	s8 =	sadd.s32 $0x1880, s0;
	[dreg:$0xb] =	wrdreg s31  }
0x16: {  	s5 =	sand.u32 $0x440, s9;
	s9 =	sadd.s32 $0x1C80, s0;
	[dreg:$0xc] =	wrdreg s8  }
0x17: {  	s12 =	smax.u32 s10, $0x1;
	s10 =	sadd.s32 $0x2080, s0;
	[dreg:$0xd] =	wrdreg s9  }
0x18: {  	s11 =	sadd.s32 $0x2480, s0;
	[dreg:$0xe] =	wrdreg s10  }
0x19: {  	s14 =	sadd.s32 $0x2880, s0;
	[dreg:$0xf] =	wrdreg s11  }
0x1a: {  	s15 =	sadd.s32 $0x2C80, s0;
	[dreg:$0x10] =	wrdreg s14  }
0x1b: {  	s6 =	sadd.s32 $0xAC00, s7;
	s16 =	sadd.s32 $0x3080, s0;
	[dreg:$0x11] =	wrdreg s15  }
0x1c: {  	s7 =	sadd.s32 s17, s1;
	s17 =	sadd.s32 $0x3480, s0;
	[dreg:$0x12] =	wrdreg s16  }
0x1d: {  	s18 =	sadd.s32 $0x3880, s0;
	[dreg:$0x13] =	wrdreg s17  }
0x1e: {  	s19 =	sadd.s32 $0x3C80, s0;
	[dreg:$0x14] =	wrdreg s18  }
0x1f: {  	s20 =	sadd.s32 $0x4080, s0;
	[dreg:$0x15] =	wrdreg s19  }
0x20: {  	s21 =	sadd.s32 $0x4480, s0;
	[dreg:$0x16] =	wrdreg s20  }
0x21: {  	s25 =	sadd.s32 $0x5480, s0;
	[dreg:$0x17] =	wrdreg s21  }
0x22: {  	p0 =	sne.s32 s13, $0x0;
	s13 =	sadd.s32 $0x7C80, s0;
	[dreg:$0x1b] =	wrdreg s25  }
0x23: {  	s1 =	sadd.s32 $0x400, s7;
	[smem:$0x7A8] =	sst s13  }
0x24: {  	s22 =	sadd.s32 $0x4880, s0;
	[smem:$0x7E7] =	sst s1  }
0x25: {  	s23 =	sadd.s32 $0x4C80, s0;
	[dreg:$0x18] =	wrdreg s22  }
0x26: {  	s24 =	sadd.s32 $0x5080, s0;
	[dreg:$0x19] =	wrdreg s23  }
0x27: {  	s26 =	sadd.s32 $0x5880, s0;
	[dreg:$0x1a] =	wrdreg s24  }
0x28: {  	s28 =	sadd.s32 $0x5C80, s0;
	[dreg:$0x1c] =	wrdreg s26  }
0x29: {  	s29 =	sadd.s32 $0x6080, s0;
	[dreg:$0x1d] =	wrdreg s28  }
0x2a: {  	s30 =	sadd.s32 $0x6480, s0;
	[dreg:$0x1e] =	wrdreg s29  }
0x2b: {  	s31 =	sadd.s32 $0x6880, s0;
	[dreg:$0x1f] =	wrdreg s30  }
0x2c: {  	s8 =	sadd.s32 $0x6C80, s0;
	[smem:$0x7A3] =	sst s31  }
0x2d: {  	s9 =	sadd.s32 $0x7080, s0;
	[smem:$0x7A4] =	sst s8  }
0x2e: {  	s10 =	sadd.s32 $0x7480, s0;
	[smem:$0x7A5] =	sst s9  }
0x2f: {  	s11 =	sadd.s32 $0x7880, s0;
	[smem:$0x7A6] =	sst s10  }
0x30: {  	s14 =	sadd.s32 $0x500, s0;
	[smem:$0x7A7] =	sst s11  }
0x31: {  	s15 =	sadd.s32 $0x900, s0;
	[smem:$0x7A9] =	sst s14  }
0x32: {  	s16 =	sadd.s32 $0xD00, s0;
	[smem:$0x7AA] =	sst s15  }
0x33: {  	s17 =	sadd.s32 $0x1100, s0;
	[smem:$0x7AB] =	sst s16  }
0x34: {  	s18 =	sadd.s32 $0x1500, s0;
	[smem:$0x7AC] =	sst s17  }
0x35: {  	s19 =	sadd.s32 $0x1900, s0;
	[smem:$0x7AD] =	sst s18  }
0x36: {  	s20 =	sadd.s32 $0x1D00, s0;
	[smem:$0x7AE] =	sst s19  }
0x37: {  	s21 =	sadd.s32 $0x2100, s0;
	[smem:$0x7AF] =	sst s20  }
0x38: {  	s25 =	sadd.s32 $0x3100, s0;
	[smem:$0x7B0] =	sst s21  }
0x39: {  	s13 =	sadd.s32 $0x5900, s0;
	[smem:$0x7B4] =	sst s25  }
0x3a: {  	s22 =	sadd.s32 $0x2500, s0;
	[smem:$0x7BE] =	sst s13  }
0x3b: {  	s23 =	sadd.s32 $0x2900, s0;
	[smem:$0x7B1] =	sst s22  }
0x3c: {  	s24 =	sadd.s32 $0x2D00, s0;
	[smem:$0x7B2] =	sst s23  }
0x3d: {  	s26 =	sadd.s32 $0x3500, s0;
	[smem:$0x7B3] =	sst s24  }
0x3e: {  	s28 =	sadd.s32 $0x3900, s0;
	[smem:$0x7B5] =	sst s26  }
0x3f: {  	s29 =	sadd.s32 $0x3D00, s0;
	[smem:$0x7B6] =	sst s28  }
0x40: {  	s30 =	sadd.s32 $0x4100, s0;
	[smem:$0x7B7] =	sst s29  }
0x41: {  	s31 =	sadd.s32 $0x4500, s0;
	[smem:$0x7B8] =	sst s30  }
0x42: {  	s8 =	sadd.s32 $0x4900, s0;
	[smem:$0x7B9] =	sst s31  }
0x43: {  	s9 =	sadd.s32 $0x4D00, s0;
	[smem:$0x7BA] =	sst s8  }
0x44: {  	s10 =	sadd.s32 $0x5100, s0;
	[smem:$0x7BB] =	sst s9  }
0x45: {  	s11 =	sadd.s32 $0x5500, s0;
	[smem:$0x7BC] =	sst s10  }
0x46: {  	s14 =	sadd.s32 $0x5D00, s0;
	[smem:$0x7BD] =	sst s11  }
0x47: {  	s15 =	sadd.s32 $0x6100, s0;
	[smem:$0x7BF] =	sst s14  }
0x48: {  	s16 =	sadd.s32 $0x6500, s0;
	[smem:$0x7C0] =	sst s15  }
0x49: {  	s17 =	sadd.s32 $0x6900, s0;
	[smem:$0x7C1] =	sst s16  }
0x4a: {  	s18 =	sadd.s32 $0x6D00, s0;
	[smem:$0x7C2] =	sst s17  }
0x4b: {  	s19 =	sadd.s32 $0x7100, s0;
	[smem:$0x7C3] =	sst s18  }
0x4c: {  	s20 =	sadd.s32 $0x7500, s0;
	[smem:$0x7C4] =	sst s19  }
0x4d: {  	s21 =	sadd.s32 $0x7900, s0;
	[smem:$0x7C5] =	sst s20  }
0x4e: {  	s25 =	sadd.s32 $0xD80, s0;
	[smem:$0x7C6] =	sst s21  }
0x4f: {  	s13 =	sadd.s32 $0x3580, s0;
	[smem:$0x7CA] =	sst s25  }
0x50: {  	s22 =	sadd.s32 $0x7D00, s0;
	[smem:$0x7D4] =	sst s13  }
0x51: {  	s23 =	sadd.s32 $0x580, s0;
	[smem:$0x7C7] =	sst s22  }
0x52: {  	s24 =	sadd.s32 $0x980, s0;
	[smem:$0x7C8] =	sst s23  }
0x53: {  	s26 =	sadd.s32 $0x1180, s0;
	[smem:$0x7C9] =	sst s24  }
0x54: {  	s28 =	sadd.s32 $0x1580, s0;
	[smem:$0x7CB] =	sst s26  }
0x55: {  	s29 =	sadd.s32 $0x1980, s0;
	[smem:$0x7CC] =	sst s28  }
0x56: {  	s30 =	sadd.s32 $0x1D80, s0;
	[smem:$0x7CD] =	sst s29  }
0x57: {  	s31 =	sadd.s32 $0x2180, s0;
	[smem:$0x7CE] =	sst s30  }
0x58: {  	s8 =	sadd.s32 $0x2580, s0;
	[smem:$0x7CF] =	sst s31  }
0x59: {  	s9 =	sadd.s32 $0x2980, s0;
	[smem:$0x7D0] =	sst s8  }
0x5a: {  	s10 =	sadd.s32 $0x2D80, s0;
	[smem:$0x7D1] =	sst s9  }
0x5b: {  	s11 =	sadd.s32 $0x3180, s0;
	[smem:$0x7D2] =	sst s10  }
0x5c: {  	s14 =	sadd.s32 $0x3980, s0;
	[smem:$0x7D3] =	sst s11  }
0x5d: {  	s15 =	sadd.s32 $0x3D80, s0;
	[smem:$0x7D5] =	sst s14  }
0x5e: {  	s16 =	sadd.s32 $0x4180, s0;
	[smem:$0x7D6] =	sst s15  }
0x5f: {  	s17 =	sadd.s32 $0x4580, s0;
	[smem:$0x7D7] =	sst s16  }
0x60: {  	s18 =	sadd.s32 $0x4980, s0;
	[smem:$0x7D8] =	sst s17  }
0x61: {  	s19 =	sadd.s32 $0x4D80, s0;
	[smem:$0x7D9] =	sst s18  }
0x62: {  	s20 =	sadd.s32 $0x5180, s0;
	[smem:$0x7DA] =	sst s19  }
0x63: {  	s21 =	sadd.s32 $0x5580, s0;
	[smem:$0x7DB] =	sst s20  }
0x64: {  	s25 =	sadd.s32 $0x6580, s0;
	[smem:$0x7DC] =	sst s21  }
0x65: {  	s13 =	sadd.s32 $0x1800, s7;
	[smem:$0x7E0] =	sst s25  }
0x66: {  	s22 =	sadd.s32 $0x5980, s0;
	[smem:$0x7EC] =	sst s13  }
0x67: {  	s23 =	sadd.s32 $0x5D80, s0;
	[smem:$0x7DD] =	sst s22  }
0x68: {  	s24 =	sadd.s32 $0x6180, s0;
	[smem:$0x7DE] =	sst s23  }
0x69: {  	s26 =	sadd.s32 $0x6980, s0;
	[smem:$0x7DF] =	sst s24  }
0x6a: {  	s28 =	sadd.s32 $0x6D80, s0;
	[smem:$0x7E1] =	sst s26  }
0x6b: {  	s29 =	sadd.s32 $0x7180, s0;
	[smem:$0x7E2] =	sst s28  }
0x6c: {  	s30 =	sadd.s32 $0x7580, s0;
	[smem:$0x7E3] =	sst s29  }
0x6d: {  	s31 =	sadd.s32 $0x7980, s0;
	[smem:$0x7E4] =	sst s30  }
0x6e: {  	s0 =	sadd.s32 $0x7D80, s0;
	[smem:$0x7E5] =	sst s31  }
0x6f: {  	s8 =	sadd.s32 $0x800, s7;
	[smem:$0x7E6] =	sst s0  }
0x70: {  	s9 =	sadd.s32 $0xC00, s7;
	[smem:$0x7E8] =	sst s8  }
0x71: {  	s10 =	sadd.s32 $0x1000, s7;
	[smem:$0x7E9] =	sst s9  }
0x72: {  	s11 =	sadd.s32 $0x1400, s7;
	[smem:$0x7EA] =	sst s10  }
0x73: {  	s14 =	sadd.s32 $0x1C00, s7;
	[smem:$0x7EB] =	sst s11  }
0x74: {  	s15 =	sadd.s32 $0x2000, s7;
	[smem:$0x7ED] =	sst s14  }
0x75: {  	s16 =	sadd.s32 $0x2400, s7;
	[smem:$0x7EE] =	sst s15  }
0x76: {  	s17 =	sadd.s32 $0x2800, s7;
	[smem:$0x7EF] =	sst s16  }
0x77: {  	s18 =	sadd.s32 $0x2C00, s7;
	[smem:$0x7F0] =	sst s17  }
0x78: {  	s19 =	sadd.s32 $0x3000, s7;
	[smem:$0x7F1] =	sst s18  }
0x79: {  	s20 =	sadd.s32 $0x3400, s7;
	s21 =	sadd.s32 $0x3800, s7;
	[smem:$0x7F2] =	sst s19  }
0x7a: {  	s25 =	sadd.s32 $0x4800, s7;
	s13 =	sadd.s32 $0x7000, s7;
	[smem:$0x7F3] =	sst s20  }
0x7b: {  	[smem:$0x7F4] =	sst s21;
	s22 =	sadd.s32 $0x3C00, s7;
	s23 =	sadd.s32 $0x4000, s7  }
0x7c: {  	s24 =	sadd.s32 $0x4400, s7;
	[smem:$0x7F8] =	sst s25;
	s26 =	sadd.s32 $0x4C00, s7  }
0x7d: {  	s28 =	sadd.s32 $0x5000, s7;
	s29 =	sadd.s32 $0x5400, s7;
	s30 =	sadd.s32 $0x5800, s7  }
0x7e: {  	s31 =	sadd.s32 $0x5C00, s7;
	s8 =	sadd.s32 $0x6000, s7;
	[smem:$0x7F5] =	sst s22  }
0x7f: {  	s9 =	sadd.s32 $0x6400, s7;
	s10 =	sadd.s32 $0x6800, s7;
	[smem:$0x7F6] =	sst s23  }
0x80: {  	v2 =	vimm.f32 $+Inf;
	vm0 =	vmmov $0x1;
	s11 =	sadd.s32 $0x6C00, s7;
	s14 =	sadd.s32 $0x7400, s7;
	[smem:$0x7F7] =	sst s24  }
.Ltmp0:
0x81: {  	vm1 =	vmmov $0x3;
	vm2 =	vmmov $0x7;
	vm3 =	vmmov $0xf;
	s15 =	sadd.s32 $0x7800, s7;
	[smem:$0x7F9] =	sst s26;
	(pc) =	sbr.rel .LBB2_1-.Ltmp0, $4  }
0x82: {  	vm4 =	vmmov $0x1f;
	vm5 =	vmmov $0x3f;
	vm6 =	vmmov $0x7f;
	s16 =	sadd.s32 $0x7C00, s7;
	s17 =	simm.s32 $0x800;
	[smem:$0x7FA] =	sst s28  }
0x83: {  	vm7 =	vmmov $0xff;
	vm8 =	vmmov $0x1ff;
	vm9 =	vmmov $0x3ff;
	s18 =	simm.s32 $0x1;
	s19 =	simm.s32 $0xE900;
	[smem:$0x7FB] =	sst s29  }
0x84: {  	vm10 =	vmmov $0x7ff;
	vm11 =	vmmov $0xfff;
	v0 =	vmov s5;
	s20 =	simm.s32 $0x80;
	s21 =	simm.s32 $0x400;
	[smem:$0x7FC] =	sst s30  }
0x85: {  	vm12 =	vmmov $0x1fff;
	vm13 =	vmmov $0x3fff;
	vm14 =	vmmov $0x7fff;
	[tilespmem:$0x1FFF0] =	vst v0;
	[smem:$0x7FD] =	sst s31;
	s22 =	simm.s32 $0x9880;
	s23 =	simm.s32 $0x0  }
.LBB2_13:
0x86: {  	s23 =	sadd.s32 $0x1, s23  }
0x87: {  	p1 =	sne.s32 s23, s12  }
.Ltmp1:
0x88: {  	_ = 	snop;
	(pc) =	sbr.rel @!p1 .LBB2_14-.Ltmp1, $2  }
0x89: {  	_ =	sdelay $0x2  }
0x8a: {  	v2 =	vimm.f32 $+Inf  }
.LBB2_1:
0x8b: {  	[tilespmem:s17], [sflag:$0x1] =	stream.linear.gather [hbm4b:s3+s2], $0x8000, $0x38;
	[tilespmem:$0xF980] =	vst v63  }
0x8c: {  	_ =	swait.ge [sflag:s18], $0x8000  }
0x8d: {  	[sflag:s18] =	ssyncset.done $0x0  }
0x8e: {  	[sflag:s18] =	ssyncadd.s32 $0xFFFF8000  }
0x8f: {  	[tilespmem:s2], [sflag:$0x1] =	stream.linear.gather [hbm4b:s4+s2], $0x800, $0x38;
	[tilespmem:$0xF980] =	vst v63  }
0x90: {  	_ =	swait.ge [sflag:s18], $0x800  }
0x91: {  	s24 =	sand.u32 $0x70, s2;
	s25 =	sand.u32 $0x7C00, s2;
	[sflag:s18] =	ssyncset.done $0x0  }
0x92: {  	s24 =	sor.u32 s24, s25;
	[sflag:s18] =	ssyncadd.s32 $0xFFFFF800  }
0x93: {  	v0 =	vld [tilespmem:s24+$0xA00]  }
0x94: {  	v1 =	vld [tilespmem:s24+$0x980];
	_ =	sdelay $0x4  }
0x95: {  	v0 =	vadd.f32 v0, v1  }
0x96: {  	s26 =	simm.s32 $0x10;
	s25 =	simm.s32 $0x80;
	s24 =	simm.s32 $0x8880  }
0x97: {  	s26 =	sand.u32 $0x70, s26;
	s28 =	sand.u32 $0x7C00, s25;
	[tilespmem:s24+$0x0] =	vst v0  }
0x98: {  	s29 =	sor.u32 s26, s28;
	[tilespmem:s22+$0x0] =	vst v2  }
0x99: {  	s28 =	simm.s32 $0x20;
	s26 =	simm.s32 $0x9880;
	v0 =	vld [tilespmem:s29+$0xA00]  }
.LBB2_2:
0x9a: {  	p1 =	sne.s32 s28, $0xFF0;
	v1 =	vld [tilespmem:s29+$0x980];
	_ =	sdelay $0x4  }
.Ltmp2:
0x9b: {  	v0 =	vadd.f32 v0, v1;
	(pc) =	sbr.rel @p1 .LBB2_2-.Ltmp2, $4  }
0x9c: {  	s25 =	sadd.s32 $0x80, s25;
	s24 =	sadd.s32 $0x10, s24  }
0x9d: {  	s29 =	sand.u32 $0x70, s28;
	s26 =	sadd.s32 $0x10, s26;
	s30 =	sand.u32 $0x7C00, s25;
	[tilespmem:s24+$0x0] =	vst v0  }
0x9e: {  	s29 =	sor.u32 s29, s30;
	[tilespmem:s26+$0x0] =	vst v2  }
0x9f: {  	s28 =	sadd.s32 $0x10, s28;
	v0 =	vld [tilespmem:s29+$0xA00]  }
0xa0: {  	v1 =	vld [tilespmem:s29+$0x980];
	_ =	sdelay $0x4  }
0xa1: {  	v0 =	vadd.f32 v0, v1  }
0xa2: {  	s24 =	sadd.s32 $0x10, s24  }
0xa3: {  	s31 =	sadd.s32 $0x10, s26;
	[tilespmem:s24+$0x0] =	vst v0  }
0xa4: {  	[tilespmem:s31+$0x0] =	vst v2  }
0xa5: {  	v0 =	vld [tilespmem:s5+$0x180]  }
0xa6: {  	v53 =	vld [tilespmem:s5+$0x200];
	_ =	sdelay $0x1  }
0xa7: {  	v2 =	vld [tilespmem:s5+$0x280];
	_ =	sdelay $0x2  }
0xa8: {  	v0 =	vmul.f32 v0, v0;
	v1 =	vmul.f32 v53, v53;
	_ =	sdelay $0x1  }
0xa9: {  	v54 =	vmul.f32 v2, v2;
	v0 =	vadd.f32 v1, v0;
	_ =	sdelay $0x1  }
0xaa: {  	v0 =	vadd.f32 v54, v0;
	_ =	sdelay $0x1  }
0xab: {  	[tilespmem:$0x8800] =	vst v0  }
0xac: {  	v0 =	vld [tilespmem:s5+$0x190]  }
0xad: {  	v55 =	vld [tilespmem:s5+$0x210];
	_ =	sdelay $0x1  }
0xae: {  	v56 =	vld [tilespmem:s5+$0x290];
	_ =	sdelay $0x2  }
0xaf: {  	v0 =	vmul.f32 v0, v0;
	v1 =	vmul.f32 v55, v55;
	_ =	sdelay $0x1  }
0xb0: {  	v57 =	vmul.f32 v56, v56;
	v0 =	vadd.f32 v1, v0;
	_ =	sdelay $0x1  }
0xb1: {  	v0 =	vadd.f32 v57, v0;
	_ =	sdelay $0x1  }
0xb2: {  	[tilespmem:$0x8810] =	vst v0  }
0xb3: {  	v0 =	vld [tilespmem:s5+$0x1A0]  }
0xb4: {  	v58 =	vld [tilespmem:s5+$0x220];
	_ =	sdelay $0x1  }
0xb5: {  	v59 =	vld [tilespmem:s5+$0x2A0];
	_ =	sdelay $0x2  }
0xb6: {  	v0 =	vmul.f32 v0, v0;
	v1 =	vmul.f32 v58, v58;
	_ =	sdelay $0x1  }
0xb7: {  	v60 =	vmul.f32 v59, v59;
	v0 =	vadd.f32 v1, v0;
	_ =	sdelay $0x1  }
0xb8: {  	v0 =	vadd.f32 v60, v0;
	_ =	sdelay $0x1  }
0xb9: {  	[tilespmem:$0x8820] =	vst v0  }
0xba: {  	v0 =	vld [tilespmem:s5+$0x1B0]  }
0xbb: {  	v61 =	vld [tilespmem:s5+$0x230];
	_ =	sdelay $0x1  }
0xbc: {  	v62 =	vld [tilespmem:s5+$0x2B0];
	_ =	sdelay $0x2  }
0xbd: {  	v0 =	vmul.f32 v0, v0;
	v1 =	vmul.f32 v61, v61;
	_ =	sdelay $0x1  }
0xbe: {  	v63 =	vmul.f32 v62, v62;
	v0 =	vadd.f32 v1, v0;
	_ =	sdelay $0x1  }
0xbf: {  	v0 =	vadd.f32 v63, v0;
	_ =	sdelay $0x1  }
0xc0: {  	s25 =	simm.s32 $0x0;
	s24 =	simm.s32 $0x0;
	[tilespmem:$0x8830] =	vst v0  }
.LBB2_4:
0xc1: {  	v0 =	vld [tilespmem:$0x1FFF0];
	_ =	sdelay $0x3  }
0xc2: {  	s26 =	sshll.u32 s25, $0x4  }
0xc3: {  	v3 =	vld [tilespmem:s26+$0x8800];
	_ =	sdelay $0x2  }
0xc4: {  	v4 =	vld.idx.msk [tilespmem:v0+s26+$0x0 ss:$0x1], $0xffff  }
0xc5: {  	v5 =	vld.idx.msk [tilespmem:v0+s26+$0x80 ss:$0x1], $0xffff  }
0xc6: {  	v19 =	vbroadcast v3, $0x0;
	v37 =	vbroadcast v3, $0x1;
	v6 =	vld.idx.msk [tilespmem:v0+s26+$0x100 ss:$0x1], $0xffff  }
0xc7: {  	v36 =	vbroadcast v3, $0x2;
	v33 =	vbroadcast v3, $0x3  }
0xc8: {  	v17 =	vbroadcast v3, $0x4;
	v28 =	vbroadcast v3, $0x5  }
0xc9: {  	v16 =	vbroadcast v3, $0x6;
	v35 =	vbroadcast v3, $0x7  }
0xca: {  	v31 =	vbroadcast v4, $0x0;
	v38 =	vbroadcast v5, $0x0  }
0xcb: {  	v18 =	vbroadcast v6, $0x0;
	v60 =	vbroadcast v4, $0x1  }
0xcc: {  	v39 =	vbroadcast v5, $0x1;
	v21 =	vbroadcast v6, $0x1  }
0xcd: {  	v61 =	vbroadcast v4, $0x2;
	v41 =	vbroadcast v5, $0x2  }
0xce: {  	v22 =	vbroadcast v6, $0x2;
	v62 =	vbroadcast v4, $0x3  }
0xcf: {  	s28 =	sand.u32 $0x70, s24;
	s29 =	sand.u32 $0x7C00, s24;
	v42 =	vbroadcast v5, $0x3;
	v27 =	vbroadcast v6, $0x3  }
0xd0: {  	s28 =	sor.u32 s28, s29;
	v63 =	vbroadcast v4, $0x4;
	v25 =	vbroadcast v5, $0x4  }
0xd1: {  	s29 =	simm.s32 $0x8880;
	v0 =	vld [tilespmem:s28+$0x900];
	v20 =	vbroadcast v6, $0x4;
	v40 =	vbroadcast v4, $0x5  }
0xd2: {  	v1 =	vld [tilespmem:s29+$0x0];
	v30 =	vbroadcast v5, $0x5;
	v24 =	vbroadcast v6, $0x5  }
0xd3: {  	v2 =	vld [tilespmem:s28+$0x800];
	v44 =	vbroadcast v4, $0x6;
	v32 =	vbroadcast v5, $0x6  }
0xd4: {  	v26 =	vbroadcast v6, $0x6;
	v23 =	vbroadcast v4, $0x7  }
0xd5: {  	[tilespmem:$0x1FF50] =	vst v3;
	v34 =	vbroadcast v5, $0x7;
	v29 =	vbroadcast v6, $0x7  }
0xd6: {  	[tilespmem:$0x1FF20] =	vst v4;
	v3 =	vmul.f32 v0, v18;
	v4 =	vmul.f32 v0, v21  }
0xd7: {  	v11 =	vadd.f32 v1, v37;
	[tilespmem:$0x1FF30] =	vst v5;
	v5 =	vld [tilespmem:s28+$0x880];
	v7 =	vmul.f32 v0, v22;
	v8 =	vmul.f32 v0, v27  }
0xd8: {  	v13 =	vadd.f32 v1, v36;
	v9 =	vmul.f32 v2, v31;
	v10 =	vmul.f32 v2, v60  }
0xd9: {  	v15 =	vadd.f32 v1, v33;
	v12 =	vmul.f32 v2, v61;
	v14 =	vmul.f32 v2, v62  }
0xda: {  	v48 =	vadd.f32 v1, v17;
	v46 =	vmul.f32 v2, v63;
	v47 =	vmul.f32 v2, v40  }
0xdb: {  	v52 =	vadd.f32 v1, v28;
	v49 =	vmul.f32 v2, v44;
	v2 =	vmul.f32 v2, v23  }
0xdc: {  	v55 =	vadd.f32 v1, v16;
	v50 =	vmul.f32 v5, v38;
	v51 =	vmul.f32 v5, v39  }
0xdd: {  	[tilespmem:$0x1FF40] =	vst v6;
	v6 =	vadd.f32 v1, v19;
	v53 =	vmul.f32 v5, v41;
	v54 =	vmul.f32 v5, v42  }
0xde: {  	v1 =	vadd.f32 v1, v35;
	v56 =	vmul.f32 v5, v25;
	v57 =	vmul.f32 v5, v30  }
0xdf: {  	[tilespmem:$0x1FFE0] =	vst v42;
	v42 =	vmul.f32 v5, v32;
	v9 =	vadd.f32 v50, v9;
	v10 =	vadd.f32 v51, v10  }
0xe0: {  	v5 =	vmul.f32 v5, v34;
	v12 =	vadd.f32 v53, v12;
	v14 =	vadd.f32 v54, v14  }
0xe1: {  	v58 =	vmul.f32 v0, v20;
	v46 =	vadd.f32 v56, v46;
	v47 =	vadd.f32 v57, v47  }
0xe2: {  	v59 =	vmul.f32 v0, v24;
	v49 =	vadd.f32 v42, v49;
	v2 =	vadd.f32 v5, v2  }
0xe3: {  	v5 =	vmul.f32 v0, v26;
	v3 =	vadd.f32 v3, v9;
	v4 =	vadd.f32 v4, v10  }
0xe4: {  	v0 =	vmul.f32 v0, v29;
	v7 =	vadd.f32 v7, v12;
	v8 =	vadd.f32 v8, v14  }
0xe5: {  	v9 =	vadd.f32 v58, v46;
	v10 =	vadd.f32 v59, v47  }
0xe6: {  	v5 =	vadd.f32 v5, v49;
	v0 =	vadd.f32 v0, v2  }
0xe7: {  	v2 =	vadd.f32 v3, v6;
	v3 =	vadd.f32 v4, v11  }
0xe8: {  	v4 =	vadd.f32 v7, v13;
	v6 =	vadd.f32 v8, v15  }
0xe9: {  	s28 =	simm.s32 $0x9880;
	v7 =	vadd.f32 v9, v48;
	v13 =	vadd.f32 v10, v52  }
0xea: {  	v5 =	vadd.f32 v5, v55;
	v0 =	vadd.f32 v0, v1;
	v1 =	vld [tilespmem:s28+$0x0]  }
0xeb: {  	v8 =	vmin.f32 v2, v3  }
0xec: {  	[tilespmem:$0x1FF70] =	vst v35;
	v9 =	vmin.f32 v4, v6;
	v10 =	vmin.f32 v7, v13;
	v11 =	vmin.f32 v5, v0  }
0xed: {  	[tilespmem:$0x1FFB0] =	vst v38;
	v8 =	vmin.f32 v8, v9;
	v9 =	vmin.f32 v10, v11  }
0xee: {  	s30 =	simm.s32 $0x10;
	s29 =	simm.s32 $0x80;
	[tilespmem:$0x1FFC0] =	vst v39;
	v8 =	vmin.f32 v8, v9  }
0xef: {  	s30 =	sand.u32 $0x70, s30;
	s31 =	sand.u32 $0x7C00, s29;
	[tilespmem:$0x1FFD0] =	vst v41;
	v1 =	vmin.f32 v1, v8  }
0xf0: {  	s31 =	sor.u32 s30, s31;
	[tilespmem:s28+$0x0] =	vst v1  }
0xf1: {  	[tilespmem:$0x1FF60] =	vst v25;
	v46 =	vld [tilespmem:s31+$0x900]  }
0xf2: {  	[tilespmem:$0x1FF80] =	vst v20  }
0xf3: {  	[tilespmem:$0x1FF90] =	vst v24;
	v1 =	vimm.f32 $+Inf;
	v14 =	vld [tilespmem:s31+$0x800]  }
0xf4: {  	v43 =	vmovc v32;
	v45 =	vmov v34;
	[tilespmem:$0x1FFA0] =	vst v26;
	v35 =	vmov v27;
	v8 =	vmin.f32 v1, v2  }
0xf5: {  	v20 =	vmovc v18;
	v9 =	vmin.f32 v1, v3;
	v10 =	vmin.f32 v1, v4;
	v11 =	vmin.f32 v1, v6  }
0xf6: {  	s30 =	simm.s32 $0x8890;
	v38 =	vmovc v29;
	v15 =	vld [tilespmem:$0x1FFE0];
	v12 =	vmin.f32 v1, v7;
	v13 =	vmin.f32 v1, v13;
	v51 =	vmul.f32 v46, v18  }
0xf7: {  	v29 =	vmovc v22;
	v58 =	vld [tilespmem:s30+$0x0];
	v6 =	vmin.f32 v1, v5;
	v54 =	vmul.f32 v46, v22;
	v55 =	vmul.f32 v46, v27  }
0xf8: {  	v7 =	vmin.f32 v1, v0;
	v59 =	vld [tilespmem:s31+$0x880];
	v1 =	vmul.f32 v14, v31;
	v22 =	vmovc v60;
	v60 =	vmul.f32 v14, v60  }
0xf9: {  	v24 =	vmovc v21;
	v41 =	vmovc v30;
	v4 =	vld [tilespmem:$0x1FFB0];
	v27 =	vmov v61;
	v61 =	vmul.f32 v14, v61;
	v2 =	vmul.f32 v14, v62  }
0xfa: {  	v32 =	vmovc v62;
	v39 =	vmovc v63;
	v30 =	vmov v44;
	v5 =	vld [tilespmem:$0x1FFC0];
	v3 =	vmul.f32 v14, v63;
	v62 =	vmul.f32 v14, v40  }
0xfb: {  	v25 =	vmovc v16;
	v26 =	vmovc v37;
	v42 =	vmov v40;
	v0 =	vmul.f32 v14, v44;
	v63 =	vmul.f32 v14, v23;
	v14 =	vld [tilespmem:$0x1FFD0]  }
0xfc: {  	v52 =	vmul.f32 v46, v21;
	v21 =	vmovc v19;
	v47 =	vadd.f32 v58, v19;
	v48 =	vadd.f32 v58, v37  }
0xfd: {  	v18 =	vmovc v31;
	v31 =	vmovc v36;
	v49 =	vadd.f32 v58, v36;
	v36 =	vmov v33;
	v50 =	vadd.f32 v58, v33  }
0xfe: {  	v40 =	vmovc v17;
	v53 =	vadd.f32 v58, v17;
	v37 =	vmovc v23;
	v19 =	vmov v4;
	v4 =	vmul.f32 v59, v4  }
0xff: {  	v23 =	vmovc v5;
	v5 =	vmul.f32 v59, v5;
	v44 =	vmovc v28;
	v56 =	vadd.f32 v58, v28;
	v33 =	vmov v15  }
0x100: {  	s31 =	simm.s32 $0x20;
	v15 =	vmul.f32 v59, v15;
	v57 =	vadd.f32 v58, v16;
	v28 =	vmovc v14;
	v14 =	vmul.f32 v59, v14  }
.LBB2_5:
0x101: {  	v16 =	vld [tilespmem:$0x1FF60];
	_ =	sdelay $0x2  }
0x102: {  	v17 =	vmul.f32 v59, v41;
	v1 =	vadd.f32 v4, v1;
	v4 =	vadd.f32 v5, v60  }
0x103: {  	v34 =	vld [tilespmem:$0x1FF70];
	v5 =	vmul.f32 v59, v43;
	v2 =	vadd.f32 v15, v2;
	v15 =	vmul.f32 v59, v45  }
0x104: {  	v17 =	vadd.f32 v17, v62;
	v62 =	vld [tilespmem:$0x1FF90];
	v16 =	vmul.f32 v59, v16  }
0x105: {  	v0 =	vadd.f32 v5, v0;
	v5 =	vadd.f32 v15, v63;
	v15 =	vld [tilespmem:$0x1FFA0]  }
0x106: {  	v14 =	vadd.f32 v14, v61;
	v3 =	vadd.f32 v16, v3;
	v16 =	vld [tilespmem:$0x1FF80]  }
0x107: {  	v1 =	vadd.f32 v51, v1;
	v4 =	vadd.f32 v52, v4;
	v63 =	vmul.f32 v46, v38  }
0x108: {  	v14 =	vadd.f32 v54, v14;
	v2 =	vadd.f32 v55, v2  }
0x109: {  	v58 =	vadd.f32 v58, v34;
	v5 =	vadd.f32 v63, v5  }
0x10a: {  	v1 =	vadd.f32 v1, v47;
	v4 =	vadd.f32 v4, v48;
	v15 =	vmul.f32 v46, v15  }
0x10b: {  	v14 =	vadd.f32 v14, v49;
	v59 =	vmul.f32 v46, v62;
	v16 =	vmul.f32 v46, v16  }
0x10c: {  	v2 =	vadd.f32 v2, v50;
	v0 =	vadd.f32 v15, v0  }
0x10d: {  	v3 =	vadd.f32 v16, v3;
	v16 =	vadd.f32 v59, v17  }
0x10e: {  	s28 =	sadd.s32 $0x10, s28;
	v8 =	vmin.f32 v8, v1;
	v5 =	vadd.f32 v5, v58;
	v0 =	vadd.f32 v0, v57  }
0x10f: {  	v9 =	vmin.f32 v9, v4;
	v3 =	vadd.f32 v3, v53;
	v15 =	vadd.f32 v16, v56;
	v16 =	vld [tilespmem:s28+$0x0]  }
0x110: {  	v10 =	vmin.f32 v10, v14;
	v11 =	vmin.f32 v11, v2;
	v1 =	vmin.f32 v1, v4  }
0x111: {  	v2 =	vmin.f32 v14, v2;
	v14 =	vmin.f32 v0, v5;
	v4 =	vmin.f32 v3, v15  }
0x112: {  	v1 =	vmin.f32 v1, v2;
	v2 =	vmin.f32 v4, v14  }
0x113: {  	s29 =	sadd.s32 $0x80, s29;
	v6 =	vmin.f32 v6, v0;
	v0 =	vmin.f32 v1, v2  }
0x114: {  	s0 =	sand.u32 $0x70, s31;
	s1 =	sand.u32 $0x7C00, s29;
	v0 =	vmin.f32 v16, v0  }
0x115: {  	s0 =	sor.u32 s0, s1;
	[tilespmem:s28+$0x0] =	vst v0  }
0x116: {  	s30 =	sadd.s32 $0x10, s30;
	v46 =	vld [tilespmem:s0+$0x900]  }
0x117: {  	v58 =	vld [tilespmem:s30+$0x0]  }
0x118: {  	v4 =	vld [tilespmem:s0+$0x800];
	_ =	sdelay $0x1  }
0x119: {  	v7 =	vmin.f32 v7, v5;
	v12 =	vmin.f32 v12, v3  }
0x11a: {  	v13 =	vmin.f32 v13, v15;
	v51 =	vmul.f32 v46, v20;
	v52 =	vmul.f32 v46, v24  }
0x11b: {  	v59 =	vld [tilespmem:s0+$0x880];
	v47 =	vadd.f32 v58, v21;
	v54 =	vmul.f32 v46, v29;
	v55 =	vmul.f32 v46, v35  }
0x11c: {  	p1 =	sne.s32 s31, $0xFF0;
	v1 =	vmul.f32 v4, v18;
	v60 =	vmul.f32 v4, v22;
	v48 =	vadd.f32 v58, v26  }
.Ltmp3:
0x11d: {  	v61 =	vmul.f32 v4, v27;
	v49 =	vadd.f32 v58, v31;
	v2 =	vmul.f32 v4, v32;
	(pc) =	sbr.rel @p1 .LBB2_5-.Ltmp3, $4  }
0x11e: {  	v50 =	vadd.f32 v58, v36;
	v3 =	vmul.f32 v4, v39;
	v62 =	vmul.f32 v4, v42  }
0x11f: {  	v53 =	vadd.f32 v58, v40;
	v0 =	vmul.f32 v4, v30;
	v63 =	vmul.f32 v4, v37  }
0x120: {  	v4 =	vmul.f32 v59, v19;
	v5 =	vmul.f32 v59, v23;
	v56 =	vadd.f32 v58, v44  }
0x121: {  	s31 =	sadd.s32 $0x10, s31;
	v14 =	vmul.f32 v59, v28;
	v15 =	vmul.f32 v59, v33;
	v57 =	vadd.f32 v58, v25  }
0x122: {  	v16 =	vld [tilespmem:$0x1FF60]  }
0x123: {  	v18 =	vld [tilespmem:$0x1FF70];
	v1 =	vadd.f32 v4, v1;
	v4 =	vadd.f32 v5, v60;
	v5 =	vmul.f32 v59, v43  }
0x124: {  	v19 =	vld [tilespmem:$0x1FFA0];
	v2 =	vadd.f32 v15, v2;
	v15 =	vmul.f32 v59, v45  }
0x125: {  	v17 =	vmul.f32 v59, v41;
	v0 =	vadd.f32 v5, v0;
	v5 =	vld [tilespmem:$0x1FF90]  }
0x126: {  	v20 =	vmul.f32 v46, v38;
	v14 =	vadd.f32 v14, v61;
	v15 =	vadd.f32 v15, v63  }
0x127: {  	v17 =	vadd.f32 v17, v62;
	v1 =	vadd.f32 v51, v1;
	v16 =	vmul.f32 v59, v16  }
0x128: {  	v18 =	vadd.f32 v58, v18;
	v15 =	vadd.f32 v20, v15  }
0x129: {  	v4 =	vadd.f32 v52, v4;
	v19 =	vmul.f32 v46, v19;
	v3 =	vadd.f32 v16, v3;
	v16 =	vld [tilespmem:$0x1FF80]  }
0x12a: {  	v2 =	vadd.f32 v55, v2;
	v5 =	vmul.f32 v46, v5;
	v51 =	vadd.f32 v15, v18;
	v15 =	vld [tilespmem:$0x1FF40]  }
0x12b: {  	v47 =	vadd.f32 v1, v47;
	v0 =	vadd.f32 v19, v0  }
0x12c: {  	v45 =	vadd.f32 v4, v48;
	v5 =	vadd.f32 v5, v17  }
0x12d: {  	v14 =	vadd.f32 v54, v14;
	v44 =	vadd.f32 v0, v57  }
0x12e: {  	v24 =	vadd.f32 v2, v50;
	v0 =	vmin.f32 v47, v45;
	v62 =	vadd.f32 v5, v56;
	v5 =	vld [tilespmem:$0x1FF20]  }
0x12f: {  	v4 =	vmin.f32 v44, v51;
	v16 =	vmul.f32 v46, v16;
	v18 =	vbroadcast v15, $0x8  }
0x130: {  	v46 =	vadd.f32 v14, v49;
	v22 =	vbroadcast v15, $0x9;
	v26 =	vbroadcast v15, $0xA  }
0x131: {  	v31 =	vbroadcast v15, $0xB;
	v20 =	vbroadcast v15, $0xC;
	v3 =	vadd.f32 v16, v3  }
0x132: {  	s0 =	sadd.s32 $0x10, s28;
	v14 =	vld [tilespmem:$0x1FF30];
	v28 =	vbroadcast v15, $0xE;
	v32 =	vbroadcast v15, $0xF;
	v1 =	vmin.f32 v46, v24  }
0x133: {  	v2 =	vld [tilespmem:s0+$0x0];
	v53 =	vadd.f32 v3, v53;
	v30 =	vbroadcast v5, $0x8;
	v21 =	vbroadcast v5, $0x9  }
0x134: {  	v0 =	vmin.f32 v0, v1;
	v25 =	vbroadcast v5, $0xA;
	v52 =	vbroadcast v5, $0xB  }
0x135: {  	v16 =	vld [tilespmem:$0x1FF50];
	v39 =	vbroadcast v5, $0xC;
	v19 =	vbroadcast v5, $0xD;
	v3 =	vmin.f32 v53, v62  }
0x136: {  	v23 =	vbroadcast v5, $0xE;
	v36 =	vbroadcast v5, $0xF;
	v1 =	vmin.f32 v3, v4  }
0x137: {  	s1 =	simm.s32 $0x0;
	v35 =	vbroadcast v14, $0x8;
	v41 =	vbroadcast v14, $0x9;
	v0 =	vmin.f32 v0, v1  }
0x138: {  	s28 =	sand.u32 $0x70, s1;
	s1 =	sand.u32 $0x7C00, s1;
	v59 =	vbroadcast v14, $0xA;
	v60 =	vbroadcast v14, $0xB;
	v0 =	vmin.f32 v2, v0  }
0x139: {  	s1 =	sor.u32 s28, s1;
	v29 =	vbroadcast v14, $0xC;
	v33 =	vbroadcast v14, $0xE;
	[tilespmem:s0+$0x0] =	vst v0  }
0x13a: {  	v34 =	vbroadcast v14, $0xF;
	v37 =	vbroadcast v16, $0x8;
	v0 =	vld [tilespmem:s1+$0x900]  }
0x13b: {  	v40 =	vbroadcast v16, $0x9;
	v38 =	vbroadcast v16, $0xA;
	v1 =	vld [tilespmem:s1+$0x800]  }
0x13c: {  	v54 =	vbroadcast v16, $0xB;
	v42 =	vbroadcast v16, $0xC  }
0x13d: {  	v4 =	vbroadcast v14, $0xD;
	v3 =	vbroadcast v15, $0xD  }
0x13e: {  	v27 =	vbroadcast v16, $0xD;
	v17 =	vbroadcast v16, $0xE;
	v2 =	vld [tilespmem:s1+$0x880]  }
0x13f: {  	s1 =	simm.s32 $0x8880;
	v5 =	vmul.f32 v0, v18;
	v14 =	vmul.f32 v0, v22  }
0x140: {  	v56 =	vld [tilespmem:s1+$0x0];
	v15 =	vmul.f32 v1, v30;
	v43 =	vmul.f32 v1, v21  }
0x141: {  	v48 =	vmul.f32 v1, v25;
	v49 =	vmul.f32 v1, v52  }
0x142: {  	[tilespmem:$0x1FEE0] =	vst v35;
	v50 =	vmul.f32 v1, v39;
	v55 =	vmul.f32 v1, v19  }
0x143: {  	[tilespmem:$0x1FF00] =	vst v59;
	v57 =	vmul.f32 v2, v35;
	v35 =	vmul.f32 v2, v41  }
0x144: {  	[tilespmem:$0x1FF10] =	vst v60;
	v59 =	vmul.f32 v2, v59;
	v60 =	vmul.f32 v2, v60  }
0x145: {  	[tilespmem:$0x1FEF0] =	vst v41;
	v58 =	vmul.f32 v1, v23;
	v41 =	vmul.f32 v2, v4;
	v61 =	vadd.f32 v56, v38  }
0x146: {  	v1 =	vmul.f32 v1, v36;
	v15 =	vadd.f32 v57, v15;
	v43 =	vadd.f32 v35, v43  }
0x147: {  	v57 =	vmul.f32 v2, v29;
	v48 =	vadd.f32 v59, v48;
	v49 =	vadd.f32 v60, v49  }
0x148: {  	v35 =	vmul.f32 v2, v33;
	v2 =	vmul.f32 v2, v34;
	v55 =	vadd.f32 v41, v55  }
0x149: {  	v63 =	vmul.f32 v0, v3;
	v50 =	vadd.f32 v57, v50;
	v57 =	vadd.f32 v56, v37  }
0x14a: {  	v41 =	vmul.f32 v0, v26;
	v58 =	vadd.f32 v35, v58;
	v1 =	vadd.f32 v2, v1  }
0x14b: {  	v60 =	vmul.f32 v0, v31;
	v2 =	vadd.f32 v56, v40;
	v5 =	vadd.f32 v5, v15  }
0x14c: {  	v59 =	vmul.f32 v0, v28;
	v14 =	vadd.f32 v14, v43;
	v48 =	vadd.f32 v41, v48  }
0x14d: {  	v15 =	vmul.f32 v0, v20;
	v49 =	vadd.f32 v60, v49;
	v55 =	vadd.f32 v63, v55  }
0x14e: {  	v0 =	vmul.f32 v0, v32;
	v41 =	vadd.f32 v56, v42;
	v63 =	vadd.f32 v56, v27  }
0x14f: {  	v43 =	vbroadcast v16, $0xF;
	v15 =	vadd.f32 v15, v50;
	v50 =	vadd.f32 v56, v54  }
0x150: {  	v58 =	vadd.f32 v59, v58;
	v0 =	vadd.f32 v0, v1  }
0x151: {  	v1 =	vadd.f32 v56, v17;
	v56 =	vadd.f32 v56, v43  }
0x152: {  	v5 =	vadd.f32 v5, v57;
	v2 =	vadd.f32 v14, v2  }
0x153: {  	v14 =	vadd.f32 v48, v61;
	v48 =	vadd.f32 v49, v50  }
0x154: {  	s28 =	simm.s32 $0x9880;
	[tilespmem:$0x1FE20] =	vst v29;
	v15 =	vadd.f32 v15, v41;
	v49 =	vadd.f32 v55, v63  }
0x155: {  	[tilespmem:$0x1FE40] =	vst v33;
	v35 =	vmov v32;
	v32 =	vld [tilespmem:s28+$0x0];
	v1 =	vadd.f32 v58, v1;
	v0 =	vadd.f32 v0, v56  }
0x156: {  	[tilespmem:$0x1FE50] =	vst v34;
	v33 =	vmov v3;
	v3 =	vmin.f32 v8, v47;
	v41 =	vmin.f32 v5, v2  }
0x157: {  	[tilespmem:$0x1FE30] =	vst v4;
	v60 =	vmin.f32 v14, v48;
	v61 =	vmin.f32 v15, v49;
	v58 =	vmin.f32 v1, v0  }
0x158: {  	[tilespmem:$0x1FE60] =	vst v3;
	v3 =	vmin.f32 v9, v45;
	v55 =	vmin.f32 v41, v60;
	v63 =	vmin.f32 v61, v58  }
0x159: {  	s29 =	simm.s32 $0x80;
	s1 =	simm.s32 $0x10;
	[tilespmem:$0x1FE70] =	vst v3;
	v3 =	vmin.f32 v10, v46;
	v55 =	vmin.f32 v55, v63  }
0x15a: {  	s0 =	sand.u32 $0x70, s1;
	s1 =	sand.u32 $0x7C00, s29;
	[tilespmem:$0x1FE80] =	vst v3;
	v50 =	vmin.f32 v32, v55  }
0x15b: {  	s0 =	sor.u32 s0, s1;
	v3 =	vmin.f32 v11, v24;
	[tilespmem:s28+$0x0] =	vst v50  }
0x15c: {  	v10 =	vimm.f32 $+Inf;
	[tilespmem:$0x1FE90] =	vst v3;
	v3 =	vmin.f32 v12, v53;
	v50 =	vld [tilespmem:s0+$0x900]  }
0x15d: {  	v4 =	vmov v42;
	[tilespmem:$0x1FEA0] =	vst v3;
	v3 =	vmin.f32 v13, v62;
	v9 =	vmin.f32 v10, v14;
	v14 =	vld [tilespmem:$0x1FEF0]  }
0x15e: {  	s30 =	simm.s32 $0x8890;
	v29 =	vmovc v20;
	v34 =	vmovc v28;
	v28 =	vmov v26;
	v20 =	vmov v18;
	[tilespmem:$0x1FEB0] =	vst v3;
	v3 =	vmin.f32 v6, v44;
	v53 =	vld [tilespmem:s0+$0x800]  }
0x15f: {  	v44 =	vmin.f32 v10, v5;
	v11 =	vmin.f32 v10, v2;
	[tilespmem:$0x1FEC0] =	vst v3;
	v3 =	vmin.f32 v7, v51;
	v62 =	vld [tilespmem:s30+$0x0]  }
0x160: {  	v24 =	vmovc v22;
	v8 =	vmin.f32 v10, v48;
	v7 =	vmin.f32 v10, v15;
	v6 =	vmin.f32 v10, v49;
	v63 =	vld [tilespmem:s0+$0x880]  }
0x161: {  	[tilespmem:$0x1FED0] =	vst v3;
	v5 =	vmin.f32 v10, v1;
	v2 =	vmin.f32 v10, v0;
	v57 =	vmul.f32 v50, v18  }
0x162: {  	v41 =	vmovc v23;
	v3 =	vmovc v38;
	v32 =	vmov v31;
	v59 =	vmul.f32 v50, v22;
	v58 =	vmul.f32 v50, v26  }
0x163: {  	v0 =	vld [tilespmem:$0x1FEE0];
	v18 =	vmovc v30;
	v13 =	vmul.f32 v53, v30;
	v22 =	vmovc v21;
	v45 =	vmul.f32 v53, v21;
	v21 =	vmov v37  }
0x164: {  	v15 =	vld [tilespmem:$0x1FF10];
	v51 =	vadd.f32 v62, v37;
	v26 =	vmovc v25;
	v46 =	vmul.f32 v53, v25;
	v47 =	vmul.f32 v53, v52  }
0x165: {  	v30 =	vmovc v52;
	v25 =	vmovc v40;
	v1 =	vmul.f32 v53, v23;
	v23 =	vmov v14;
	v49 =	vmul.f32 v63, v14;
	v14 =	vld [tilespmem:$0x1FF00]  }
0x166: {  	v52 =	vadd.f32 v62, v40;
	v37 =	vmovc v39;
	v48 =	vmul.f32 v53, v39;
	v12 =	vmul.f32 v53, v19  }
0x167: {  	v40 =	vmovc v19;
	v10 =	vmul.f32 v53, v36;
	v53 =	vadd.f32 v62, v38;
	v61 =	vmul.f32 v50, v31  }
0x168: {  	v39 =	vmovc v36;
	v36 =	vmovc v54;
	v55 =	vadd.f32 v62, v54;
	v54 =	vadd.f32 v62, v42;
	v19 =	vmov v0  }
0x169: {  	v0 =	vmul.f32 v63, v0;
	v60 =	vadd.f32 v62, v27;
	v31 =	vmovc v15;
	v15 =	vmul.f32 v63, v15  }
0x16a: {  	s31 =	simm.s32 $0x20;
	v38 =	vmovc v27;
	v42 =	vmovc v17;
	v56 =	vadd.f32 v62, v17;
	v27 =	vmov v14;
	v14 =	vmul.f32 v63, v14  }
.LBB2_7:
0x16b: {  	v0 =	vadd.f32 v0, v13;
	v13 =	vadd.f32 v49, v45;
	v49 =	vld [tilespmem:$0x1FE40];
	_ =	sdelay $0x2  }
0x16c: {  	v16 =	vld [tilespmem:$0x1FE20]  }
0x16d: {  	v17 =	vld [tilespmem:$0x1FE30]  }
0x16e: {  	v62 =	vadd.f32 v62, v43;
	v14 =	vadd.f32 v14, v46;
	v45 =	vmul.f32 v63, v49;
	v49 =	vld [tilespmem:$0x1FE50]  }
0x16f: {  	v15 =	vadd.f32 v15, v47;
	v0 =	vadd.f32 v57, v0  }
0x170: {  	v13 =	vadd.f32 v59, v13;
	v59 =	vmul.f32 v50, v34;
	v14 =	vadd.f32 v58, v14  }
0x171: {  	v15 =	vadd.f32 v61, v15;
	v16 =	vmul.f32 v63, v16;
	v0 =	vadd.f32 v0, v51  }
0x172: {  	v17 =	vmul.f32 v63, v17;
	v13 =	vadd.f32 v13, v52;
	v14 =	vadd.f32 v14, v53  }
0x173: {  	v15 =	vadd.f32 v15, v55;
	v16 =	vadd.f32 v16, v48;
	v46 =	vmul.f32 v63, v49  }
0x174: {  	v12 =	vadd.f32 v17, v12;
	v17 =	vmul.f32 v50, v33;
	v1 =	vadd.f32 v45, v1  }
0x175: {  	v49 =	vmul.f32 v50, v29;
	v63 =	vmul.f32 v50, v35;
	v10 =	vadd.f32 v46, v10  }
0x176: {  	v12 =	vadd.f32 v17, v12;
	v1 =	vadd.f32 v59, v1  }
0x177: {  	v16 =	vadd.f32 v49, v16;
	v10 =	vadd.f32 v63, v10  }
0x178: {  	s28 =	sadd.s32 $0x10, s28;
	v44 =	vmin.f32 v44, v0;
	v12 =	vadd.f32 v12, v60;
	v1 =	vadd.f32 v1, v56  }
0x179: {  	v11 =	vmin.f32 v11, v13;
	v17 =	vld [tilespmem:s28+$0x0];
	v16 =	vadd.f32 v16, v54;
	v10 =	vadd.f32 v10, v62  }
0x17a: {  	v9 =	vmin.f32 v9, v14;
	v8 =	vmin.f32 v8, v15;
	v0 =	vmin.f32 v0, v13  }
0x17b: {  	v13 =	vmin.f32 v14, v15;
	v14 =	vmin.f32 v16, v12;
	v15 =	vmin.f32 v1, v10  }
0x17c: {  	v0 =	vmin.f32 v0, v13;
	v13 =	vmin.f32 v14, v15  }
0x17d: {  	s29 =	sadd.s32 $0x80, s29;
	v0 =	vmin.f32 v0, v13  }
0x17e: {  	s0 =	sand.u32 $0x70, s31;
	s1 =	sand.u32 $0x7C00, s29;
	v0 =	vmin.f32 v17, v0  }
0x17f: {  	s0 =	sor.u32 s0, s1;
	[tilespmem:s28+$0x0] =	vst v0  }
0x180: {  	s30 =	sadd.s32 $0x10, s30;
	v50 =	vld [tilespmem:s0+$0x900]  }
0x181: {  	v62 =	vld [tilespmem:s30+$0x0]  }
0x182: {  	v0 =	vld [tilespmem:s0+$0x800];
	_ =	sdelay $0x1  }
0x183: {  	v6 =	vmin.f32 v6, v12;
	v5 =	vmin.f32 v5, v1;
	v7 =	vmin.f32 v7, v16  }
0x184: {  	v2 =	vmin.f32 v2, v10;
	v57 =	vmul.f32 v50, v20;
	v59 =	vmul.f32 v50, v24  }
0x185: {  	v63 =	vld [tilespmem:s0+$0x880];
	v51 =	vadd.f32 v62, v21;
	v58 =	vmul.f32 v50, v28;
	v61 =	vmul.f32 v50, v32  }
0x186: {  	p1 =	sne.s32 s31, $0xFF0;
	v13 =	vmul.f32 v0, v18;
	v45 =	vmul.f32 v0, v22;
	v52 =	vadd.f32 v62, v25  }
.Ltmp4:
0x187: {  	v46 =	vmul.f32 v0, v26;
	v53 =	vadd.f32 v62, v3;
	v47 =	vmul.f32 v0, v30;
	(pc) =	sbr.rel @p1 .LBB2_7-.Ltmp4, $4  }
0x188: {  	v55 =	vadd.f32 v62, v36;
	v48 =	vmul.f32 v0, v37;
	v12 =	vmul.f32 v0, v40  }
0x189: {  	v54 =	vadd.f32 v62, v4;
	v1 =	vmul.f32 v0, v41;
	v10 =	vmul.f32 v0, v39  }
0x18a: {  	v0 =	vmul.f32 v63, v19;
	v49 =	vmul.f32 v63, v23;
	v60 =	vadd.f32 v62, v38  }
0x18b: {  	s31 =	sadd.s32 $0x10, s31;
	v14 =	vmul.f32 v63, v27;
	v15 =	vmul.f32 v63, v31;
	v56 =	vadd.f32 v62, v42  }
0x18c: {  	v3 =	vld [tilespmem:$0x1FE20]  }
0x18d: {  	v38 =	vld [tilespmem:$0x1FE30]  }
0x18e: {  	v40 =	vld [tilespmem:$0x1FE40]  }
0x18f: {  	v41 =	vld [tilespmem:$0x1FE50]  }
0x190: {  	v18 =	vadd.f32 v62, v43;
	v0 =	vadd.f32 v0, v13;
	v43 =	vld [tilespmem:$0x1FE60]  }
0x191: {  	v39 =	vadd.f32 v49, v45;
	v15 =	vadd.f32 v15, v47;
	v47 =	vld [tilespmem:$0x1FE70];
	v16 =	vmul.f32 v63, v3  }
0x192: {  	v20 =	vmul.f32 v50, v29;
	v42 =	vmul.f32 v50, v33;
	v49 =	vld [tilespmem:$0x1FE80];
	v14 =	vadd.f32 v14, v46  }
0x193: {  	v46 =	vmul.f32 v50, v34;
	v16 =	vadd.f32 v16, v48;
	v48 =	vmul.f32 v50, v35;
	v50 =	vld [tilespmem:$0x1FE90]  }
0x194: {  	v0 =	vadd.f32 v57, v0;
	v57 =	vld [tilespmem:$0x1FEA0]  }
0x195: {  	v45 =	vadd.f32 v59, v39;
	v59 =	vld [tilespmem:$0x1FEB0];
	(xrf0) =	vmin.scan.msk.f32 $0xffff, v43  }
0x196: {  	v14 =	vadd.f32 v58, v14;
	(xrf0) =	vmin.scan.msk.f32 $0xffff, v47;
	v16 =	vadd.f32 v20, v16;
	v20 =	vld [tilespmem:$0x1FEC0]  }
0x197: {  	v23 =	vld [tilespmem:$0x1FED0];
	v15 =	vadd.f32 v61, v15;
	v0 =	vadd.f32 v0, v51;
	(xrf0) =	vmin.scan.msk.f32 $0xffff, v49  }
0x198: {  	v58 =	vadd.f32 v45, v52;
	v17 =	vmul.f32 v63, v38;
	v19 =	vmul.f32 v63, v40;
	(xrf0) =	vmin.scan.msk.f32 $0xffff, v50  }
0x199: {  	v4 =	vmul.f32 v63, v41;
	v61 =	vadd.f32 v14, v53;
	v62 =	vadd.f32 v15, v55;
	(xrf0) =	vmin.scan.msk.f32 $0xffff, v57  }
0x19a: {  	v21 =	vmin.f32 v44, v0;
	v12 =	vadd.f32 v17, v12;
	v1 =	vadd.f32 v19, v1;
	(xrf0) =	vmin.scan.msk.f32 $0xffff, v59  }
0x19b: {  	v11 =	vmin.f32 v11, v58;
	v4 =	vadd.f32 v4, v10;
	v9 =	vmin.f32 v9, v61;
	v63, _, _ =	vpop (xrf0);
	(xrf0) =	vmin.scan.msk.f32 $0xffff, v20  }
0x19c: {  	v8 =	vmin.f32 v8, v62;
	v12 =	vadd.f32 v42, v12;
	v1 =	vadd.f32 v46, v1;
	v22, _, _ =	vpop (xrf0);
	(xrf0) =	vmin.scan.msk.f32 $0xffff, v23  }
0x19d: {  	v3 =	vadd.f32 v48, v4;
	v14 =	vbroadcast v63, $0xF;
	v24, _, _ =	vpop (xrf0);
	v25 =	vbroadcast v22, $0xF;
	(xrf0) =	vmin.scan.msk.f32 $0xffff, v21  }
0x19e: {  	v16 =	vadd.f32 v16, v54;
	v12 =	vadd.f32 v12, v60;
	v27 =	vbroadcast v24, $0xF;
	v26, _, _ =	vpop (xrf0);
	(xrf0) =	vmin.scan.msk.f32 $0xffff, v11  }
0x19f: {  	v1 =	vadd.f32 v1, v56;
	v29 =	vsel vm0, v14, v25;
	v28, _, _ =	vpop (xrf0);
	(xrf0) =	vmin.scan.msk.f32 $0xffff, v9;
	v30 =	vbroadcast v26, $0xF  }
0x1a0: {  	v7 =	vmin.f32 v7, v16;
	v32 =	vsel vm1, v29, v27;
	v31, _, _ =	vpop (xrf0);
	(xrf0) =	vmin.scan.msk.f32 $0xffff, v8;
	v33 =	vbroadcast v28, $0xF  }
0x1a1: {  	v6 =	vmin.f32 v6, v12;
	v34, _, _ =	vpop (xrf0);
	(xrf0) =	vmin.scan.msk.f32 $0xffff, v7;
	v35 =	vsel vm2, v32, v30;
	v36 =	vbroadcast v31, $0xF  }
0x1a2: {  	v5 =	vmin.f32 v5, v1;
	v37, _, _ =	vpop (xrf0);
	(xrf0) =	vmin.scan.msk.f32 $0xffff, v6;
	v38 =	vsel vm3, v35, v33;
	v39 =	vbroadcast v34, $0xF  }
0x1a3: {  	v3 =	vadd.f32 v3, v18;
	v40, _, _ =	vpop (xrf0);
	(xrf0) =	vmin.scan.msk.f32 $0xffff, v5;
	v41 =	vsel vm4, v38, v36;
	v42 =	vbroadcast v37, $0xF  }
0x1a4: {  	v0 =	vmin.f32 v0, v58;
	v43, _, _ =	vpop (xrf0);
	v44 =	vsel vm5, v41, v39;
	v45 =	vbroadcast v40, $0xF  }
0x1a5: {  	v2 =	vmin.f32 v2, v3;
	v46, _, _ =	vpop (xrf0);
	v4 =	vsel vm6, v44, v42;
	v47 =	vbroadcast v43, $0xF  }
0x1a6: {  	s0 =	sadd.s32 $0x10, s28;
	v48 =	vmin.f32 v61, v62;
	(xrf0) =	vmin.scan.msk.f32 $0xffff, v2;
	v49, _, _ =	vpop (xrf0);
	v50 =	vsel vm7, v4, v45;
	v51 =	vbroadcast v46, $0xF  }
0x1a7: {  	v53 =	vld [tilespmem:s0+$0x0];
	v0 =	vmin.f32 v0, v48;
	v52, _, _ =	vpop (xrf0);
	v2 =	vsel vm8, v50, v47;
	v55 =	vbroadcast v49, $0xF  }
0x1a8: {  	s25 =	sadd.s32 $0x1, s25;
	v54 =	vmin.f32 v16, v12;
	v56, _, _ =	vpop (xrf0);
	v2 =	vsel vm9, v2, v51;
	v57 =	vbroadcast v52, $0xF  }
0x1a9: {  	p1 =	sne.s32 s25, $0x4;
	v1 =	vmin.f32 v1, v3;
	v58, _, _ =	vpop (xrf0);
	v2 =	vsel vm10, v2, v55;
	v59 =	vbroadcast v56, $0xF  }
.Ltmp5:
0x1aa: {  	v1 =	vmin.f32 v54, v1;
	v2 =	vsel vm11, v2, v57;
	v60 =	vbroadcast v58, $0xF;
	(pc) =	sbr.rel @p1 .LBB2_4-.Ltmp5, $4  }
0x1ab: {  	v0 =	vmin.f32 v0, v1;
	v61 =	vsel vm12, v2, v59  }
0x1ac: {  	v0 =	vmin.f32 v53, v0;
	v62, _, _ =	vpop (xrf0);
	v1 =	vsel vm13, v61, v60  }
0x1ad: {  	[tilespmem:s0+$0x0] =	vst v0;
	v63 =	vsel vm14, v1, v62  }
0x1ae: {  	[tilespmem:s26+$0xA880] =	vst v63  }
0x1af: {  	v0 =	vld [tilespmem:$0xA880]  }
0x1b0: {  	v1 =	vld [tilespmem:$0xA890]  }
0x1b1: {  	v4 =	vld [tilespmem:$0xA8A0]  }
0x1b2: {  	v6 =	vld [tilespmem:$0xA8B0];
	_ =	sdelay $0x2  }
0x1b3: {  	v0 =	vmax.f32 v0, $1.000000000e-30  }
0x1b4: {  	v1 =	vmax.f32 v1, $1.000000000e-30;
	v2 =	vshra.s32 v0, $0x1;
	v3 =	vmul.f32 $5.000000000e-01, v0  }
0x1b5: {  	v4 =	vmax.f32 v4, $1.000000000e-30;
	v6 =	vmax.f32 v6, $1.000000000e-30;
	v2 =	vsub.s32 $0x5F3759DF, v2  }
0x1b6: {  	v7 =	vshra.s32 v1, $0x1;
	v8 =	vmul.f32 $5.000000000e-01, v1;
	v5 =	vmul.f32 v2, v3  }
0x1b7: {  	v10 =	vshra.s32 v4, $0x1;
	v11 =	vmul.f32 $5.000000000e-01, v4;
	v7 =	vsub.s32 $0x5F3759DF, v7  }
0x1b8: {  	v10 =	vsub.s32 $0x5F3759DF, v10;
	v9 =	vmul.f32 v7, v8;
	v5 =	vmul.f32 v2, v5  }
0x1b9: {  	v13 =	vshra.s32 v6, $0x1;
	v14 =	vmul.f32 $5.000000000e-01, v6;
	v12 =	vmul.f32 v10, v11  }
0x1ba: {  	v41 =	vsub.s32 $0x5F3759DF, v13;
	v9 =	vmul.f32 v7, v9;
	v5 =	vsub.f32 $1.500000000e+00, v5  }
0x1bb: {  	v13 =	vmul.f32 v41, v14;
	v12 =	vmul.f32 v10, v12  }
0x1bc: {  	v40 =	vsub.f32 $1.500000000e+00, v9;
	v2 =	vmul.f32 v2, v5  }
0x1bd: {  	v43 =	vmul.f32 v41, v13;
	v42 =	vsub.f32 $1.500000000e+00, v12  }
0x1be: {  	v5 =	vmul.f32 v7, v40;
	v15 =	vmul.f32 v2, v3  }
0x1bf: {  	v46 =	vsub.f32 $1.500000000e+00, v43;
	v7 =	vmul.f32 v10, v42  }
0x1c0: {  	v45 =	vmul.f32 v5, v8;
	v44 =	vmul.f32 v15, v2  }
0x1c1: {  	v9 =	vmul.f32 v41, v46;
	v49 =	vmul.f32 v7, v11  }
0x1c2: {  	v48 =	vmul.f32 v45, v5;
	v47 =	vsub.f32 $1.500000000e+00, v44  }
0x1c3: {  	v51 =	vmul.f32 v9, v14;
	v10 =	vmul.f32 v49, v7  }
0x1c4: {  	v50 =	vsub.f32 $1.500000000e+00, v48;
	v2 =	vmul.f32 v47, v2  }
0x1c5: {  	v52 =	vmul.f32 v51, v9;
	v10 =	vsub.f32 $1.500000000e+00, v10  }
0x1c6: {  	v5 =	vmul.f32 v50, v5;
	v3 =	vmul.f32 v2, v3  }
0x1c7: {  	v53 =	vsub.f32 $1.500000000e+00, v52;
	v7 =	vmul.f32 v10, v7  }
0x1c8: {  	v8 =	vmul.f32 v5, v8;
	v3 =	vmul.f32 v3, v2  }
0x1c9: {  	v9 =	vmul.f32 v53, v9  }
0x1ca: {  	v54 =	vmul.f32 v7, v11;
	v8 =	vmul.f32 v8, v5;
	v3 =	vsub.f32 $1.500000000e+00, v3  }
0x1cb: {  	v57 =	vmul.f32 v9, v14  }
0x1cc: {  	v56 =	vmul.f32 v54, v7;
	v55 =	vsub.f32 $1.500000000e+00, v8;
	v2 =	vmul.f32 v3, v2  }
0x1cd: {  	v59 =	vmul.f32 v57, v9  }
0x1ce: {  	v58 =	vsub.f32 $1.500000000e+00, v56;
	v3 =	vmul.f32 v55, v5;
	v0 =	vmul.f32 v2, v0  }
0x1cf: {  	v60 =	vsub.f32 $1.500000000e+00, v59  }
0x1d0: {  	v1 =	vmul.f32 v3, v1;
	v2 =	vmul.f32 v58, v7;
	v0 =	vadd.f32 $0.0e+00, v0;
	_ =	sdelay $0x1  }
0x1d1: {  	v62 =	vmul.f32 v60, v9;
	v61 =	vmul.f32 v2, v4;
	v0 =	vadd.f32 v1, v0;
	_ =	sdelay $0x1  }
0x1d2: {  	v63 =	vmul.f32 v62, v6;
	v0 =	vadd.f32 v61, v0;
	_ =	sdelay $0x1  }
0x1d3: {  	v0 =	vadd.f32 v63, v0;
	_ =	sdelay $0x1  }
0x1d4: {  	[tilespmem:$0xE900] =	vst v0  }
0x1d5: {  	[hbm4b:s6+s2] =	stream.linear.scatter [tilespmem:s19], [sflag:$0x1], $0x80, $0x38;
	[tilespmem:$0xF980] =	vst v63  }
0x1d6: {  	_ =	swait.ge [sflag:s18], $0x80  }
0x1d7: {  	[sflag:s18] =	ssyncset.done $0x0  }
0x1d8: {  	[sflag:s18] =	ssyncadd.s32 $0xFFFFFF80  }
0x1d9: {  	[spmem:s7] =	stream.strided.scatter [tilespmem:s22], [sflag:$0x1], $0x1000, s21, s20, $0x38;
	[tilespmem:$0xF980] =	vst v63  }
.Ltmp6:
0x1da: {  	_ =	swait.ge [sflag:s18], $0x1000;
	(pc) =	sbr.rel @p0 .LBB2_13-.Ltmp6, $3  }
0x1db: {  	[sflag:s18] =	ssyncset.done $0x0  }
0x1dc: {  	[sflag:s18] =	ssyncadd.s32 $0xFFFFF000  }
0x1dd: {  	[bflag:$0x0] =	sbarrier.arrive $0xFFFF;
	_ =	sdelay $0x1  }
0x1de: {  	s0 =	simm.s32 $0xA900;
	s25 =	sld [smem:$0x7E7]  }
0x1df: {  	[tilespmem:s0], [sflag:$0x1] =	stream.linear.gather [spmem:s7], $0x80, $0x38;
	[tilespmem:$0xF980] =	vst v63  }
0x1e0: {  	s1 =	simm.s32 $0xAB00;
	s26 =	sld [smem:$0x7E8]  }
0x1e1: {  	[tilespmem:s1], [sflag:$0x1] =	stream.linear.gather [spmem:s25], $0x80, $0x38;
	[tilespmem:$0xF980] =	vst v63  }
0x1e2: {  	s29 =	simm.s32 $0xAD00;
	s30 =	sld [smem:$0x7E9]  }
0x1e3: {  	[tilespmem:s29], [sflag:$0x1] =	stream.linear.gather [spmem:s26], $0x80, $0x38;
	[tilespmem:$0xF980] =	vst v63  }
0x1e4: {  	s31 =	simm.s32 $0xAF00;
	s24 =	sld [smem:$0x7EA]  }
0x1e5: {  	[tilespmem:s31], [sflag:$0x1] =	stream.linear.gather [spmem:s30], $0x80, $0x38;
	[tilespmem:$0xF980] =	vst v63  }
0x1e6: {  	s25 =	simm.s32 $0xB100;
	s26 =	sld [smem:$0x7EB]  }
0x1e7: {  	[tilespmem:s25], [sflag:$0x1] =	stream.linear.gather [spmem:s24], $0x80, $0x38;
	[tilespmem:$0xF980] =	vst v63  }
0x1e8: {  	s29 =	simm.s32 $0xB300;
	s30 =	sld [smem:$0x7EC]  }
0x1e9: {  	[tilespmem:s29], [sflag:$0x1] =	stream.linear.gather [spmem:s26], $0x80, $0x38;
	[tilespmem:$0xF980] =	vst v63  }
0x1ea: {  	s31 =	simm.s32 $0xB500;
	s24 =	sld [smem:$0x7ED]  }
0x1eb: {  	[tilespmem:s31], [sflag:$0x1] =	stream.linear.gather [spmem:s30], $0x80, $0x38;
	[tilespmem:$0xF980] =	vst v63  }
0x1ec: {  	s25 =	simm.s32 $0xB700;
	s26 =	sld [smem:$0x7EE]  }
0x1ed: {  	[tilespmem:s25], [sflag:$0x1] =	stream.linear.gather [spmem:s24], $0x80, $0x38;
	[tilespmem:$0xF980] =	vst v63  }
0x1ee: {  	s29 =	simm.s32 $0xB900;
	s30 =	sld [smem:$0x7EF]  }
0x1ef: {  	[tilespmem:s29], [sflag:$0x1] =	stream.linear.gather [spmem:s26], $0x80, $0x38;
	[tilespmem:$0xF980] =	vst v63  }
0x1f0: {  	s31 =	simm.s32 $0xBB00;
	s24 =	sld [smem:$0x7F0]  }
0x1f1: {  	[tilespmem:s31], [sflag:$0x1] =	stream.linear.gather [spmem:s30], $0x80, $0x38;
	[tilespmem:$0xF980] =	vst v63  }
0x1f2: {  	s25 =	simm.s32 $0xBD00;
	s26 =	sld [smem:$0x7F1]  }
0x1f3: {  	[tilespmem:s25], [sflag:$0x1] =	stream.linear.gather [spmem:s24], $0x80, $0x38;
	[tilespmem:$0xF980] =	vst v63  }
0x1f4: {  	s29 =	simm.s32 $0xBF00;
	s30 =	sld [smem:$0x7F2]  }
0x1f5: {  	[tilespmem:s29], [sflag:$0x1] =	stream.linear.gather [spmem:s26], $0x80, $0x38;
	[tilespmem:$0xF980] =	vst v63  }
0x1f6: {  	s31 =	simm.s32 $0xC100;
	s24 =	sld [smem:$0x7F3]  }
0x1f7: {  	[tilespmem:s31], [sflag:$0x1] =	stream.linear.gather [spmem:s30], $0x80, $0x38;
	[tilespmem:$0xF980] =	vst v63  }
0x1f8: {  	s25 =	simm.s32 $0xC300;
	s26 =	sld [smem:$0x7F4]  }
0x1f9: {  	[tilespmem:s25], [sflag:$0x1] =	stream.linear.gather [spmem:s24], $0x80, $0x38;
	[tilespmem:$0xF980] =	vst v63  }
0x1fa: {  	s29 =	simm.s32 $0xC500;
	s30 =	sld [smem:$0x7F5]  }
0x1fb: {  	[tilespmem:s29], [sflag:$0x1] =	stream.linear.gather [spmem:s26], $0x80, $0x38;
	[tilespmem:$0xF980] =	vst v63  }
0x1fc: {  	s31 =	simm.s32 $0xC700;
	s24 =	sld [smem:$0x7F6]  }
0x1fd: {  	[tilespmem:s31], [sflag:$0x1] =	stream.linear.gather [spmem:s30], $0x80, $0x38;
	[tilespmem:$0xF980] =	vst v63  }
0x1fe: {  	s25 =	simm.s32 $0xC900;
	s26 =	sld [smem:$0x7F7]  }
0x1ff: {  	[tilespmem:s25], [sflag:$0x1] =	stream.linear.gather [spmem:s24], $0x80, $0x38;
	[tilespmem:$0xF980] =	vst v63  }
0x200: {  	s29 =	simm.s32 $0xCB00;
	s30 =	sld [smem:$0x7F8]  }
0x201: {  	[tilespmem:s29], [sflag:$0x1] =	stream.linear.gather [spmem:s26], $0x80, $0x38;
	[tilespmem:$0xF980] =	vst v63  }
0x202: {  	s31 =	simm.s32 $0xCD00;
	s24 =	sld [smem:$0x7F9]  }
0x203: {  	[tilespmem:s31], [sflag:$0x1] =	stream.linear.gather [spmem:s30], $0x80, $0x38;
	[tilespmem:$0xF980] =	vst v63  }
0x204: {  	s25 =	simm.s32 $0xCF00;
	s26 =	sld [smem:$0x7FA]  }
0x205: {  	[tilespmem:s25], [sflag:$0x1] =	stream.linear.gather [spmem:s24], $0x80, $0x38;
	[tilespmem:$0xF980] =	vst v63  }
0x206: {  	s29 =	simm.s32 $0xD100;
	s30 =	sld [smem:$0x7FB]  }
0x207: {  	[tilespmem:s29], [sflag:$0x1] =	stream.linear.gather [spmem:s26], $0x80, $0x38;
	[tilespmem:$0xF980] =	vst v63  }
0x208: {  	s1 =	sld [smem:$0x7FC];
	s31 =	simm.s32 $0xD300  }
0x209: {  	[tilespmem:s31], [sflag:$0x1] =	stream.linear.gather [spmem:s30], $0x80, $0x38;
	[tilespmem:$0xF980] =	vst v63  }
0x20a: {  	s24 =	simm.s32 $0xD500;
	s25 =	sld [smem:$0x7FD]  }
0x20b: {  	[tilespmem:s24], [sflag:$0x1] =	stream.linear.gather [spmem:s1], $0x80, $0x38;
	[tilespmem:$0xF980] =	vst v63  }
0x20c: {  	s26 =	simm.s32 $0xD700  }
0x20d: {  	[tilespmem:s26], [sflag:$0x1] =	stream.linear.gather [spmem:s25], $0x80, $0x38;
	[tilespmem:$0xF980] =	vst v63  }
0x20e: {  	s29 =	simm.s32 $0xD900  }
0x20f: {  	[tilespmem:s29], [sflag:$0x1] =	stream.linear.gather [spmem:s8], $0x80, $0x38;
	[tilespmem:$0xF980] =	vst v63  }
0x210: {  	s30 =	simm.s32 $0xDB00  }
0x211: {  	[tilespmem:s30], [sflag:$0x1] =	stream.linear.gather [spmem:s9], $0x80, $0x38;
	[tilespmem:$0xF980] =	vst v63  }
0x212: {  	s31 =	simm.s32 $0xDD00  }
0x213: {  	[tilespmem:s31], [sflag:$0x1] =	stream.linear.gather [spmem:s10], $0x80, $0x38;
	[tilespmem:$0xF980] =	vst v63  }
0x214: {  	s1 =	simm.s32 $0xDF00  }
0x215: {  	[tilespmem:s1], [sflag:$0x1] =	stream.linear.gather [spmem:s11], $0x80, $0x38;
	[tilespmem:$0xF980] =	vst v63  }
0x216: {  	s24 =	simm.s32 $0xE100  }
0x217: {  	[tilespmem:s24], [sflag:$0x1] =	stream.linear.gather [spmem:s13], $0x80, $0x38;
	[tilespmem:$0xF980] =	vst v63  }
0x218: {  	s25 =	simm.s32 $0xE300  }
0x219: {  	[tilespmem:s25], [sflag:$0x1] =	stream.linear.gather [spmem:s14], $0x80, $0x38;
	[tilespmem:$0xF980] =	vst v63  }
0x21a: {  	s26 =	simm.s32 $0xE500  }
0x21b: {  	[tilespmem:s26], [sflag:$0x1] =	stream.linear.gather [spmem:s15], $0x80, $0x38;
	[tilespmem:$0xF980] =	vst v63  }
0x21c: {  	s29 =	simm.s32 $0xE700  }
0x21d: {  	[tilespmem:s29], [sflag:$0x1] =	stream.linear.gather [spmem:s16], $0x80, $0x38;
	[tilespmem:$0xF980] =	vst v63  }
0x21e: {  	_ =	swait.ge [sflag:s18], $0x1000  }
0x21f: {  	[sflag:s18] =	ssyncset.done $0x0;
	s30 =	rddreg [dreg:$0x3]  }
0x220: {  	s31 =	simm.s32 $0xA980;
	s24 =	rddreg [dreg:$0x7];
	[sflag:s18] =	ssyncadd.s32 $0xFFFFF000  }
0x221: {  	[tilespmem:s31], [sflag:$0x1] =	stream.linear.gather [spmem:s30], $0x80, $0x38;
	[tilespmem:$0xF980] =	vst v63  }
0x222: {  	s25 =	simm.s32 $0xAB80;
	s26 =	rddreg [dreg:$0x8]  }
0x223: {  	[tilespmem:s25], [sflag:$0x1] =	stream.linear.gather [spmem:s24], $0x80, $0x38;
	[tilespmem:$0xF980] =	vst v63  }
0x224: {  	s29 =	simm.s32 $0xAD80;
	s30 =	rddreg [dreg:$0x9]  }
0x225: {  	[tilespmem:s29], [sflag:$0x1] =	stream.linear.gather [spmem:s26], $0x80, $0x38;
	[tilespmem:$0xF980] =	vst v63  }
0x226: {  	s31 =	simm.s32 $0xAF80;
	s24 =	rddreg [dreg:$0xa]  }
0x227: {  	[tilespmem:s31], [sflag:$0x1] =	stream.linear.gather [spmem:s30], $0x80, $0x38;
	[tilespmem:$0xF980] =	vst v63  }
0x228: {  	s25 =	simm.s32 $0xB180;
	s26 =	rddreg [dreg:$0xb]  }
0x229: {  	[tilespmem:s25], [sflag:$0x1] =	stream.linear.gather [spmem:s24], $0x80, $0x38;
	[tilespmem:$0xF980] =	vst v63  }
0x22a: {  	s29 =	simm.s32 $0xB380;
	s30 =	rddreg [dreg:$0xc]  }
0x22b: {  	[tilespmem:s29], [sflag:$0x1] =	stream.linear.gather [spmem:s26], $0x80, $0x38;
	[tilespmem:$0xF980] =	vst v63  }
0x22c: {  	s31 =	simm.s32 $0xB580;
	s24 =	rddreg [dreg:$0xd]  }
0x22d: {  	[tilespmem:s31], [sflag:$0x1] =	stream.linear.gather [spmem:s30], $0x80, $0x38;
	[tilespmem:$0xF980] =	vst v63  }
0x22e: {  	s25 =	simm.s32 $0xB780;
	s26 =	rddreg [dreg:$0xe]  }
0x22f: {  	[tilespmem:s25], [sflag:$0x1] =	stream.linear.gather [spmem:s24], $0x80, $0x38;
	[tilespmem:$0xF980] =	vst v63  }
0x230: {  	s29 =	simm.s32 $0xB980;
	s30 =	rddreg [dreg:$0xf]  }
0x231: {  	[tilespmem:s29], [sflag:$0x1] =	stream.linear.gather [spmem:s26], $0x80, $0x38;
	[tilespmem:$0xF980] =	vst v63  }
0x232: {  	s31 =	simm.s32 $0xBB80;
	s24 =	rddreg [dreg:$0x10]  }
0x233: {  	[tilespmem:s31], [sflag:$0x1] =	stream.linear.gather [spmem:s30], $0x80, $0x38;
	[tilespmem:$0xF980] =	vst v63  }
0x234: {  	s25 =	simm.s32 $0xBD80;
	s26 =	rddreg [dreg:$0x11]  }
0x235: {  	[tilespmem:s25], [sflag:$0x1] =	stream.linear.gather [spmem:s24], $0x80, $0x38;
	[tilespmem:$0xF980] =	vst v63  }
0x236: {  	s29 =	simm.s32 $0xBF80;
	s30 =	rddreg [dreg:$0x12]  }
0x237: {  	[tilespmem:s29], [sflag:$0x1] =	stream.linear.gather [spmem:s26], $0x80, $0x38;
	[tilespmem:$0xF980] =	vst v63  }
0x238: {  	s31 =	simm.s32 $0xC180;
	s24 =	rddreg [dreg:$0x13]  }
0x239: {  	[tilespmem:s31], [sflag:$0x1] =	stream.linear.gather [spmem:s30], $0x80, $0x38;
	[tilespmem:$0xF980] =	vst v63  }
0x23a: {  	s25 =	simm.s32 $0xC380;
	s26 =	rddreg [dreg:$0x14]  }
0x23b: {  	[tilespmem:s25], [sflag:$0x1] =	stream.linear.gather [spmem:s24], $0x80, $0x38;
	[tilespmem:$0xF980] =	vst v63  }
0x23c: {  	s29 =	simm.s32 $0xC580;
	s30 =	rddreg [dreg:$0x15]  }
0x23d: {  	[tilespmem:s29], [sflag:$0x1] =	stream.linear.gather [spmem:s26], $0x80, $0x38;
	[tilespmem:$0xF980] =	vst v63  }
0x23e: {  	s31 =	simm.s32 $0xC780;
	s24 =	rddreg [dreg:$0x16]  }
0x23f: {  	[tilespmem:s31], [sflag:$0x1] =	stream.linear.gather [spmem:s30], $0x80, $0x38;
	[tilespmem:$0xF980] =	vst v63  }
0x240: {  	s25 =	simm.s32 $0xC980;
	s26 =	rddreg [dreg:$0x17]  }
0x241: {  	[tilespmem:s25], [sflag:$0x1] =	stream.linear.gather [spmem:s24], $0x80, $0x38;
	[tilespmem:$0xF980] =	vst v63  }
0x242: {  	s29 =	simm.s32 $0xCB80;
	s30 =	rddreg [dreg:$0x18]  }
0x243: {  	[tilespmem:s29], [sflag:$0x1] =	stream.linear.gather [spmem:s26], $0x80, $0x38;
	[tilespmem:$0xF980] =	vst v63  }
0x244: {  	s31 =	simm.s32 $0xCD80;
	s24 =	rddreg [dreg:$0x19]  }
0x245: {  	[tilespmem:s31], [sflag:$0x1] =	stream.linear.gather [spmem:s30], $0x80, $0x38;
	[tilespmem:$0xF980] =	vst v63  }
0x246: {  	s25 =	simm.s32 $0xCF80;
	s26 =	rddreg [dreg:$0x1a]  }
0x247: {  	[tilespmem:s25], [sflag:$0x1] =	stream.linear.gather [spmem:s24], $0x80, $0x38;
	[tilespmem:$0xF980] =	vst v63  }
0x248: {  	s29 =	simm.s32 $0xD180;
	s30 =	rddreg [dreg:$0x1b]  }
0x249: {  	[tilespmem:s29], [sflag:$0x1] =	stream.linear.gather [spmem:s26], $0x80, $0x38;
	[tilespmem:$0xF980] =	vst v63  }
0x24a: {  	s31 =	simm.s32 $0xD380;
	s24 =	rddreg [dreg:$0x1c]  }
0x24b: {  	[tilespmem:s31], [sflag:$0x1] =	stream.linear.gather [spmem:s30], $0x80, $0x38;
	[tilespmem:$0xF980] =	vst v63  }
0x24c: {  	s25 =	simm.s32 $0xD580;
	s26 =	rddreg [dreg:$0x1d]  }
0x24d: {  	[tilespmem:s25], [sflag:$0x1] =	stream.linear.gather [spmem:s24], $0x80, $0x38;
	[tilespmem:$0xF980] =	vst v63  }
0x24e: {  	s29 =	simm.s32 $0xD780;
	s30 =	rddreg [dreg:$0x1e]  }
0x24f: {  	[tilespmem:s29], [sflag:$0x1] =	stream.linear.gather [spmem:s26], $0x80, $0x38;
	[tilespmem:$0xF980] =	vst v63  }
0x250: {  	s31 =	simm.s32 $0xD980;
	s24 =	rddreg [dreg:$0x1f]  }
0x251: {  	[tilespmem:s31], [sflag:$0x1] =	stream.linear.gather [spmem:s30], $0x80, $0x38;
	[tilespmem:$0xF980] =	vst v63  }
0x252: {  	s25 =	simm.s32 $0xDB80;
	s26 =	sld [smem:$0x7A3]  }
0x253: {  	[tilespmem:s25], [sflag:$0x1] =	stream.linear.gather [spmem:s24], $0x80, $0x38;
	[tilespmem:$0xF980] =	vst v63  }
0x254: {  	s29 =	simm.s32 $0xDD80;
	s30 =	sld [smem:$0x7A4]  }
0x255: {  	[tilespmem:s29], [sflag:$0x1] =	stream.linear.gather [spmem:s26], $0x80, $0x38;
	[tilespmem:$0xF980] =	vst v63  }
0x256: {  	s31 =	simm.s32 $0xDF80;
	s24 =	sld [smem:$0x7A5]  }
0x257: {  	[tilespmem:s31], [sflag:$0x1] =	stream.linear.gather [spmem:s30], $0x80, $0x38;
	[tilespmem:$0xF980] =	vst v63  }
0x258: {  	s25 =	simm.s32 $0xE180;
	s26 =	sld [smem:$0x7A6]  }
0x259: {  	[tilespmem:s25], [sflag:$0x1] =	stream.linear.gather [spmem:s24], $0x80, $0x38;
	[tilespmem:$0xF980] =	vst v63  }
0x25a: {  	s29 =	simm.s32 $0xE380;
	s30 =	sld [smem:$0x7A7]  }
0x25b: {  	[tilespmem:s29], [sflag:$0x1] =	stream.linear.gather [spmem:s26], $0x80, $0x38;
	[tilespmem:$0xF980] =	vst v63  }
0x25c: {  	s31 =	simm.s32 $0xE580;
	s24 =	sld [smem:$0x7A8]  }
0x25d: {  	[tilespmem:s31], [sflag:$0x1] =	stream.linear.gather [spmem:s30], $0x80, $0x38;
	[tilespmem:$0xF980] =	vst v63  }
0x25e: {  	s25 =	simm.s32 $0xE780  }
0x25f: {  	[tilespmem:s25], [sflag:$0x1] =	stream.linear.gather [spmem:s24], $0x80, $0x38;
	[tilespmem:$0xF980] =	vst v63  }
0x260: {  	_ =	swait.ge [sflag:s18], $0x1000  }
0x261: {  	[sflag:s18] =	ssyncset.done $0x0;
	s26 =	rddreg [dreg:$0x4]  }
0x262: {  	s29 =	simm.s32 $0xAA00;
	s30 =	sld [smem:$0x7A9];
	[sflag:s18] =	ssyncadd.s32 $0xFFFFF000  }
0x263: {  	[tilespmem:s29], [sflag:$0x1] =	stream.linear.gather [spmem:s26], $0x80, $0x38;
	[tilespmem:$0xF980] =	vst v63  }
0x264: {  	s31 =	simm.s32 $0xAC00;
	s24 =	sld [smem:$0x7AA]  }
0x265: {  	[tilespmem:s31], [sflag:$0x1] =	stream.linear.gather [spmem:s30], $0x80, $0x38;
	[tilespmem:$0xF980] =	vst v63  }
0x266: {  	s25 =	simm.s32 $0xAE00;
	s26 =	sld [smem:$0x7AB]  }
0x267: {  	[tilespmem:s25], [sflag:$0x1] =	stream.linear.gather [spmem:s24], $0x80, $0x38;
	[tilespmem:$0xF980] =	vst v63  }
0x268: {  	s29 =	simm.s32 $0xB000;
	s30 =	sld [smem:$0x7AC]  }
0x269: {  	[tilespmem:s29], [sflag:$0x1] =	stream.linear.gather [spmem:s26], $0x80, $0x38;
	[tilespmem:$0xF980] =	vst v63  }
0x26a: {  	s31 =	simm.s32 $0xB200;
	s24 =	sld [smem:$0x7AD]  }
0x26b: {  	[tilespmem:s31], [sflag:$0x1] =	stream.linear.gather [spmem:s30], $0x80, $0x38;
	[tilespmem:$0xF980] =	vst v63  }
0x26c: {  	s25 =	simm.s32 $0xB400;
	s26 =	sld [smem:$0x7AE]  }
0x26d: {  	[tilespmem:s25], [sflag:$0x1] =	stream.linear.gather [spmem:s24], $0x80, $0x38;
	[tilespmem:$0xF980] =	vst v63  }
0x26e: {  	s29 =	simm.s32 $0xB600;
	s30 =	sld [smem:$0x7AF]  }
0x26f: {  	[tilespmem:s29], [sflag:$0x1] =	stream.linear.gather [spmem:s26], $0x80, $0x38;
	[tilespmem:$0xF980] =	vst v63  }
0x270: {  	s31 =	simm.s32 $0xB800;
	s24 =	sld [smem:$0x7B0]  }
0x271: {  	[tilespmem:s31], [sflag:$0x1] =	stream.linear.gather [spmem:s30], $0x80, $0x38;
	[tilespmem:$0xF980] =	vst v63  }
0x272: {  	s25 =	simm.s32 $0xBA00;
	s26 =	sld [smem:$0x7B1]  }
0x273: {  	[tilespmem:s25], [sflag:$0x1] =	stream.linear.gather [spmem:s24], $0x80, $0x38;
	[tilespmem:$0xF980] =	vst v63  }
0x274: {  	s29 =	simm.s32 $0xBC00;
	s30 =	sld [smem:$0x7B2]  }
0x275: {  	[tilespmem:s29], [sflag:$0x1] =	stream.linear.gather [spmem:s26], $0x80, $0x38;
	[tilespmem:$0xF980] =	vst v63  }
0x276: {  	s31 =	simm.s32 $0xBE00;
	s24 =	sld [smem:$0x7B3]  }
0x277: {  	[tilespmem:s31], [sflag:$0x1] =	stream.linear.gather [spmem:s30], $0x80, $0x38;
	[tilespmem:$0xF980] =	vst v63  }
0x278: {  	s25 =	simm.s32 $0xC000;
	s26 =	sld [smem:$0x7B4]  }
0x279: {  	[tilespmem:s25], [sflag:$0x1] =	stream.linear.gather [spmem:s24], $0x80, $0x38;
	[tilespmem:$0xF980] =	vst v63  }
0x27a: {  	s29 =	simm.s32 $0xC200;
	s30 =	sld [smem:$0x7B5]  }
0x27b: {  	[tilespmem:s29], [sflag:$0x1] =	stream.linear.gather [spmem:s26], $0x80, $0x38;
	[tilespmem:$0xF980] =	vst v63  }
0x27c: {  	s31 =	simm.s32 $0xC400;
	s24 =	sld [smem:$0x7B6]  }
0x27d: {  	[tilespmem:s31], [sflag:$0x1] =	stream.linear.gather [spmem:s30], $0x80, $0x38;
	[tilespmem:$0xF980] =	vst v63  }
0x27e: {  	s25 =	simm.s32 $0xC600;
	s26 =	sld [smem:$0x7B7]  }
0x27f: {  	[tilespmem:s25], [sflag:$0x1] =	stream.linear.gather [spmem:s24], $0x80, $0x38;
	[tilespmem:$0xF980] =	vst v63  }
0x280: {  	s29 =	simm.s32 $0xC800;
	s30 =	sld [smem:$0x7B8]  }
0x281: {  	[tilespmem:s29], [sflag:$0x1] =	stream.linear.gather [spmem:s26], $0x80, $0x38;
	[tilespmem:$0xF980] =	vst v63  }
0x282: {  	s31 =	simm.s32 $0xCA00;
	s24 =	sld [smem:$0x7B9]  }
0x283: {  	[tilespmem:s31], [sflag:$0x1] =	stream.linear.gather [spmem:s30], $0x80, $0x38;
	[tilespmem:$0xF980] =	vst v63  }
0x284: {  	s25 =	simm.s32 $0xCC00;
	s26 =	sld [smem:$0x7BA]  }
0x285: {  	[tilespmem:s25], [sflag:$0x1] =	stream.linear.gather [spmem:s24], $0x80, $0x38;
	[tilespmem:$0xF980] =	vst v63  }
0x286: {  	s29 =	simm.s32 $0xCE00;
	s30 =	sld [smem:$0x7BB]  }
0x287: {  	[tilespmem:s29], [sflag:$0x1] =	stream.linear.gather [spmem:s26], $0x80, $0x38;
	[tilespmem:$0xF980] =	vst v63  }
0x288: {  	s31 =	simm.s32 $0xD000;
	s24 =	sld [smem:$0x7BC]  }
0x289: {  	[tilespmem:s31], [sflag:$0x1] =	stream.linear.gather [spmem:s30], $0x80, $0x38;
	[tilespmem:$0xF980] =	vst v63  }
0x28a: {  	s25 =	simm.s32 $0xD200;
	s26 =	sld [smem:$0x7BD]  }
0x28b: {  	[tilespmem:s25], [sflag:$0x1] =	stream.linear.gather [spmem:s24], $0x80, $0x38;
	[tilespmem:$0xF980] =	vst v63  }
0x28c: {  	s29 =	simm.s32 $0xD400;
	s30 =	sld [smem:$0x7BE]  }
0x28d: {  	[tilespmem:s29], [sflag:$0x1] =	stream.linear.gather [spmem:s26], $0x80, $0x38;
	[tilespmem:$0xF980] =	vst v63  }
0x28e: {  	s31 =	simm.s32 $0xD600;
	s24 =	sld [smem:$0x7BF]  }
0x28f: {  	[tilespmem:s31], [sflag:$0x1] =	stream.linear.gather [spmem:s30], $0x80, $0x38;
	[tilespmem:$0xF980] =	vst v63  }
0x290: {  	s25 =	simm.s32 $0xD800;
	s26 =	sld [smem:$0x7C0]  }
0x291: {  	[tilespmem:s25], [sflag:$0x1] =	stream.linear.gather [spmem:s24], $0x80, $0x38;
	[tilespmem:$0xF980] =	vst v63  }
0x292: {  	s29 =	simm.s32 $0xDA00;
	s30 =	sld [smem:$0x7C1]  }
0x293: {  	[tilespmem:s29], [sflag:$0x1] =	stream.linear.gather [spmem:s26], $0x80, $0x38;
	[tilespmem:$0xF980] =	vst v63  }
0x294: {  	s31 =	simm.s32 $0xDC00;
	s24 =	sld [smem:$0x7C2]  }
0x295: {  	[tilespmem:s31], [sflag:$0x1] =	stream.linear.gather [spmem:s30], $0x80, $0x38;
	[tilespmem:$0xF980] =	vst v63  }
0x296: {  	s25 =	simm.s32 $0xDE00;
	s26 =	sld [smem:$0x7C3]  }
0x297: {  	[tilespmem:s25], [sflag:$0x1] =	stream.linear.gather [spmem:s24], $0x80, $0x38;
	[tilespmem:$0xF980] =	vst v63  }
0x298: {  	s29 =	simm.s32 $0xE000;
	s30 =	sld [smem:$0x7C4]  }
0x299: {  	[tilespmem:s29], [sflag:$0x1] =	stream.linear.gather [spmem:s26], $0x80, $0x38;
	[tilespmem:$0xF980] =	vst v63  }
0x29a: {  	s31 =	simm.s32 $0xE200;
	s24 =	sld [smem:$0x7C5]  }
0x29b: {  	[tilespmem:s31], [sflag:$0x1] =	stream.linear.gather [spmem:s30], $0x80, $0x38;
	[tilespmem:$0xF980] =	vst v63  }
0x29c: {  	s25 =	simm.s32 $0xE400;
	s26 =	sld [smem:$0x7C6]  }
0x29d: {  	[tilespmem:s25], [sflag:$0x1] =	stream.linear.gather [spmem:s24], $0x80, $0x38;
	[tilespmem:$0xF980] =	vst v63  }
0x29e: {  	s29 =	simm.s32 $0xE600;
	s30 =	sld [smem:$0x7C7]  }
0x29f: {  	[tilespmem:s29], [sflag:$0x1] =	stream.linear.gather [spmem:s26], $0x80, $0x38;
	[tilespmem:$0xF980] =	vst v63  }
0x2a0: {  	s31 =	simm.s32 $0xE800  }
0x2a1: {  	[tilespmem:s31], [sflag:$0x1] =	stream.linear.gather [spmem:s30], $0x80, $0x38;
	[tilespmem:$0xF980] =	vst v63  }
0x2a2: {  	_ =	swait.ge [sflag:s18], $0x1000  }
0x2a3: {  	[sflag:s18] =	ssyncset.done $0x0;
	s24 =	rddreg [dreg:$0x5]  }
0x2a4: {  	s25 =	simm.s32 $0xAA80;
	s26 =	sld [smem:$0x7C8];
	[sflag:s18] =	ssyncadd.s32 $0xFFFFF000  }
0x2a5: {  	[tilespmem:s25], [sflag:$0x1] =	stream.linear.gather [spmem:s24], $0x80, $0x38;
	[tilespmem:$0xF980] =	vst v63  }
0x2a6: {  	s29 =	simm.s32 $0xAC80;
	s30 =	sld [smem:$0x7C9]  }
0x2a7: {  	[tilespmem:s29], [sflag:$0x1] =	stream.linear.gather [spmem:s26], $0x80, $0x38;
	[tilespmem:$0xF980] =	vst v63  }
0x2a8: {  	s31 =	simm.s32 $0xAE80;
	s24 =	sld [smem:$0x7CA]  }
0x2a9: {  	[tilespmem:s31], [sflag:$0x1] =	stream.linear.gather [spmem:s30], $0x80, $0x38;
	[tilespmem:$0xF980] =	vst v63  }
0x2aa: {  	s25 =	simm.s32 $0xB080;
	s26 =	sld [smem:$0x7CB]  }
0x2ab: {  	[tilespmem:s25], [sflag:$0x1] =	stream.linear.gather [spmem:s24], $0x80, $0x38;
	[tilespmem:$0xF980] =	vst v63  }
0x2ac: {  	s29 =	simm.s32 $0xB280;
	s30 =	sld [smem:$0x7CC]  }
0x2ad: {  	[tilespmem:s29], [sflag:$0x1] =	stream.linear.gather [spmem:s26], $0x80, $0x38;
	[tilespmem:$0xF980] =	vst v63  }
0x2ae: {  	s31 =	simm.s32 $0xB480;
	s24 =	sld [smem:$0x7CD]  }
0x2af: {  	[tilespmem:s31], [sflag:$0x1] =	stream.linear.gather [spmem:s30], $0x80, $0x38;
	[tilespmem:$0xF980] =	vst v63  }
0x2b0: {  	s25 =	simm.s32 $0xB680;
	s26 =	sld [smem:$0x7CE]  }
0x2b1: {  	[tilespmem:s25], [sflag:$0x1] =	stream.linear.gather [spmem:s24], $0x80, $0x38;
	[tilespmem:$0xF980] =	vst v63  }
0x2b2: {  	s29 =	simm.s32 $0xB880;
	s30 =	sld [smem:$0x7CF]  }
0x2b3: {  	[tilespmem:s29], [sflag:$0x1] =	stream.linear.gather [spmem:s26], $0x80, $0x38;
	[tilespmem:$0xF980] =	vst v63  }
0x2b4: {  	s31 =	simm.s32 $0xBA80;
	s24 =	sld [smem:$0x7D0]  }
0x2b5: {  	[tilespmem:s31], [sflag:$0x1] =	stream.linear.gather [spmem:s30], $0x80, $0x38;
	[tilespmem:$0xF980] =	vst v63  }
0x2b6: {  	s25 =	simm.s32 $0xBC80;
	s26 =	sld [smem:$0x7D1]  }
0x2b7: {  	[tilespmem:s25], [sflag:$0x1] =	stream.linear.gather [spmem:s24], $0x80, $0x38;
	[tilespmem:$0xF980] =	vst v63  }
0x2b8: {  	s29 =	simm.s32 $0xBE80;
	s30 =	sld [smem:$0x7D2]  }
0x2b9: {  	[tilespmem:s29], [sflag:$0x1] =	stream.linear.gather [spmem:s26], $0x80, $0x38;
	[tilespmem:$0xF980] =	vst v63  }
0x2ba: {  	s31 =	simm.s32 $0xC080;
	s24 =	sld [smem:$0x7D3]  }
0x2bb: {  	[tilespmem:s31], [sflag:$0x1] =	stream.linear.gather [spmem:s30], $0x80, $0x38;
	[tilespmem:$0xF980] =	vst v63  }
0x2bc: {  	s25 =	simm.s32 $0xC280;
	s26 =	sld [smem:$0x7D4]  }
0x2bd: {  	[tilespmem:s25], [sflag:$0x1] =	stream.linear.gather [spmem:s24], $0x80, $0x38;
	[tilespmem:$0xF980] =	vst v63  }
0x2be: {  	s29 =	simm.s32 $0xC480;
	s30 =	sld [smem:$0x7D5]  }
0x2bf: {  	[tilespmem:s29], [sflag:$0x1] =	stream.linear.gather [spmem:s26], $0x80, $0x38;
	[tilespmem:$0xF980] =	vst v63  }
0x2c0: {  	s31 =	simm.s32 $0xC680;
	s24 =	sld [smem:$0x7D6]  }
0x2c1: {  	[tilespmem:s31], [sflag:$0x1] =	stream.linear.gather [spmem:s30], $0x80, $0x38;
	[tilespmem:$0xF980] =	vst v63  }
0x2c2: {  	s25 =	simm.s32 $0xC880;
	s26 =	sld [smem:$0x7D7]  }
0x2c3: {  	[tilespmem:s25], [sflag:$0x1] =	stream.linear.gather [spmem:s24], $0x80, $0x38;
	[tilespmem:$0xF980] =	vst v63  }
0x2c4: {  	s29 =	simm.s32 $0xCA80;
	s30 =	sld [smem:$0x7D8]  }
0x2c5: {  	[tilespmem:s29], [sflag:$0x1] =	stream.linear.gather [spmem:s26], $0x80, $0x38;
	[tilespmem:$0xF980] =	vst v63  }
0x2c6: {  	s31 =	simm.s32 $0xCC80;
	s24 =	sld [smem:$0x7D9]  }
0x2c7: {  	[tilespmem:s31], [sflag:$0x1] =	stream.linear.gather [spmem:s30], $0x80, $0x38;
	[tilespmem:$0xF980] =	vst v63  }
0x2c8: {  	s25 =	simm.s32 $0xCE80;
	s26 =	sld [smem:$0x7DA]  }
0x2c9: {  	[tilespmem:s25], [sflag:$0x1] =	stream.linear.gather [spmem:s24], $0x80, $0x38;
	[tilespmem:$0xF980] =	vst v63  }
0x2ca: {  	s29 =	simm.s32 $0xD080;
	s30 =	sld [smem:$0x7DB]  }
0x2cb: {  	[tilespmem:s29], [sflag:$0x1] =	stream.linear.gather [spmem:s26], $0x80, $0x38;
	[tilespmem:$0xF980] =	vst v63  }
0x2cc: {  	s31 =	simm.s32 $0xD280;
	s24 =	sld [smem:$0x7DC]  }
0x2cd: {  	[tilespmem:s31], [sflag:$0x1] =	stream.linear.gather [spmem:s30], $0x80, $0x38;
	[tilespmem:$0xF980] =	vst v63  }
0x2ce: {  	s25 =	simm.s32 $0xD480;
	s26 =	sld [smem:$0x7DD]  }
0x2cf: {  	[tilespmem:s25], [sflag:$0x1] =	stream.linear.gather [spmem:s24], $0x80, $0x38;
	[tilespmem:$0xF980] =	vst v63  }
0x2d0: {  	s29 =	simm.s32 $0xD680;
	s30 =	sld [smem:$0x7DE]  }
0x2d1: {  	[tilespmem:s29], [sflag:$0x1] =	stream.linear.gather [spmem:s26], $0x80, $0x38;
	[tilespmem:$0xF980] =	vst v63  }
0x2d2: {  	s31 =	simm.s32 $0xD880;
	s24 =	sld [smem:$0x7DF]  }
0x2d3: {  	[tilespmem:s31], [sflag:$0x1] =	stream.linear.gather [spmem:s30], $0x80, $0x38;
	[tilespmem:$0xF980] =	vst v63  }
0x2d4: {  	s25 =	simm.s32 $0xDA80;
	s26 =	sld [smem:$0x7E0]  }
0x2d5: {  	[tilespmem:s25], [sflag:$0x1] =	stream.linear.gather [spmem:s24], $0x80, $0x38;
	[tilespmem:$0xF980] =	vst v63  }
0x2d6: {  	s29 =	simm.s32 $0xDC80;
	s30 =	sld [smem:$0x7E1]  }
0x2d7: {  	[tilespmem:s29], [sflag:$0x1] =	stream.linear.gather [spmem:s26], $0x80, $0x38;
	[tilespmem:$0xF980] =	vst v63  }
0x2d8: {  	s31 =	simm.s32 $0xDE80;
	s24 =	sld [smem:$0x7E2]  }
0x2d9: {  	[tilespmem:s31], [sflag:$0x1] =	stream.linear.gather [spmem:s30], $0x80, $0x38;
	[tilespmem:$0xF980] =	vst v63  }
0x2da: {  	s25 =	simm.s32 $0xE080;
	s26 =	sld [smem:$0x7E3]  }
0x2db: {  	[tilespmem:s25], [sflag:$0x1] =	stream.linear.gather [spmem:s24], $0x80, $0x38;
	[tilespmem:$0xF980] =	vst v63  }
0x2dc: {  	s29 =	simm.s32 $0xE280;
	s30 =	sld [smem:$0x7E4]  }
0x2dd: {  	[tilespmem:s29], [sflag:$0x1] =	stream.linear.gather [spmem:s26], $0x80, $0x38;
	[tilespmem:$0xF980] =	vst v63  }
0x2de: {  	s31 =	simm.s32 $0xE480;
	s24 =	sld [smem:$0x7E5]  }
0x2df: {  	[tilespmem:s31], [sflag:$0x1] =	stream.linear.gather [spmem:s30], $0x80, $0x38;
	[tilespmem:$0xF980] =	vst v63  }
0x2e0: {  	s25 =	simm.s32 $0xE680;
	s26 =	sld [smem:$0x7E6]  }
0x2e1: {  	[tilespmem:s25], [sflag:$0x1] =	stream.linear.gather [spmem:s24], $0x80, $0x38;
	[tilespmem:$0xF980] =	vst v63  }
0x2e2: {  	s29 =	simm.s32 $0xE880  }
0x2e3: {  	[tilespmem:s29], [sflag:$0x1] =	stream.linear.gather [spmem:s26], $0x80, $0x38;
	[tilespmem:$0xF980] =	vst v63  }
0x2e4: {  	s24 =	simm.s32 $0x0;
	_ =	swait.ge [sflag:s18], $0x1000  }
0x2e5: {  	s30 =	sand.u32 $0x70, s24;
	s31 =	sand.u32 $0x3E00, s24;
	[sflag:s18] =	ssyncset.done $0x0  }
0x2e6: {  	s28 =	sor.u32 s30, s31;
	[sflag:s18] =	ssyncadd.s32 $0xFFFFF000  }
0x2e7: {  	v0 =	vld [tilespmem:s28+$0xA980]  }
0x2e8: {  	s25 =	simm.s32 $0x0;
	s26 =	simm.s32 $0x10;
	v1 =	vld [tilespmem:s28+$0xA900]  }
.LBB2_11:
0x2e9: {  	p1 =	sne.s32 s26, $0xFF0;
	v2 =	vld [tilespmem:s28+$0xAA00]  }
0x2ea: {  	v3 =	vld [tilespmem:s28+$0xAA80];
	_ =	sdelay $0x4  }
.Ltmp7:
0x2eb: {  	s24 =	sadd.s32 $0x40, s24;
	v0 =	vmin.f32 v1, v0;
	v1 =	vmin.f32 v2, v3;
	(pc) =	sbr.rel @p1 .LBB2_11-.Ltmp7, $4  }
0x2ec: {  	s0 =	sand.u32 $0x70, s26;
	s25 =	sshra.s32 s25, $0x2;
	s1 =	sand.u32 $0x3E00, s24;
	v0 =	vmin.f32 v0, v1  }
0x2ed: {  	s28 =	sor.u32 s0, s1;
	[tilespmem:s25+$0x9880] =	vst v0;
	s25 =	smov.u32 s24  }
0x2ee: {  	v0 =	vld [tilespmem:s28+$0xA980]  }
0x2ef: {  	s26 =	sadd.s32 $0x10, s26;
	v1 =	vld [tilespmem:s28+$0xA900]  }
0x2f0: {  	v2 =	vld [tilespmem:s28+$0xAA00]  }
0x2f1: {  	v3 =	vld [tilespmem:s28+$0xAA80];
	_ =	sdelay $0x4  }
0x2f2: {  	v0 =	vmin.f32 v1, v0;
	v63 =	vmin.f32 v2, v3  }
0x2f3: {  	s0 =	sshra.s32 s25, $0x2;
	v0 =	vmin.f32 v0, v63  }
.Ltmp8:
0x2f4: {  	s31 =	rddreg [dreg:$0x6];
	[tilespmem:s0+$0x9880] =	vst v0;
	(pc) =	sbr.rel .LBB2_13-.Ltmp8, $4  }
0x2f5: {  	[hbm4b:s31+s20] =	stream.strided.scatter [tilespmem:s22], [sflag:$0x1], $0x1000, s21, s20, $0x38;
	[tilespmem:$0xF980] =	vst v63  }
0x2f6: {  	_ =	swait.ge [sflag:s18], $0x1000  }
0x2f7: {  	[sflag:s18] =	ssyncset.done $0x0  }
0x2f8: {  	[sflag:s18] =	ssyncadd.s32 $0xFFFFF000  }
.LBB2_14:
0x2f9: {  	_ =	sfence.sel $0x180000  }
0x2fa: {  	[bflag:$0x0] =	sbarrier.arrive $0xFFFF  }
0x2fb: {  	_ =	strace $0x90000047  }
0x2fc: {  	s0 =	stileid.u32;
	[bflag:$0x2] =	sbarrier.arrive $0xFFFF  }
0x2fd: {  	p0 =	sne.s32 s0, $0x0;
	s0 =	rddreg [dreg:$0x2]  }
0x2fe: {  	s0 =	sadd.s32 @!p0 $0x100000, s0  }
0x2ff: {  	[sflag:s0] =	ssyncadd.tile.s32 @!p0 $0x1;
	_ =	shalt  }
.Lfunc_end2:
_tile_overlayer_lowered:
.L_overlay_start_2:
0x300: {  	(tag) =	ssettag $0x2  }
0x301: {  	s0 =	rddreg [dreg:$0x0];
	s2 =	stileid.u32  }
0x302: {  	s1 =	rddreg [dreg:$0x1];
	p0 =	sne.s32 s2, $0x0  }
0x303: {  	s3 =	rddreg [dreg:$0x2];
	[bflag:$0x3] =	sbarrier.arrive $0xFFFF;
	s2 =	simm.s32 @!p0 $0x1C01  }
0x304: {  	[timem:s3], [sflag:s2] =	dma.local @!p0 [hbm:s0], s1  }
0x305: {  	s0 =	simm.s32 @!p0 $0x1  }
0x306: {  	_ =	swait.ge @!p0 [sflag:s0], s1  }
0x307: {  	s1 =	ssub.s32 @!p0 $0x0, s1;
	[sflag:s0] =	ssyncset.done @!p0 $0x0  }
0x308: {  	[sflag:s0] =	ssyncadd.s32 @!p0 s1  }
0x309: {  	[bflag:$0x3] =	sbarrier.arrive $0xFFFF  }
0x30a: {  	_ =	shalt  }

</sc_bundles>
